<compile_context>
chip_gen: v7x
topology: tpu7x:2x2x1
jax: 0.10.2.dev20260603
libtpu: 0.0.44.dev20260713+nightly
codegen_flags: <defaults>
</compile_context>

<pallas_src>
import functools

import jax
import jax.numpy as jnp
from jax import lax
from jax.experimental import pallas as pl
from jax.experimental.pallas import tpu as pltpu
from jax.experimental.pallas import tpu_sc as plsc

_BS = 8
_NB = 64
_LANES = 16
_NTILES = 32
_CHUNKS_PER_TILE = 3
_NCHUNKS = _NTILES * _CHUNKS_PER_TILE
_PIECE = 32768


def _tc_body(x_ref, bd_ref, mags_ref, mx_out_ref, mx_ref):
    i = pl.program_id(0)
    n = pl.num_programs(0)
    t = x_ref[0, 0]
    bd = bd_ref[...]
    y = jnp.dot(t, bd, preferred_element_type=jnp.float32)
    d = jnp.dot(bd, y, preferred_element_type=jnp.float32)
    mag = jnp.abs(d)
    row = lax.broadcasted_iota(jnp.int32, mag.shape, 0)
    col = lax.broadcasted_iota(jnp.int32, mag.shape, 1)
    isdc = ((row & (_BS - 1)) == 0) & ((col & (_BS - 1)) == 0)
    mclean = jnp.where(isdc, 0.0, mag)
    mags_ref[...] = mclean.reshape(mags_ref.shape)

    @pl.when(i == 0)
    def _():
        mx_ref[0] = 0.0

    mx_ref[0] = jnp.maximum(mx_ref[0], jnp.max(mclean))

    @pl.when(i == n - 1)
    def _():
        mx_out_ref[0] = mx_ref[0]


def _sc_hist_body(mags_hbm, maxv_hbm, out_hbm, buf0, buf1, maxbuf, hist,
                  stage, sem0, sem1):
    nc = 2
    wid = lax.axis_index("s") * nc + lax.axis_index("c")
    lane = lax.iota(jnp.int32, _LANES)
    ones = jnp.ones((_LANES,), jnp.float32)
    zeros = jnp.zeros((_LANES,), jnp.float32)
    dccount = jnp.where(lane == 0, 2048.0, 0.0)

    pltpu.sync_copy(maxv_hbm, maxbuf)
    scale16 = float(_NB * _LANES) / (maxbuf[...] * 1.1)

    chunk_elems = mags_hbm.shape[0] // _NCHUNKS
    npieces = chunk_elems // _PIECE
    nq = _CHUNKS_PER_TILE * npieces
    bufs, sems = (buf0, buf1), (sem0, sem1)

    def _start(q):
        chunk = wid * _CHUNKS_PER_TILE + q // npieces
        off = chunk * chunk_elems + (q % npieces) * _PIECE
        return pltpu.async_copy(
            mags_hbm.at[pl.ds(off, _PIECE)], bufs[q % 2], sems[q % 2]
        )

    handles = {0: _start(0)}
    for q in range(nq):
        if q + 1 < nq:
            handles[q + 1] = _start(q + 1)

        if q % npieces == 0:
            def _zero(b, carry):
                hist[pl.ds(b * _LANES, _LANES)] = zeros
                return carry
            lax.fori_loop(0, _NB, _zero, 0)

        handles.pop(q).wait()
        buf = bufs[q % 2]

        @plsc.parallel_loop(0, _PIECE // _LANES, unroll=8)
        def _vec(k):
            v = buf[pl.ds(k * _LANES, _LANES)]
            idx = ((v * scale16).astype(jnp.int32) & ~(_LANES - 1)) + lane
            plsc.addupdate_scatter(hist, [idx], ones)

        if q % npieces == npieces - 1:
            chunk = wid * _CHUNKS_PER_TILE + q // npieces
            for g in range(_NB // _LANES):
                gs = [plsc.load_gather(
                          hist, [lane * _LANES + (g * _LANES * _LANES + l)])
                      for l in range(_LANES)]
                while len(gs) > 1:
                    gs = [a + b for a, b in zip(gs[::2], gs[1::2])]
                if g == 0:
                    gs[0] = gs[0] - dccount
                stage[pl.ds(g * _LANES, _LANES)] = gs[0]
            pltpu.sync_copy(stage, out_hbm.at[pl.ds(chunk * _NB, _NB)])


def kernel(x, dct_basis):
    B, C, H, W = x.shape
    bc = B * C
    bd = jnp.kron(jnp.eye(H // _BS, dtype=jnp.float32), dct_basis)

    mags, mx = pl.pallas_call(
        _tc_body,
        grid=(bc,),
        in_specs=[
            pl.BlockSpec((1, 1, H, W), lambda i: (i // C, i % C, 0, 0)),
            pl.BlockSpec((H, W), lambda i: (0, 0)),
        ],
        out_specs=[
            pl.BlockSpec((H * W,), lambda i: (i,)),
            pl.BlockSpec(memory_space=pltpu.SMEM),
        ],
        out_shape=[
            jax.ShapeDtypeStruct((bc * H * W,), jnp.float32),
            jax.ShapeDtypeStruct((1,), jnp.float32),
        ],
        scratch_shapes=[pltpu.SMEM((1,), jnp.float32)],
    )(x, bd)

    maxv16 = jnp.broadcast_to(mx, (_LANES,))
    mags_flat = mags

    mesh = plsc.VectorSubcoreMesh(core_axis_name="c", subcore_axis_name="s")
    partials = pl.kernel(
        _sc_hist_body,
        out_type=jax.ShapeDtypeStruct((_NCHUNKS * _NB,), jnp.float32),
        mesh=mesh,
        compiler_params=pltpu.CompilerParams(needs_layout_passes=False),
        scratch_types=[
            pltpu.VMEM((_PIECE,), jnp.float32),
            pltpu.VMEM((_PIECE,), jnp.float32),
            pltpu.VMEM((_LANES,), jnp.float32),
            pltpu.VMEM((_NB * _LANES,), jnp.float32),
            pltpu.VMEM((_NB,), jnp.float32),
            pltpu.SemaphoreType.DMA,
            pltpu.SemaphoreType.DMA,
        ],
    )(mags_flat, maxv16)

    hist = partials.reshape(bc, 2, _NB).sum(axis=1) / (H * W)
    return hist.reshape(B, C * _NB)

# --- scband reference (transcript-rebuilt; emitter-appended) ---
"""Pipeline reference for scband-dctprocessor-53867479826579 (READ-ONLY COPY).

The authoritative reference and input builder live on the scoring server;
editing this copy changes nothing except your own understanding.
"""

import jax, jax.numpy as jnp
import numpy as np

BLOCK_SIZE = 8
NUM_BINS = 64


def make_dct_basis(size):
    basis = np.zeros((size, size), dtype=np.float32)
    for i in range(size):
        for j in range(size):
            scale = np.sqrt(1.0 / size) if i == 0 else np.sqrt(2.0 / size)
            basis[i, j] = scale * np.cos(np.pi * i * (2 * j + 1) / (2 * size))
    return jnp.asarray(basis)


def setup_inputs(seed: int = 0) -> dict:
    key = jax.random.key(seed)
    x = jax.random.normal(key, (16, 3, 512, 512), dtype=jnp.float32)
    dct_basis = make_dct_basis(BLOCK_SIZE)
    return {"x": x, "dct_basis": dct_basis}


def reference(x, dct_basis):
    bs = BLOCK_SIZE
    nb = NUM_BINS
    B, C, H, W = x.shape
    h_pad = (H + bs - 1) // bs * bs
    w_pad = (W + bs - 1) // bs * bs
    if h_pad != H or w_pad != W:
        x = jnp.pad(x, ((0, 0), (0, 0), (0, h_pad - H), (0, w_pad - W)))
    # blockify: [B, C, nh, bs, nw, bs] -> [B, C, N, bs, bs]
    xb = x.reshape(B, C, h_pad // bs, bs, w_pad // bs, bs)
    xb = xb.transpose(0, 1, 2, 4, 3, 5).reshape(B, C, -1, bs, bs)
    # 2D DCT per block
    dct_blocks = jnp.einsum('ij,bcnjk,kl->bcnil', dct_basis, xb, dct_basis)
    dct_flat = dct_blocks.reshape(B, C, -1, bs * bs)
    dct_flat = dct_flat[:, :, :, 1:]  # exclude DC
    dct_mag = jnp.abs(dct_flat)
    hist_min = 0.0
    hist_max = jnp.max(dct_mag) * 1.1
    bin_width = (hist_max - hist_min) / nb
    bins = jnp.floor((dct_mag - hist_min) / bin_width)
    bins = jnp.clip(bins, 0, nb - 1).astype(jnp.int32)  # torch.histc puts v==max in last bin
    # scatter-add histogram per (b, c)
    bins_flat = bins.reshape(B, C, -1)
    offset = (jnp.arange(B * C, dtype=jnp.int32) * nb).reshape(B, C, 1)
    flat_idx = (bins_flat + offset).reshape(-1)
    hist = jnp.zeros(B * C * nb, dtype=jnp.float32).at[flat_idx].add(1.0)
    hists = hist.reshape(B, C, nb) / (H * W)
    return hists.reshape(B, -1)

if __name__ == "__main__":
    import jax
    _d = setup_inputs()
    print(jax.jit(kernel)(*tuple(_d.values())))

</pallas_src>

<mosaic_0001>
#map = affine_map<(d0, d1) -> (0)>
module attributes {stable_mosaic.version = 14 : i64} {
  func.func @_sc_hist_body(%arg0: i32, %arg1: i32, %arg2: memref<12582912xf32, #tpu.memory_space<hbm>>, %arg3: memref<16xf32, #tpu.memory_space<hbm>>, %arg4: memref<6144xf32, #tpu.memory_space<hbm>>, %arg5: memref<32768xf32, #tpu.memory_space<vmem>>, %arg6: memref<32768xf32, #tpu.memory_space<vmem>>, %arg7: memref<16xf32, #tpu.memory_space<vmem>>, %arg8: memref<1024xf32, #tpu.memory_space<vmem>>, %arg9: memref<64xf32, #tpu.memory_space<vmem>>, %arg10: memref<!tpu.dma_semaphore, #tpu.memory_space<semaphore_mem>>, %arg11: memref<!tpu.dma_semaphore, #tpu.memory_space<semaphore_mem>>) attributes {dimension_semantics = [#tpu.dimension_semantics<core_parallel>, #tpu.dimension_semantics<subcore_parallel>], iteration_bounds = array<i64: 2, 16>, scalar_prefetch = 0 : i64, scratch_operands = 7 : i64, tpu.core_type = #tpu.core_type<sc_vector_subcore>, window_params = [{transform_indices = #map}, {transform_indices = #map}, {transform_indices = #map}]} {
    %mul3A = arith.constant 2 : i32
    %mul3A_0 = arith.muli %arg1, %mul3A : i32
    %add3A = arith.addi %mul3A_0, %arg0 : i32
    %iota3A = tpu.iota {dimensions = array<i32: 0>} : vector<16xi32>
    %broadcast_in_dim3A = arith.constant 1.000000e+00 : f32
    %broadcast_in_dim3A_1 = vector.broadcast %broadcast_in_dim3A : f32 to vector<16xf32>
    %broadcast_in_dim3A_2 = arith.constant 0.000000e+00 : f32
    %broadcast_in_dim3A_3 = vector.broadcast %broadcast_in_dim3A_2 : f32 to vector<16xf32>
    %eq3A = arith.constant 0 : i32
    %eq3A_4 = vector.broadcast %eq3A : i32 to vector<16xi32>
    %eq3A_5 = arith.cmpi eq, %iota3A, %eq3A_4 : vector<16xi32>
    %jit3A = arith.constant 2.048000e+03 : f32
    %jit3A_6 = arith.constant 0.000000e+00 : f32
    %broadcast_in_dim3A_7 = vector.broadcast %jit3A : f32 to vector<16xf32>
    %broadcast_in_dim3A_8 = vector.broadcast %jit3A_6 : f32 to vector<16xf32>
    %select_n3A = arith.select %eq3A_5, %broadcast_in_dim3A_7, %broadcast_in_dim3A_8 : vector<16xi1>, vector<16xf32>
    "tpu.region"() ({
      %run_scoped3A = tpu.sem_alloc : memref<!tpu.dma_semaphore, #tpu.memory_space<semaphore_mem>>
      tpu.enqueue_dma source(%arg3 : memref<16xf32, #tpu.memory_space<hbm>>) target(%arg7 : memref<16xf32, #tpu.memory_space<vmem>>) target_semaphore(%run_scoped3A : memref<!tpu.dma_semaphore, #tpu.memory_space<semaphore_mem>>)
      tpu.wait_dma2 semaphore(%run_scoped3A : memref<!tpu.dma_semaphore, #tpu.memory_space<semaphore_mem>>) src(%arg3 : memref<16xf32, #tpu.memory_space<hbm>>) dst(%arg7 : memref<16xf32, #tpu.memory_space<vmem>>)
      tpu.yield
    }) : () -> ()
    %get3A = arith.constant 0 : index
    %get3A_9 = tpu.vector_load %arg7[%get3A] {strides = array<i32>} : memref<16xf32, #tpu.memory_space<vmem>>, vector<16xf32>,
    %mul3A_10 = arith.constant 1.100000e+00 : f32
    %mul3A_11 = vector.broadcast %mul3A_10 : f32 to vector<16xf32>
    %mul3A_12 = arith.mulf %get3A_9, %mul3A_11 : vector<16xf32>
    %div3A = arith.constant 1.024000e+03 : f32
    %div3A_13 = vector.broadcast %div3A : f32 to vector<16xf32>
    %div3A_14 = arith.divf %div3A_13, %mul3A_12 : vector<16xf32>
    %mul3A_15 = arith.constant 3 : i32
    %mul3A_16 = arith.muli %add3A, %mul3A_15 : i32
    %add3A_17 = arith.constant 0 : i32
    %add3A_18 = arith.addi %mul3A_16, %add3A_17 : i32
    %mul3A_19 = arith.constant 131072 : i32
    %mul3A_20 = arith.muli %add3A_18, %mul3A_19 : i32
    %add3A_21 = arith.constant 0 : i32
    %add3A_22 = arith.addi %mul3A_20, %add3A_21 : i32
    %dma_start3A = tpu.memref_slice %arg2[%add3A_22] : memref<12582912xf32, #tpu.memory_space<hbm>> -> memref<32768xf32, #tpu.memory_space<hbm>>
    %dma_start3A_23 = tpu.memref_slice %arg2[%add3A_22] : memref<12582912xf32, #tpu.memory_space<hbm>> -> memref<32768xf32, #tpu.memory_space<hbm>>
    tpu.enqueue_dma source(%dma_start3A_23 : memref<32768xf32, #tpu.memory_space<hbm>>) target(%arg5 : memref<32768xf32, #tpu.memory_space<vmem>>) target_semaphore(%arg10 : memref<!tpu.dma_semaphore, #tpu.memory_space<semaphore_mem>>)
    %mul3A_24 = arith.constant 3 : i32
    %mul3A_25 = arith.muli %add3A, %mul3A_24 : i32
    %add3A_26 = arith.constant 0 : i32
    %add3A_27 = arith.addi %mul3A_25, %add3A_26 : i32
    %mul3A_28 = arith.constant 131072 : i32
    %mul3A_29 = arith.muli %add3A_27, %mul3A_28 : i32
    %add3A_30 = arith.constant 32768 : i32
    %add3A_31 = arith.addi %mul3A_29, %add3A_30 : i32
    %dma_start3A_32 = tpu.memref_slice %arg2[%add3A_31] : memref<12582912xf32, #tpu.memory_space<hbm>> -> memref<32768xf32, #tpu.memory_space<hbm>>
    %dma_start3A_33 = tpu.memref_slice %arg2[%add3A_31] : memref<12582912xf32, #tpu.memory_space<hbm>> -> memref<32768xf32, #tpu.memory_space<hbm>>
    tpu.enqueue_dma source(%dma_start3A_33 : memref<32768xf32, #tpu.memory_space<hbm>>) target(%arg6 : memref<32768xf32, #tpu.memory_space<vmem>>) target_semaphore(%arg11 : memref<!tpu.dma_semaphore, #tpu.memory_space<semaphore_mem>>)
    %scan3A = arith.constant 0 : i32
    %scan3A_34 = arith.constant 0 : i32
    %scan3A_35 = arith.constant 64 : i32
    %scan3A_36 = arith.addi %scan3A_34, %scan3A_35 : i32
    %scan3A_37 = arith.constant 1 : i32
    scf.for %scan3A_1775 = %scan3A_34 to %scan3A_36 step %scan3A_37  : i32 {
      %mul3A_1776 = arith.constant 16 : i32
      %mul3A_1777 = arith.muli %scan3A_1775, %mul3A_1776 : i32
      %swap3A_1778 = arith.index_cast %mul3A_1777 : i32 to index
      %swap3A_1779 = tpu.vector_load %arg8[%swap3A_1778] {strides = array<i32>} : memref<1024xf32, #tpu.memory_space<vmem>>, vector<16xf32>,
      tpu.vector_store %arg8[%swap3A_1778], %broadcast_in_dim3A_3 {strides = array<i32>} : memref<1024xf32, #tpu.memory_space<vmem>>, vector<16xf32>,
    }
    %scan3A_38 = arith.constant 64 : i32
    %dma_wait3A = tpu.memref_slice %arg2[%add3A_22] : memref<12582912xf32, #tpu.memory_space<hbm>> -> memref<32768xf32, #tpu.memory_space<hbm>>
    %dma_wait3A_39 = tpu.memref_slice %arg2[%add3A_22] : memref<12582912xf32, #tpu.memory_space<hbm>> -> memref<32768xf32, #tpu.memory_space<hbm>>
    tpu.wait_dma2 semaphore(%arg10 : memref<!tpu.dma_semaphore, #tpu.memory_space<semaphore_mem>>) src(%dma_wait3A_39 : memref<32768xf32, #tpu.memory_space<hbm>>) dst(%arg5 : memref<32768xf32, #tpu.memory_space<vmem>>)
    %parallel_loop3A = arith.constant 0 : i32
    %parallel_loop3A_40 = arith.constant 2048 : i32
    %parallel_loop3A_41 = arith.constant 1 : i32
    scf.for %parallel_loop3A_1775 = %parallel_loop3A to %parallel_loop3A_40 step %parallel_loop3A_41  : i32 {
      %parallel_loop3A_1776 = arith.constant 16 : i32
      %parallel_loop3A_1777 = arith.muli %parallel_loop3A_1775, %parallel_loop3A_1776 : i32
      %parallel_loop3A_1778 = arith.index_cast %parallel_loop3A_1777 : i32 to index
      %parallel_loop3A_1779 = tpu.vector_load %arg5[%parallel_loop3A_1778] {strides = array<i32>} : memref<32768xf32, #tpu.memory_space<vmem>>, vector<16xf32>,
      %parallel_loop3A_1780 = arith.mulf %parallel_loop3A_1779, %div3A_14 : vector<16xf32>
      %parallel_loop3A_1781 = arith.fptosi %parallel_loop3A_1780 : vector<16xf32> to vector<16xi32>
      %parallel_loop3A_1782 = arith.constant -16 : i32
      %parallel_loop3A_1783 = vector.broadcast %parallel_loop3A_1782 : i32 to vector<16xi32>
      %parallel_loop3A_1784 = arith.andi %parallel_loop3A_1781, %parallel_loop3A_1783 : vector<16xi32>
      %parallel_loop3A_1785 = arith.addi %parallel_loop3A_1784, %iota3A : vector<16xi32>
      tpu.vector_store_idx %arg8[%parallel_loop3A_1785], %broadcast_in_dim3A_1 {add = true} : memref<1024xf32, #tpu.memory_space<vmem>>[vector<16xi32>], vector<16xf32>,
    } {sc.loop_unroll_factor = 8 : i64, sc.parallel_access}
    %mul3A_42 = arith.constant 3 : i32
    %mul3A_43 = arith.muli %add3A, %mul3A_42 : i32
    %add3A_44 = arith.constant 0 : i32
    %add3A_45 = arith.addi %mul3A_43, %add3A_44 : i32
    %mul3A_46 = arith.constant 131072 : i32
    %mul3A_47 = arith.muli %add3A_45, %mul3A_46 : i32
    %add3A_48 = arith.constant 65536 : i32
    %add3A_49 = arith.addi %mul3A_47, %add3A_48 : i32
    %dma_start3A_50 = tpu.memref_slice %arg2[%add3A_49] : memref<12582912xf32, #tpu.memory_space<hbm>> -> memref<32768xf32, #tpu.memory_space<hbm>>
    %dma_start3A_51 = tpu.memref_slice %arg2[%add3A_49] : memref<12582912xf32, #tpu.memory_space<hbm>> -> memref<32768xf32, #tpu.memory_space<hbm>>
    tpu.enqueue_dma source(%dma_start3A_51 : memref<32768xf32, #tpu.memory_space<hbm>>) target(%arg5 : memref<32768xf32, #tpu.memory_space<vmem>>) target_semaphore(%arg10 : memref<!tpu.dma_semaphore, #tpu.memory_space<semaphore_mem>>)
    %dma_wait3A_52 = tpu.memref_slice %arg2[%add3A_31] : memref<12582912xf32, #tpu.memory_space<hbm>> -> memref<32768xf32, #tpu.memory_space<hbm>>
    %dma_wait3A_53 = tpu.memref_slice %arg2[%add3A_31] : memref<12582912xf32, #tpu.memory_space<hbm>> -> memref<32768xf32, #tpu.memory_space<hbm>>
    tpu.wait_dma2 semaphore(%arg11 : memref<!tpu.dma_semaphore, #tpu.memory_space<semaphore_mem>>) src(%dma_wait3A_53 : memref<32768xf32, #tpu.memory_space<hbm>>) dst(%arg6 : memref<32768xf32, #tpu.memory_space<vmem>>)
    %parallel_loop3A_54 = arith.constant 0 : i32
    %parallel_loop3A_55 = arith.constant 2048 : i32
    %parallel_loop3A_56 = arith.constant 1 : i32
    scf.for %parallel_loop3A_1775 = %parallel_loop3A_54 to %parallel_loop3A_55 step %parallel_loop3A_56  : i32 {
      %parallel_loop3A_1776 = arith.constant 16 : i32
      %parallel_loop3A_1777 = arith.muli %parallel_loop3A_1775, %parallel_loop3A_1776 : i32
      %parallel_loop3A_1778 = arith.index_cast %parallel_loop3A_1777 : i32 to index
      %parallel_loop3A_1779 = tpu.vector_load %arg6[%parallel_loop3A_1778] {strides = array<i32>} : memref<32768xf32, #tpu.memory_space<vmem>>, vector<16xf32>,
      %parallel_loop3A_1780 = arith.mulf %parallel_loop3A_1779, %div3A_14 : vector<16xf32>
      %parallel_loop3A_1781 = arith.fptosi %parallel_loop3A_1780 : vector<16xf32> to vector<16xi32>
      %parallel_loop3A_1782 = arith.constant -16 : i32
      %parallel_loop3A_1783 = vector.broadcast %parallel_loop3A_1782 : i32 to vector<16xi32>
      %parallel_loop3A_1784 = arith.andi %parallel_loop3A_1781, %parallel_loop3A_1783 : vector<16xi32>
      %parallel_loop3A_1785 = arith.addi %parallel_loop3A_1784, %iota3A : vector<16xi32>
      tpu.vector_store_idx %arg8[%parallel_loop3A_1785], %broadcast_in_dim3A_1 {add = true} : memref<1024xf32, #tpu.memory_space<vmem>>[vector<16xi32>], vector<16xf32>,
    } {sc.loop_unroll_factor = 8 : i64, sc.parallel_access}
    %mul3A_57 = arith.constant 3 : i32
    %mul3A_58 = arith.muli %add3A, %mul3A_57 : i32
    %add3A_59 = arith.constant 0 : i32
    %add3A_60 = arith.addi %mul3A_58, %add3A_59 : i32
    %mul3A_61 = arith.constant 131072 : i32
    %mul3A_62 = arith.muli %add3A_60, %mul3A_61 : i32
    %add3A_63 = arith.constant 98304 : i32
    %add3A_64 = arith.addi %mul3A_62, %add3A_63 : i32
    %dma_start3A_65 = tpu.memref_slice %arg2[%add3A_64] : memref<12582912xf32, #tpu.memory_space<hbm>> -> memref<32768xf32, #tpu.memory_space<hbm>>
    %dma_start3A_66 = tpu.memref_slice %arg2[%add3A_64] : memref<12582912xf32, #tpu.memory_space<hbm>> -> memref<32768xf32, #tpu.memory_space<hbm>>
    tpu.enqueue_dma source(%dma_start3A_66 : memref<32768xf32, #tpu.memory_space<hbm>>) target(%arg6 : memref<32768xf32, #tpu.memory_space<vmem>>) target_semaphore(%arg11 : memref<!tpu.dma_semaphore, #tpu.memory_space<semaphore_mem>>)
    %dma_wait3A_67 = tpu.memref_slice %arg2[%add3A_49] : memref<12582912xf32, #tpu.memory_space<hbm>> -> memref<32768xf32, #tpu.memory_space<hbm>>
    %dma_wait3A_68 = tpu.memref_slice %arg2[%add3A_49] : memref<12582912xf32, #tpu.memory_space<hbm>> -> memref<32768xf32, #tpu.memory_space<hbm>>
    tpu.wait_dma2 semaphore(%arg10 : memref<!tpu.dma_semaphore, #tpu.memory_space<semaphore_mem>>) src(%dma_wait3A_68 : memref<32768xf32, #tpu.memory_space<hbm>>) dst(%arg5 : memref<32768xf32, #tpu.memory_space<vmem>>)
    %parallel_loop3A_69 = arith.constant 0 : i32
    %parallel_loop3A_70 = arith.constant 2048 : i32
    %parallel_loop3A_71 = arith.constant 1 : i32
    scf.for %parallel_loop3A_1775 = %parallel_loop3A_69 to %parallel_loop3A_70 step %parallel_loop3A_71  : i32 {
      %parallel_loop3A_1776 = arith.constant 16 : i32
      %parallel_loop3A_1777 = arith.muli %parallel_loop3A_1775, %parallel_loop3A_1776 : i32
      %parallel_loop3A_1778 = arith.index_cast %parallel_loop3A_1777 : i32 to index
      %parallel_loop3A_1779 = tpu.vector_load %arg5[%parallel_loop3A_1778] {strides = array<i32>} : memref<32768xf32, #tpu.memory_space<vmem>>, vector<16xf32>,
      %parallel_loop3A_1780 = arith.mulf %parallel_loop3A_1779, %div3A_14 : vector<16xf32>
      %parallel_loop3A_1781 = arith.fptosi %parallel_loop3A_1780 : vector<16xf32> to vector<16xi32>
      %parallel_loop3A_1782 = arith.constant -16 : i32
      %parallel_loop3A_1783 = vector.broadcast %parallel_loop3A_1782 : i32 to vector<16xi32>
      %parallel_loop3A_1784 = arith.andi %parallel_loop3A_1781, %parallel_loop3A_1783 : vector<16xi32>
      %parallel_loop3A_1785 = arith.addi %parallel_loop3A_1784, %iota3A : vector<16xi32>
      tpu.vector_store_idx %arg8[%parallel_loop3A_1785], %broadcast_in_dim3A_1 {add = true} : memref<1024xf32, #tpu.memory_space<vmem>>[vector<16xi32>], vector<16xf32>,
    } {sc.loop_unroll_factor = 8 : i64, sc.parallel_access}
    %mul3A_72 = arith.constant 3 : i32
    %mul3A_73 = arith.muli %add3A, %mul3A_72 : i32
    %add3A_74 = arith.constant 1 : i32
    %add3A_75 = arith.addi %mul3A_73, %add3A_74 : i32
    %mul3A_76 = arith.constant 131072 : i32
    %mul3A_77 = arith.muli %add3A_75, %mul3A_76 : i32
    %add3A_78 = arith.constant 0 : i32
    %add3A_79 = arith.addi %mul3A_77, %add3A_78 : i32
    %dma_start3A_80 = tpu.memref_slice %arg2[%add3A_79] : memref<12582912xf32, #tpu.memory_space<hbm>> -> memref<32768xf32, #tpu.memory_space<hbm>>
    %dma_start3A_81 = tpu.memref_slice %arg2[%add3A_79] : memref<12582912xf32, #tpu.memory_space<hbm>> -> memref<32768xf32, #tpu.memory_space<hbm>>
    tpu.enqueue_dma source(%dma_start3A_81 : memref<32768xf32, #tpu.memory_space<hbm>>) target(%arg5 : memref<32768xf32, #tpu.memory_space<vmem>>) target_semaphore(%arg10 : memref<!tpu.dma_semaphore, #tpu.memory_space<semaphore_mem>>)
    %dma_wait3A_82 = tpu.memref_slice %arg2[%add3A_64] : memref<12582912xf32, #tpu.memory_space<hbm>> -> memref<32768xf32, #tpu.memory_space<hbm>>
    %dma_wait3A_83 = tpu.memref_slice %arg2[%add3A_64] : memref<12582912xf32, #tpu.memory_space<hbm>> -> memref<32768xf32, #tpu.memory_space<hbm>>
    tpu.wait_dma2 semaphore(%arg11 : memref<!tpu.dma_semaphore, #tpu.memory_space<semaphore_mem>>) src(%dma_wait3A_83 : memref<32768xf32, #tpu.memory_space<hbm>>) dst(%arg6 : memref<32768xf32, #tpu.memory_space<vmem>>)
    %parallel_loop3A_84 = arith.constant 0 : i32
    %parallel_loop3A_85 = arith.constant 2048 : i32
    %parallel_loop3A_86 = arith.constant 1 : i32
    scf.for %parallel_loop3A_1775 = %parallel_loop3A_84 to %parallel_loop3A_85 step %parallel_loop3A_86  : i32 {
      %parallel_loop3A_1776 = arith.constant 16 : i32
      %parallel_loop3A_1777 = arith.muli %parallel_loop3A_1775, %parallel_loop3A_1776 : i32
      %parallel_loop3A_1778 = arith.index_cast %parallel_loop3A_1777 : i32 to index
      %parallel_loop3A_1779 = tpu.vector_load %arg6[%parallel_loop3A_1778] {strides = array<i32>} : memref<32768xf32, #tpu.memory_space<vmem>>, vector<16xf32>,
      %parallel_loop3A_1780 = arith.mulf %parallel_loop3A_1779, %div3A_14 : vector<16xf32>
      %parallel_loop3A_1781 = arith.fptosi %parallel_loop3A_1780 : vector<16xf32> to vector<16xi32>
      %parallel_loop3A_1782 = arith.constant -16 : i32
      %parallel_loop3A_1783 = vector.broadcast %parallel_loop3A_1782 : i32 to vector<16xi32>
      %parallel_loop3A_1784 = arith.andi %parallel_loop3A_1781, %parallel_loop3A_1783 : vector<16xi32>
      %parallel_loop3A_1785 = arith.addi %parallel_loop3A_1784, %iota3A : vector<16xi32>
      tpu.vector_store_idx %arg8[%parallel_loop3A_1785], %broadcast_in_dim3A_1 {add = true} : memref<1024xf32, #tpu.memory_space<vmem>>[vector<16xi32>], vector<16xf32>,
    } {sc.loop_unroll_factor = 8 : i64, sc.parallel_access}
    %mul3A_87 = arith.constant 3 : i32
    %mul3A_88 = arith.muli %add3A, %mul3A_87 : i32
    %add3A_89 = arith.constant 0 : i32
    %add3A_90 = arith.addi %mul3A_88, %add3A_89 : i32
    %mul3A_91 = arith.constant 16 : i32
    %mul3A_92 = vector.broadcast %mul3A_91 : i32 to vector<16xi32>
    %mul3A_93 = arith.muli %iota3A, %mul3A_92 : vector<16xi32>
    %add3A_94 = arith.constant 0 : i32
    %add3A_95 = vector.broadcast %add3A_94 : i32 to vector<16xi32>
    %add3A_96 = arith.addi %mul3A_93, %add3A_95 : vector<16xi32>
    %gather3A = tpu.vector_load_idx %arg8[%add3A_96] : memref<1024xf32, #tpu.memory_space<vmem>>[vector<16xi32>], vector<16xf32>,
    %mul3A_97 = arith.constant 16 : i32
    %mul3A_98 = vector.broadcast %mul3A_97 : i32 to vector<16xi32>
    %mul3A_99 = arith.muli %iota3A, %mul3A_98 : vector<16xi32>
    %add3A_100 = arith.constant 1 : i32
    %add3A_101 = vector.broadcast %add3A_100 : i32 to vector<16xi32>
    %add3A_102 = arith.addi %mul3A_99, %add3A_101 : vector<16xi32>
    %gather3A_103 = tpu.vector_load_idx %arg8[%add3A_102] : memref<1024xf32, #tpu.memory_space<vmem>>[vector<16xi32>], vector<16xf32>,
    %mul3A_104 = arith.constant 16 : i32
    %mul3A_105 = vector.broadcast %mul3A_104 : i32 to vector<16xi32>
    %mul3A_106 = arith.muli %iota3A, %mul3A_105 : vector<16xi32>
    %add3A_107 = arith.constant 2 : i32
    %add3A_108 = vector.broadcast %add3A_107 : i32 to vector<16xi32>
    %add3A_109 = arith.addi %mul3A_106, %add3A_108 : vector<16xi32>
    %gather3A_110 = tpu.vector_load_idx %arg8[%add3A_109] : memref<1024xf32, #tpu.memory_space<vmem>>[vector<16xi32>], vector<16xf32>,
    %mul3A_111 = arith.constant 16 : i32
    %mul3A_112 = vector.broadcast %mul3A_111 : i32 to vector<16xi32>
    %mul3A_113 = arith.muli %iota3A, %mul3A_112 : vector<16xi32>
    %add3A_114 = arith.constant 3 : i32
    %add3A_115 = vector.broadcast %add3A_114 : i32 to vector<16xi32>
    %add3A_116 = arith.addi %mul3A_113, %add3A_115 : vector<16xi32>
    %gather3A_117 = tpu.vector_load_idx %arg8[%add3A_116] : memref<1024xf32, #tpu.memory_space<vmem>>[vector<16xi32>], vector<16xf32>,
    %mul3A_118 = arith.constant 16 : i32
    %mul3A_119 = vector.broadcast %mul3A_118 : i32 to vector<16xi32>
    %mul3A_120 = arith.muli %iota3A, %mul3A_119 : vector<16xi32>
    %add3A_121 = arith.constant 4 : i32
    %add3A_122 = vector.broadcast %add3A_121 : i32 to vector<16xi32>
    %add3A_123 = arith.addi %mul3A_120, %add3A_122 : vector<16xi32>
    %gather3A_124 = tpu.vector_load_idx %arg8[%add3A_123] : memref<1024xf32, #tpu.memory_space<vmem>>[vector<16xi32>], vector<16xf32>,
    %mul3A_125 = arith.constant 16 : i32
    %mul3A_126 = vector.broadcast %mul3A_125 : i32 to vector<16xi32>
    %mul3A_127 = arith.muli %iota3A, %mul3A_126 : vector<16xi32>
    %add3A_128 = arith.constant 5 : i32
    %add3A_129 = vector.broadcast %add3A_128 : i32 to vector<16xi32>
    %add3A_130 = arith.addi %mul3A_127, %add3A_129 : vector<16xi32>
    %gather3A_131 = tpu.vector_load_idx %arg8[%add3A_130] : memref<1024xf32, #tpu.memory_space<vmem>>[vector<16xi32>], vector<16xf32>,
    %mul3A_132 = arith.constant 16 : i32
    %mul3A_133 = vector.broadcast %mul3A_132 : i32 to vector<16xi32>
    %mul3A_134 = arith.muli %iota3A, %mul3A_133 : vector<16xi32>
    %add3A_135 = arith.constant 6 : i32
    %add3A_136 = vector.broadcast %add3A_135 : i32 to vector<16xi32>
    %add3A_137 = arith.addi %mul3A_134, %add3A_136 : vector<16xi32>
    %gather3A_138 = tpu.vector_load_idx %arg8[%add3A_137] : memref<1024xf32, #tpu.memory_space<vmem>>[vector<16xi32>], vector<16xf32>,
    %mul3A_139 = arith.constant 16 : i32
    %mul3A_140 = vector.broadcast %mul3A_139 : i32 to vector<16xi32>
    %mul3A_141 = arith.muli %iota3A, %mul3A_140 : vector<16xi32>
    %add3A_142 = arith.constant 7 : i32
    %add3A_143 = vector.broadcast %add3A_142 : i32 to vector<16xi32>
    %add3A_144 = arith.addi %mul3A_141, %add3A_143 : vector<16xi32>
    %gather3A_145 = tpu.vector_load_idx %arg8[%add3A_144] : memref<1024xf32, #tpu.memory_space<vmem>>[vector<16xi32>], vector<16xf32>,
    %mul3A_146 = arith.constant 16 : i32
    %mul3A_147 = vector.broadcast %mul3A_146 : i32 to vector<16xi32>
    %mul3A_148 = arith.muli %iota3A, %mul3A_147 : vector<16xi32>
    %add3A_149 = arith.constant 8 : i32
    %add3A_150 = vector.broadcast %add3A_149 : i32 to vector<16xi32>
    %add3A_151 = arith.addi %mul3A_148, %add3A_150 : vector<16xi32>
    %gather3A_152 = tpu.vector_load_idx %arg8[%add3A_151] : memref<1024xf32, #tpu.memory_space<vmem>>[vector<16xi32>], vector<16xf32>,
    %mul3A_153 = arith.constant 16 : i32
    %mul3A_154 = vector.broadcast %mul3A_153 : i32 to vector<16xi32>
    %mul3A_155 = arith.muli %iota3A, %mul3A_154 : vector<16xi32>
    %add3A_156 = arith.constant 9 : i32
    %add3A_157 = vector.broadcast %add3A_156 : i32 to vector<16xi32>
    %add3A_158 = arith.addi %mul3A_155, %add3A_157 : vector<16xi32>
    %gather3A_159 = tpu.vector_load_idx %arg8[%add3A_158] : memref<1024xf32, #tpu.memory_space<vmem>>[vector<16xi32>], vector<16xf32>,
    %mul3A_160 = arith.constant 16 : i32
    %mul3A_161 = vector.broadcast %mul3A_160 : i32 to vector<16xi32>
    %mul3A_162 = arith.muli %iota3A, %mul3A_161 : vector<16xi32>
    %add3A_163 = arith.constant 10 : i32
    %add3A_164 = vector.broadcast %add3A_163 : i32 to vector<16xi32>
    %add3A_165 = arith.addi %mul3A_162, %add3A_164 : vector<16xi32>
    %gather3A_166 = tpu.vector_load_idx %arg8[%add3A_165] : memref<1024xf32, #tpu.memory_space<vmem>>[vector<16xi32>], vector<16xf32>,
    %mul3A_167 = arith.constant 16 : i32
    %mul3A_168 = vector.broadcast %mul3A_167 : i32 to vector<16xi32>
    %mul3A_169 = arith.muli %iota3A, %mul3A_168 : vector<16xi32>
    %add3A_170 = arith.constant 11 : i32
    %add3A_171 = vector.broadcast %add3A_170 : i32 to vector<16xi32>
    %add3A_172 = arith.addi %mul3A_169, %add3A_171 : vector<16xi32>
    %gather3A_173 = tpu.vector_load_idx %arg8[%add3A_172] : memref<1024xf32, #tpu.memory_space<vmem>>[vector<16xi32>], vector<16xf32>,
    %mul3A_174 = arith.constant 16 : i32
    %mul3A_175 = vector.broadcast %mul3A_174 : i32 to vector<16xi32>
    %mul3A_176 = arith.muli %iota3A, %mul3A_175 : vector<16xi32>
    %add3A_177 = arith.constant 12 : i32
    %add3A_178 = vector.broadcast %add3A_177 : i32 to vector<16xi32>
    %add3A_179 = arith.addi %mul3A_176, %add3A_178 : vector<16xi32>
    %gather3A_180 = tpu.vector_load_idx %arg8[%add3A_179] : memref<1024xf32, #tpu.memory_space<vmem>>[vector<16xi32>], vector<16xf32>,
    %mul3A_181 = arith.constant 16 : i32
    %mul3A_182 = vector.broadcast %mul3A_181 : i32 to vector<16xi32>
    %mul3A_183 = arith.muli %iota3A, %mul3A_182 : vector<16xi32>
    %add3A_184 = arith.constant 13 : i32
    %add3A_185 = vector.broadcast %add3A_184 : i32 to vector<16xi32>
    %add3A_186 = arith.addi %mul3A_183, %add3A_185 : vector<16xi32>
    %gather3A_187 = tpu.vector_load_idx %arg8[%add3A_186] : memref<1024xf32, #tpu.memory_space<vmem>>[vector<16xi32>], vector<16xf32>,
    %mul3A_188 = arith.constant 16 : i32
    %mul3A_189 = vector.broadcast %mul3A_188 : i32 to vector<16xi32>
    %mul3A_190 = arith.muli %iota3A, %mul3A_189 : vector<16xi32>
    %add3A_191 = arith.constant 14 : i32
    %add3A_192 = vector.broadcast %add3A_191 : i32 to vector<16xi32>
    %add3A_193 = arith.addi %mul3A_190, %add3A_192 : vector<16xi32>
    %gather3A_194 = tpu.vector_load_idx %arg8[%add3A_193] : memref<1024xf32, #tpu.memory_space<vmem>>[vector<16xi32>], vector<16xf32>,
    %mul3A_195 = arith.constant 16 : i32
    %mul3A_196 = vector.broadcast %mul3A_195 : i32 to vector<16xi32>
    %mul3A_197 = arith.muli %iota3A, %mul3A_196 : vector<16xi32>
    %add3A_198 = arith.constant 15 : i32
    %add3A_199 = vector.broadcast %add3A_198 : i32 to vector<16xi32>
    %add3A_200 = arith.addi %mul3A_197, %add3A_199 : vector<16xi32>
    %gather3A_201 = tpu.vector_load_idx %arg8[%add3A_200] : memref<1024xf32, #tpu.memory_space<vmem>>[vector<16xi32>], vector<16xf32>,
    %add3A_202 = arith.addf %gather3A, %gather3A_103 : vector<16xf32>
    %add3A_203 = arith.addf %gather3A_110, %gather3A_117 : vector<16xf32>
    %add3A_204 = arith.addf %gather3A_124, %gather3A_131 : vector<16xf32>
    %add3A_205 = arith.addf %gather3A_138, %gather3A_145 : vector<16xf32>
    %add3A_206 = arith.addf %gather3A_152, %gather3A_159 : vector<16xf32>
    %add3A_207 = arith.addf %gather3A_166, %gather3A_173 : vector<16xf32>
    %add3A_208 = arith.addf %gather3A_180, %gather3A_187 : vector<16xf32>
    %add3A_209 = arith.addf %gather3A_194, %gather3A_201 : vector<16xf32>
    %add3A_210 = arith.addf %add3A_202, %add3A_203 : vector<16xf32>
    %add3A_211 = arith.addf %add3A_204, %add3A_205 : vector<16xf32>
    %add3A_212 = arith.addf %add3A_206, %add3A_207 : vector<16xf32>
    %add3A_213 = arith.addf %add3A_208, %add3A_209 : vector<16xf32>
    %add3A_214 = arith.addf %add3A_210, %add3A_211 : vector<16xf32>
    %add3A_215 = arith.addf %add3A_212, %add3A_213 : vector<16xf32>
    %add3A_216 = arith.addf %add3A_214, %add3A_215 : vector<16xf32>
    %sub3A = arith.subf %add3A_216, %select_n3A : vector<16xf32>
    %swap3A = arith.constant 0 : index
    %swap3A_217 = tpu.vector_load %arg9[%swap3A] {strides = array<i32>} : memref<64xf32, #tpu.memory_space<vmem>>, vector<16xf32>,
    tpu.vector_store %arg9[%swap3A], %sub3A {strides = array<i32>} : memref<64xf32, #tpu.memory_space<vmem>>, vector<16xf32>,
    %mul3A_218 = arith.constant 16 : i32
    %mul3A_219 = vector.broadcast %mul3A_218 : i32 to vector<16xi32>
    %mul3A_220 = arith.muli %iota3A, %mul3A_219 : vector<16xi32>
    %add3A_221 = arith.constant 256 : i32
    %add3A_222 = vector.broadcast %add3A_221 : i32 to vector<16xi32>
    %add3A_223 = arith.addi %mul3A_220, %add3A_222 : vector<16xi32>
    %gather3A_224 = tpu.vector_load_idx %arg8[%add3A_223] : memref<1024xf32, #tpu.memory_space<vmem>>[vector<16xi32>], vector<16xf32>,
    %mul3A_225 = arith.constant 16 : i32
    %mul3A_226 = vector.broadcast %mul3A_225 : i32 to vector<16xi32>
    %mul3A_227 = arith.muli %iota3A, %mul3A_226 : vector<16xi32>
    %add3A_228 = arith.constant 257 : i32
    %add3A_229 = vector.broadcast %add3A_228 : i32 to vector<16xi32>
    %add3A_230 = arith.addi %mul3A_227, %add3A_229 : vector<16xi32>
    %gather3A_231 = tpu.vector_load_idx %arg8[%add3A_230] : memref<1024xf32, #tpu.memory_space<vmem>>[vector<16xi32>], vector<16xf32>,
    %mul3A_232 = arith.constant 16 : i32
    %mul3A_233 = vector.broadcast %mul3A_232 : i32 to vector<16xi32>
    %mul3A_234 = arith.muli %iota3A, %mul3A_233 : vector<16xi32>
    %add3A_235 = arith.constant 258 : i32
    %add3A_236 = vector.broadcast %add3A_235 : i32 to vector<16xi32>
    %add3A_237 = arith.addi %mul3A_234, %add3A_236 : vector<16xi32>
    %gather3A_238 = tpu.vector_load_idx %arg8[%add3A_237] : memref<1024xf32, #tpu.memory_space<vmem>>[vector<16xi32>], vector<16xf32>,
    %mul3A_239 = arith.constant 16 : i32
    %mul3A_240 = vector.broadcast %mul3A_239 : i32 to vector<16xi32>
    %mul3A_241 = arith.muli %iota3A, %mul3A_240 : vector<16xi32>
    %add3A_242 = arith.constant 259 : i32
    %add3A_243 = vector.broadcast %add3A_242 : i32 to vector<16xi32>
    %add3A_244 = arith.addi %mul3A_241, %add3A_243 : vector<16xi32>
    %gather3A_245 = tpu.vector_load_idx %arg8[%add3A_244] : memref<1024xf32, #tpu.memory_space<vmem>>[vector<16xi32>], vector<16xf32>,
    %mul3A_246 = arith.constant 16 : i32
    %mul3A_247 = vector.broadcast %mul3A_246 : i32 to vector<16xi32>
    %mul3A_248 = arith.muli %iota3A, %mul3A_247 : vector<16xi32>
    %add3A_249 = arith.constant 260 : i32
    %add3A_250 = vector.broadcast %add3A_249 : i32 to vector<16xi32>
    %add3A_251 = arith.addi %mul3A_248, %add3A_250 : vector<16xi32>
    %gather3A_252 = tpu.vector_load_idx %arg8[%add3A_251] : memref<1024xf32, #tpu.memory_space<vmem>>[vector<16xi32>], vector<16xf32>,
    %mul3A_253 = arith.constant 16 : i32
    %mul3A_254 = vector.broadcast %mul3A_253 : i32 to vector<16xi32>
    %mul3A_255 = arith.muli %iota3A, %mul3A_254 : vector<16xi32>
    %add3A_256 = arith.constant 261 : i32
    %add3A_257 = vector.broadcast %add3A_256 : i32 to vector<16xi32>
    %add3A_258 = arith.addi %mul3A_255, %add3A_257 : vector<16xi32>
    %gather3A_259 = tpu.vector_load_idx %arg8[%add3A_258] : memref<1024xf32, #tpu.memory_space<vmem>>[vector<16xi32>], vector<16xf32>,
    %mul3A_260 = arith.constant 16 : i32
    %mul3A_261 = vector.broadcast %mul3A_260 : i32 to vector<16xi32>
    %mul3A_262 = arith.muli %iota3A, %mul3A_261 : vector<16xi32>
    %add3A_263 = arith.constant 262 : i32
    %add3A_264 = vector.broadcast %add3A_263 : i32 to vector<16xi32>
    %add3A_265 = arith.addi %mul3A_262, %add3A_264 : vector<16xi32>
    %gather3A_266 = tpu.vector_load_idx %arg8[%add3A_265] : memref<1024xf32, #tpu.memory_space<vmem>>[vector<16xi32>], vector<16xf32>,
    %mul3A_267 = arith.constant 16 : i32
    %mul3A_268 = vector.broadcast %mul3A_267 : i32 to vector<16xi32>
    %mul3A_269 = arith.muli %iota3A, %mul3A_268 : vector<16xi32>
    %add3A_270 = arith.constant 263 : i32
    %add3A_271 = vector.broadcast %add3A_270 : i32 to vector<16xi32>
    %add3A_272 = arith.addi %mul3A_269, %add3A_271 : vector<16xi32>
    %gather3A_273 = tpu.vector_load_idx %arg8[%add3A_272] : memref<1024xf32, #tpu.memory_space<vmem>>[vector<16xi32>], vector<16xf32>,
    %mul3A_274 = arith.constant 16 : i32
    %mul3A_275 = vector.broadcast %mul3A_274 : i32 to vector<16xi32>
    %mul3A_276 = arith.muli %iota3A, %mul3A_275 : vector<16xi32>
    %add3A_277 = arith.constant 264 : i32
    %add3A_278 = vector.broadcast %add3A_277 : i32 to vector<16xi32>
    %add3A_279 = arith.addi %mul3A_276, %add3A_278 : vector<16xi32>
    %gather3A_280 = tpu.vector_load_idx %arg8[%add3A_279] : memref<1024xf32, #tpu.memory_space<vmem>>[vector<16xi32>], vector<16xf32>,
    %mul3A_281 = arith.constant 16 : i32
    %mul3A_282 = vector.broadcast %mul3A_281 : i32 to vector<16xi32>
    %mul3A_283 = arith.muli %iota3A, %mul3A_282 : vector<16xi32>
    %add3A_284 = arith.constant 265 : i32
    %add3A_285 = vector.broadcast %add3A_284 : i32 to vector<16xi32>
    %add3A_286 = arith.addi %mul3A_283, %add3A_285 : vector<16xi32>
    %gather3A_287 = tpu.vector_load_idx %arg8[%add3A_286] : memref<1024xf32, #tpu.memory_space<vmem>>[vector<16xi32>], vector<16xf32>,
    %mul3A_288 = arith.constant 16 : i32
    %mul3A_289 = vector.broadcast %mul3A_288 : i32 to vector<16xi32>
    %mul3A_290 = arith.muli %iota3A, %mul3A_289 : vector<16xi32>
    %add3A_291 = arith.constant 266 : i32
    %add3A_292 = vector.broadcast %add3A_291 : i32 to vector<16xi32>
    %add3A_293 = arith.addi %mul3A_290, %add3A_292 : vector<16xi32>
    %gather3A_294 = tpu.vector_load_idx %arg8[%add3A_293] : memref<1024xf32, #tpu.memory_space<vmem>>[vector<16xi32>], vector<16xf32>,
    %mul3A_295 = arith.constant 16 : i32
    %mul3A_296 = vector.broadcast %mul3A_295 : i32 to vector<16xi32>
    %mul3A_297 = arith.muli %iota3A, %mul3A_296 : vector<16xi32>
    %add3A_298 = arith.constant 267 : i32
    %add3A_299 = vector.broadcast %add3A_298 : i32 to vector<16xi32>
    %add3A_300 = arith.addi %mul3A_297, %add3A_299 : vector<16xi32>
    %gather3A_301 = tpu.vector_load_idx %arg8[%add3A_300] : memref<1024xf32, #tpu.memory_space<vmem>>[vector<16xi32>], vector<16xf32>,
    %mul3A_302 = arith.constant 16 : i32
    %mul3A_303 = vector.broadcast %mul3A_302 : i32 to vector<16xi32>
    %mul3A_304 = arith.muli %iota3A, %mul3A_303 : vector<16xi32>
    %add3A_305 = arith.constant 268 : i32
    %add3A_306 = vector.broadcast %add3A_305 : i32 to vector<16xi32>
    %add3A_307 = arith.addi %mul3A_304, %add3A_306 : vector<16xi32>
    %gather3A_308 = tpu.vector_load_idx %arg8[%add3A_307] : memref<1024xf32, #tpu.memory_space<vmem>>[vector<16xi32>], vector<16xf32>,
    %mul3A_309 = arith.constant 16 : i32
    %mul3A_310 = vector.broadcast %mul3A_309 : i32 to vector<16xi32>
    %mul3A_311 = arith.muli %iota3A, %mul3A_310 : vector<16xi32>
    %add3A_312 = arith.constant 269 : i32
    %add3A_313 = vector.broadcast %add3A_312 : i32 to vector<16xi32>
    %add3A_314 = arith.addi %mul3A_311, %add3A_313 : vector<16xi32>
    %gather3A_315 = tpu.vector_load_idx %arg8[%add3A_314] : memref<1024xf32, #tpu.memory_space<vmem>>[vector<16xi32>], vector<16xf32>,
    %mul3A_316 = arith.constant 16 : i32
    %mul3A_317 = vector.broadcast %mul3A_316 : i32 to vector<16xi32>
    %mul3A_318 = arith.muli %iota3A, %mul3A_317 : vector<16xi32>
    %add3A_319 = arith.constant 270 : i32
    %add3A_320 = vector.broadcast %add3A_319 : i32 to vector<16xi32>
    %add3A_321 = arith.addi %mul3A_318, %add3A_320 : vector<16xi32>
    %gather3A_322 = tpu.vector_load_idx %arg8[%add3A_321] : memref<1024xf32, #tpu.memory_space<vmem>>[vector<16xi32>], vector<16xf32>,
    %mul3A_323 = arith.constant 16 : i32
    %mul3A_324 = vector.broadcast %mul3A_323 : i32 to vector<16xi32>
    %mul3A_325 = arith.muli %iota3A, %mul3A_324 : vector<16xi32>
    %add3A_326 = arith.constant 271 : i32
    %add3A_327 = vector.broadcast %add3A_326 : i32 to vector<16xi32>
    %add3A_328 = arith.addi %mul3A_325, %add3A_327 : vector<16xi32>
    %gather3A_329 = tpu.vector_load_idx %arg8[%add3A_328] : memref<1024xf32, #tpu.memory_space<vmem>>[vector<16xi32>], vector<16xf32>,
    %add3A_330 = arith.addf %gather3A_224, %gather3A_231 : vector<16xf32>
    %add3A_331 = arith.addf %gather3A_238, %gather3A_245 : vector<16xf32>
    %add3A_332 = arith.addf %gather3A_252, %gather3A_259 : vector<16xf32>
    %add3A_333 = arith.addf %gather3A_266, %gather3A_273 : vector<16xf32>
    %add3A_334 = arith.addf %gather3A_280, %gather3A_287 : vector<16xf32>
    %add3A_335 = arith.addf %gather3A_294, %gather3A_301 : vector<16xf32>
    %add3A_336 = arith.addf %gather3A_308, %gather3A_315 : vector<16xf32>
    %add3A_337 = arith.addf %gather3A_322, %gather3A_329 : vector<16xf32>
    %add3A_338 = arith.addf %add3A_330, %add3A_331 : vector<16xf32>
    %add3A_339 = arith.addf %add3A_332, %add3A_333 : vector<16xf32>
    %add3A_340 = arith.addf %add3A_334, %add3A_335 : vector<16xf32>
    %add3A_341 = arith.addf %add3A_336, %add3A_337 : vector<16xf32>
    %add3A_342 = arith.addf %add3A_338, %add3A_339 : vector<16xf32>
    %add3A_343 = arith.addf %add3A_340, %add3A_341 : vector<16xf32>
    %add3A_344 = arith.addf %add3A_342, %add3A_343 : vector<16xf32>
    %swap3A_345 = arith.constant 16 : index
    %swap3A_346 = tpu.vector_load %arg9[%swap3A_345] {strides = array<i32>} : memref<64xf32, #tpu.memory_space<vmem>>, vector<16xf32>,
    tpu.vector_store %arg9[%swap3A_345], %add3A_344 {strides = array<i32>} : memref<64xf32, #tpu.memory_space<vmem>>, vector<16xf32>,
    %mul3A_347 = arith.constant 16 : i32
    %mul3A_348 = vector.broadcast %mul3A_347 : i32 to vector<16xi32>
    %mul3A_349 = arith.muli %iota3A, %mul3A_348 : vector<16xi32>
    %add3A_350 = arith.constant 512 : i32
    %add3A_351 = vector.broadcast %add3A_350 : i32 to vector<16xi32>
    %add3A_352 = arith.addi %mul3A_349, %add3A_351 : vector<16xi32>
    %gather3A_353 = tpu.vector_load_idx %arg8[%add3A_352] : memref<1024xf32, #tpu.memory_space<vmem>>[vector<16xi32>], vector<16xf32>,
    %mul3A_354 = arith.constant 16 : i32
    %mul3A_355 = vector.broadcast %mul3A_354 : i32 to vector<16xi32>
    %mul3A_356 = arith.muli %iota3A, %mul3A_355 : vector<16xi32>
    %add3A_357 = arith.constant 513 : i32
    %add3A_358 = vector.broadcast %add3A_357 : i32 to vector<16xi32>
    %add3A_359 = arith.addi %mul3A_356, %add3A_358 : vector<16xi32>
    %gather3A_360 = tpu.vector_load_idx %arg8[%add3A_359] : memref<1024xf32, #tpu.memory_space<vmem>>[vector<16xi32>], vector<16xf32>,
    %mul3A_361 = arith.constant 16 : i32
    %mul3A_362 = vector.broadcast %mul3A_361 : i32 to vector<16xi32>
    %mul3A_363 = arith.muli %iota3A, %mul3A_362 : vector<16xi32>
    %add3A_364 = arith.constant 514 : i32
    %add3A_365 = vector.broadcast %add3A_364 : i32 to vector<16xi32>
    %add3A_366 = arith.addi %mul3A_363, %add3A_365 : vector<16xi32>
    %gather3A_367 = tpu.vector_load_idx %arg8[%add3A_366] : memref<1024xf32, #tpu.memory_space<vmem>>[vector<16xi32>], vector<16xf32>,
    %mul3A_368 = arith.constant 16 : i32
    %mul3A_369 = vector.broadcast %mul3A_368 : i32 to vector<16xi32>
    %mul3A_370 = arith.muli %iota3A, %mul3A_369 : vector<16xi32>
    %add3A_371 = arith.constant 515 : i32
    %add3A_372 = vector.broadcast %add3A_371 : i32 to vector<16xi32>
    %add3A_373 = arith.addi %mul3A_370, %add3A_372 : vector<16xi32>
    %gather3A_374 = tpu.vector_load_idx %arg8[%add3A_373] : memref<1024xf32, #tpu.memory_space<vmem>>[vector<16xi32>], vector<16xf32>,
    %mul3A_375 = arith.constant 16 : i32
    %mul3A_376 = vector.broadcast %mul3A_375 : i32 to vector<16xi32>
    %mul3A_377 = arith.muli %iota3A, %mul3A_376 : vector<16xi32>
    %add3A_378 = arith.constant 516 : i32
    %add3A_379 = vector.broadcast %add3A_378 : i32 to vector<16xi32>
    %add3A_380 = arith.addi %mul3A_377, %add3A_379 : vector<16xi32>
    %gather3A_381 = tpu.vector_load_idx %arg8[%add3A_380] : memref<1024xf32, #tpu.memory_space<vmem>>[vector<16xi32>], vector<16xf32>,
    %mul3A_382 = arith.constant 16 : i32
    %mul3A_383 = vector.broadcast %mul3A_382 : i32 to vector<16xi32>
    %mul3A_384 = arith.muli %iota3A, %mul3A_383 : vector<16xi32>
    %add3A_385 = arith.constant 517 : i32
    %add3A_386 = vector.broadcast %add3A_385 : i32 to vector<16xi32>
    %add3A_387 = arith.addi %mul3A_384, %add3A_386 : vector<16xi32>
    %gather3A_388 = tpu.vector_load_idx %arg8[%add3A_387] : memref<1024xf32, #tpu.memory_space<vmem>>[vector<16xi32>], vector<16xf32>,
    %mul3A_389 = arith.constant 16 : i32
    %mul3A_390 = vector.broadcast %mul3A_389 : i32 to vector<16xi32>
    %mul3A_391 = arith.muli %iota3A, %mul3A_390 : vector<16xi32>
    %add3A_392 = arith.constant 518 : i32
    %add3A_393 = vector.broadcast %add3A_392 : i32 to vector<16xi32>
    %add3A_394 = arith.addi %mul3A_391, %add3A_393 : vector<16xi32>
    %gather3A_395 = tpu.vector_load_idx %arg8[%add3A_394] : memref<1024xf32, #tpu.memory_space<vmem>>[vector<16xi32>], vector<16xf32>,
    %mul3A_396 = arith.constant 16 : i32
    %mul3A_397 = vector.broadcast %mul3A_396 : i32 to vector<16xi32>
    %mul3A_398 = arith.muli %iota3A, %mul3A_397 : vector<16xi32>
    %add3A_399 = arith.constant 519 : i32
    %add3A_400 = vector.broadcast %add3A_399 : i32 to vector<16xi32>
    %add3A_401 = arith.addi %mul3A_398, %add3A_400 : vector<16xi32>
    %gather3A_402 = tpu.vector_load_idx %arg8[%add3A_401] : memref<1024xf32, #tpu.memory_space<vmem>>[vector<16xi32>], vector<16xf32>,
    %mul3A_403 = arith.constant 16 : i32
    %mul3A_404 = vector.broadcast %mul3A_403 : i32 to vector<16xi32>
    %mul3A_405 = arith.muli %iota3A, %mul3A_404 : vector<16xi32>
    %add3A_406 = arith.constant 520 : i32
    %add3A_407 = vector.broadcast %add3A_406 : i32 to vector<16xi32>
    %add3A_408 = arith.addi %mul3A_405, %add3A_407 : vector<16xi32>
    %gather3A_409 = tpu.vector_load_idx %arg8[%add3A_408] : memref<1024xf32, #tpu.memory_space<vmem>>[vector<16xi32>], vector<16xf32>,
    %mul3A_410 = arith.constant 16 : i32
    %mul3A_411 = vector.broadcast %mul3A_410 : i32 to vector<16xi32>
    %mul3A_412 = arith.muli %iota3A, %mul3A_411 : vector<16xi32>
    %add3A_413 = arith.constant 521 : i32
    %add3A_414 = vector.broadcast %add3A_413 : i32 to vector<16xi32>
    %add3A_415 = arith.addi %mul3A_412, %add3A_414 : vector<16xi32>
    %gather3A_416 = tpu.vector_load_idx %arg8[%add3A_415] : memref<1024xf32, #tpu.memory_space<vmem>>[vector<16xi32>], vector<16xf32>,
    %mul3A_417 = arith.constant 16 : i32
    %mul3A_418 = vector.broadcast %mul3A_417 : i32 to vector<16xi32>
    %mul3A_419 = arith.muli %iota3A, %mul3A_418 : vector<16xi32>
    %add3A_420 = arith.constant 522 : i32
    %add3A_421 = vector.broadcast %add3A_420 : i32 to vector<16xi32>
    %add3A_422 = arith.addi %mul3A_419, %add3A_421 : vector<16xi32>
    %gather3A_423 = tpu.vector_load_idx %arg8[%add3A_422] : memref<1024xf32, #tpu.memory_space<vmem>>[vector<16xi32>], vector<16xf32>,
    %mul3A_424 = arith.constant 16 : i32
    %mul3A_425 = vector.broadcast %mul3A_424 : i32 to vector<16xi32>
    %mul3A_426 = arith.muli %iota3A, %mul3A_425 : vector<16xi32>
    %add3A_427 = arith.constant 523 : i32
    %add3A_428 = vector.broadcast %add3A_427 : i32 to vector<16xi32>
    %add3A_429 = arith.addi %mul3A_426, %add3A_428 : vector<16xi32>
    %gather3A_430 = tpu.vector_load_idx %arg8[%add3A_429] : memref<1024xf32, #tpu.memory_space<vmem>>[vector<16xi32>], vector<16xf32>,
    %mul3A_431 = arith.constant 16 : i32
    %mul3A_432 = vector.broadcast %mul3A_431 : i32 to vector<16xi32>
    %mul3A_433 = arith.muli %iota3A, %mul3A_432 : vector<16xi32>
    %add3A_434 = arith.constant 524 : i32
    %add3A_435 = vector.broadcast %add3A_434 : i32 to vector<16xi32>
    %add3A_436 = arith.addi %mul3A_433, %add3A_435 : vector<16xi32>
    %gather3A_437 = tpu.vector_load_idx %arg8[%add3A_436] : memref<1024xf32, #tpu.memory_space<vmem>>[vector<16xi32>], vector<16xf32>,
    %mul3A_438 = arith.constant 16 : i32
    %mul3A_439 = vector.broadcast %mul3A_438 : i32 to vector<16xi32>
    %mul3A_440 = arith.muli %iota3A, %mul3A_439 : vector<16xi32>
    %add3A_441 = arith.constant 525 : i32
    %add3A_442 = vector.broadcast %add3A_441 : i32 to vector<16xi32>
    %add3A_443 = arith.addi %mul3A_440, %add3A_442 : vector<16xi32>
    %gather3A_444 = tpu.vector_load_idx %arg8[%add3A_443] : memref<1024xf32, #tpu.memory_space<vmem>>[vector<16xi32>], vector<16xf32>,
    %mul3A_445 = arith.constant 16 : i32
    %mul3A_446 = vector.broadcast %mul3A_445 : i32 to vector<16xi32>
    %mul3A_447 = arith.muli %iota3A, %mul3A_446 : vector<16xi32>
    %add3A_448 = arith.constant 526 : i32
    %add3A_449 = vector.broadcast %add3A_448 : i32 to vector<16xi32>
    %add3A_450 = arith.addi %mul3A_447, %add3A_449 : vector<16xi32>
    %gather3A_451 = tpu.vector_load_idx %arg8[%add3A_450] : memref<1024xf32, #tpu.memory_space<vmem>>[vector<16xi32>], vector<16xf32>,
    %mul3A_452 = arith.constant 16 : i32
    %mul3A_453 = vector.broadcast %mul3A_452 : i32 to vector<16xi32>
    %mul3A_454 = arith.muli %iota3A, %mul3A_453 : vector<16xi32>
    %add3A_455 = arith.constant 527 : i32
    %add3A_456 = vector.broadcast %add3A_455 : i32 to vector<16xi32>
    %add3A_457 = arith.addi %mul3A_454, %add3A_456 : vector<16xi32>
    %gather3A_458 = tpu.vector_load_idx %arg8[%add3A_457] : memref<1024xf32, #tpu.memory_space<vmem>>[vector<16xi32>], vector<16xf32>,
    %add3A_459 = arith.addf %gather3A_353, %gather3A_360 : vector<16xf32>
    %add3A_460 = arith.addf %gather3A_367, %gather3A_374 : vector<16xf32>
    %add3A_461 = arith.addf %gather3A_381, %gather3A_388 : vector<16xf32>
    %add3A_462 = arith.addf %gather3A_395, %gather3A_402 : vector<16xf32>
    %add3A_463 = arith.addf %gather3A_409, %gather3A_416 : vector<16xf32>
    %add3A_464 = arith.addf %gather3A_423, %gather3A_430 : vector<16xf32>
    %add3A_465 = arith.addf %gather3A_437, %gather3A_444 : vector<16xf32>
    %add3A_466 = arith.addf %gather3A_451, %gather3A_458 : vector<16xf32>
    %add3A_467 = arith.addf %add3A_459, %add3A_460 : vector<16xf32>
    %add3A_468 = arith.addf %add3A_461, %add3A_462 : vector<16xf32>
    %add3A_469 = arith.addf %add3A_463, %add3A_464 : vector<16xf32>
    %add3A_470 = arith.addf %add3A_465, %add3A_466 : vector<16xf32>
    %add3A_471 = arith.addf %add3A_467, %add3A_468 : vector<16xf32>
    %add3A_472 = arith.addf %add3A_469, %add3A_470 : vector<16xf32>
    %add3A_473 = arith.addf %add3A_471, %add3A_472 : vector<16xf32>
    %swap3A_474 = arith.constant 32 : index
    %swap3A_475 = tpu.vector_load %arg9[%swap3A_474] {strides = array<i32>} : memref<64xf32, #tpu.memory_space<vmem>>, vector<16xf32>,
    tpu.vector_store %arg9[%swap3A_474], %add3A_473 {strides = array<i32>} : memref<64xf32, #tpu.memory_space<vmem>>, vector<16xf32>,
    %mul3A_476 = arith.constant 16 : i32
    %mul3A_477 = vector.broadcast %mul3A_476 : i32 to vector<16xi32>
    %mul3A_478 = arith.muli %iota3A, %mul3A_477 : vector<16xi32>
    %add3A_479 = arith.constant 768 : i32
    %add3A_480 = vector.broadcast %add3A_479 : i32 to vector<16xi32>
    %add3A_481 = arith.addi %mul3A_478, %add3A_480 : vector<16xi32>
    %gather3A_482 = tpu.vector_load_idx %arg8[%add3A_481] : memref<1024xf32, #tpu.memory_space<vmem>>[vector<16xi32>], vector<16xf32>,
    %mul3A_483 = arith.constant 16 : i32
    %mul3A_484 = vector.broadcast %mul3A_483 : i32 to vector<16xi32>
    %mul3A_485 = arith.muli %iota3A, %mul3A_484 : vector<16xi32>
    %add3A_486 = arith.constant 769 : i32
    %add3A_487 = vector.broadcast %add3A_486 : i32 to vector<16xi32>
    %add3A_488 = arith.addi %mul3A_485, %add3A_487 : vector<16xi32>
    %gather3A_489 = tpu.vector_load_idx %arg8[%add3A_488] : memref<1024xf32, #tpu.memory_space<vmem>>[vector<16xi32>], vector<16xf32>,
    %mul3A_490 = arith.constant 16 : i32
    %mul3A_491 = vector.broadcast %mul3A_490 : i32 to vector<16xi32>
    %mul3A_492 = arith.muli %iota3A, %mul3A_491 : vector<16xi32>
    %add3A_493 = arith.constant 770 : i32
    %add3A_494 = vector.broadcast %add3A_493 : i32 to vector<16xi32>
    %add3A_495 = arith.addi %mul3A_492, %add3A_494 : vector<16xi32>
    %gather3A_496 = tpu.vector_load_idx %arg8[%add3A_495] : memref<1024xf32, #tpu.memory_space<vmem>>[vector<16xi32>], vector<16xf32>,
    %mul3A_497 = arith.constant 16 : i32
    %mul3A_498 = vector.broadcast %mul3A_497 : i32 to vector<16xi32>
    %mul3A_499 = arith.muli %iota3A, %mul3A_498 : vector<16xi32>
    %add3A_500 = arith.constant 771 : i32
    %add3A_501 = vector.broadcast %add3A_500 : i32 to vector<16xi32>
    %add3A_502 = arith.addi %mul3A_499, %add3A_501 : vector<16xi32>
    %gather3A_503 = tpu.vector_load_idx %arg8[%add3A_502] : memref<1024xf32, #tpu.memory_space<vmem>>[vector<16xi32>], vector<16xf32>,
    %mul3A_504 = arith.constant 16 : i32
    %mul3A_505 = vector.broadcast %mul3A_504 : i32 to vector<16xi32>
    %mul3A_506 = arith.muli %iota3A, %mul3A_505 : vector<16xi32>
    %add3A_507 = arith.constant 772 : i32
    %add3A_508 = vector.broadcast %add3A_507 : i32 to vector<16xi32>
    %add3A_509 = arith.addi %mul3A_506, %add3A_508 : vector<16xi32>
    %gather3A_510 = tpu.vector_load_idx %arg8[%add3A_509] : memref<1024xf32, #tpu.memory_space<vmem>>[vector<16xi32>], vector<16xf32>,
    %mul3A_511 = arith.constant 16 : i32
    %mul3A_512 = vector.broadcast %mul3A_511 : i32 to vector<16xi32>
    %mul3A_513 = arith.muli %iota3A, %mul3A_512 : vector<16xi32>
    %add3A_514 = arith.constant 773 : i32
    %add3A_515 = vector.broadcast %add3A_514 : i32 to vector<16xi32>
    %add3A_516 = arith.addi %mul3A_513, %add3A_515 : vector<16xi32>
    %gather3A_517 = tpu.vector_load_idx %arg8[%add3A_516] : memref<1024xf32, #tpu.memory_space<vmem>>[vector<16xi32>], vector<16xf32>,
    %mul3A_518 = arith.constant 16 : i32
    %mul3A_519 = vector.broadcast %mul3A_518 : i32 to vector<16xi32>
    %mul3A_520 = arith.muli %iota3A, %mul3A_519 : vector<16xi32>
    %add3A_521 = arith.constant 774 : i32
    %add3A_522 = vector.broadcast %add3A_521 : i32 to vector<16xi32>
    %add3A_523 = arith.addi %mul3A_520, %add3A_522 : vector<16xi32>
    %gather3A_524 = tpu.vector_load_idx %arg8[%add3A_523] : memref<1024xf32, #tpu.memory_space<vmem>>[vector<16xi32>], vector<16xf32>,
    %mul3A_525 = arith.constant 16 : i32
    %mul3A_526 = vector.broadcast %mul3A_525 : i32 to vector<16xi32>
    %mul3A_527 = arith.muli %iota3A, %mul3A_526 : vector<16xi32>
    %add3A_528 = arith.constant 775 : i32
    %add3A_529 = vector.broadcast %add3A_528 : i32 to vector<16xi32>
    %add3A_530 = arith.addi %mul3A_527, %add3A_529 : vector<16xi32>
    %gather3A_531 = tpu.vector_load_idx %arg8[%add3A_530] : memref<1024xf32, #tpu.memory_space<vmem>>[vector<16xi32>], vector<16xf32>,
    %mul3A_532 = arith.constant 16 : i32
    %mul3A_533 = vector.broadcast %mul3A_532 : i32 to vector<16xi32>
    %mul3A_534 = arith.muli %iota3A, %mul3A_533 : vector<16xi32>
    %add3A_535 = arith.constant 776 : i32
    %add3A_536 = vector.broadcast %add3A_535 : i32 to vector<16xi32>
    %add3A_537 = arith.addi %mul3A_534, %add3A_536 : vector<16xi32>
    %gather3A_538 = tpu.vector_load_idx %arg8[%add3A_537] : memref<1024xf32, #tpu.memory_space<vmem>>[vector<16xi32>], vector<16xf32>,
    %mul3A_539 = arith.constant 16 : i32
    %mul3A_540 = vector.broadcast %mul3A_539 : i32 to vector<16xi32>
    %mul3A_541 = arith.muli %iota3A, %mul3A_540 : vector<16xi32>
    %add3A_542 = arith.constant 777 : i32
    %add3A_543 = vector.broadcast %add3A_542 : i32 to vector<16xi32>
    %add3A_544 = arith.addi %mul3A_541, %add3A_543 : vector<16xi32>
    %gather3A_545 = tpu.vector_load_idx %arg8[%add3A_544] : memref<1024xf32, #tpu.memory_space<vmem>>[vector<16xi32>], vector<16xf32>,
    %mul3A_546 = arith.constant 16 : i32
    %mul3A_547 = vector.broadcast %mul3A_546 : i32 to vector<16xi32>
    %mul3A_548 = arith.muli %iota3A, %mul3A_547 : vector<16xi32>
    %add3A_549 = arith.constant 778 : i32
    %add3A_550 = vector.broadcast %add3A_549 : i32 to vector<16xi32>
    %add3A_551 = arith.addi %mul3A_548, %add3A_550 : vector<16xi32>
    %gather3A_552 = tpu.vector_load_idx %arg8[%add3A_551] : memref<1024xf32, #tpu.memory_space<vmem>>[vector<16xi32>], vector<16xf32>,
    %mul3A_553 = arith.constant 16 : i32
    %mul3A_554 = vector.broadcast %mul3A_553 : i32 to vector<16xi32>
    %mul3A_555 = arith.muli %iota3A, %mul3A_554 : vector<16xi32>
    %add3A_556 = arith.constant 779 : i32
    %add3A_557 = vector.broadcast %add3A_556 : i32 to vector<16xi32>
    %add3A_558 = arith.addi %mul3A_555, %add3A_557 : vector<16xi32>
    %gather3A_559 = tpu.vector_load_idx %arg8[%add3A_558] : memref<1024xf32, #tpu.memory_space<vmem>>[vector<16xi32>], vector<16xf32>,
    %mul3A_560 = arith.constant 16 : i32
    %mul3A_561 = vector.broadcast %mul3A_560 : i32 to vector<16xi32>
    %mul3A_562 = arith.muli %iota3A, %mul3A_561 : vector<16xi32>
    %add3A_563 = arith.constant 780 : i32
    %add3A_564 = vector.broadcast %add3A_563 : i32 to vector<16xi32>
    %add3A_565 = arith.addi %mul3A_562, %add3A_564 : vector<16xi32>
    %gather3A_566 = tpu.vector_load_idx %arg8[%add3A_565] : memref<1024xf32, #tpu.memory_space<vmem>>[vector<16xi32>], vector<16xf32>,
    %mul3A_567 = arith.constant 16 : i32
    %mul3A_568 = vector.broadcast %mul3A_567 : i32 to vector<16xi32>
    %mul3A_569 = arith.muli %iota3A, %mul3A_568 : vector<16xi32>
    %add3A_570 = arith.constant 781 : i32
    %add3A_571 = vector.broadcast %add3A_570 : i32 to vector<16xi32>
    %add3A_572 = arith.addi %mul3A_569, %add3A_571 : vector<16xi32>
    %gather3A_573 = tpu.vector_load_idx %arg8[%add3A_572] : memref<1024xf32, #tpu.memory_space<vmem>>[vector<16xi32>], vector<16xf32>,
    %mul3A_574 = arith.constant 16 : i32
    %mul3A_575 = vector.broadcast %mul3A_574 : i32 to vector<16xi32>
    %mul3A_576 = arith.muli %iota3A, %mul3A_575 : vector<16xi32>
    %add3A_577 = arith.constant 782 : i32
    %add3A_578 = vector.broadcast %add3A_577 : i32 to vector<16xi32>
    %add3A_579 = arith.addi %mul3A_576, %add3A_578 : vector<16xi32>
    %gather3A_580 = tpu.vector_load_idx %arg8[%add3A_579] : memref<1024xf32, #tpu.memory_space<vmem>>[vector<16xi32>], vector<16xf32>,
    %mul3A_581 = arith.constant 16 : i32
    %mul3A_582 = vector.broadcast %mul3A_581 : i32 to vector<16xi32>
    %mul3A_583 = arith.muli %iota3A, %mul3A_582 : vector<16xi32>
    %add3A_584 = arith.constant 783 : i32
    %add3A_585 = vector.broadcast %add3A_584 : i32 to vector<16xi32>
    %add3A_586 = arith.addi %mul3A_583, %add3A_585 : vector<16xi32>
    %gather3A_587 = tpu.vector_load_idx %arg8[%add3A_586] : memref<1024xf32, #tpu.memory_space<vmem>>[vector<16xi32>], vector<16xf32>,
    %add3A_588 = arith.addf %gather3A_482, %gather3A_489 : vector<16xf32>
    %add3A_589 = arith.addf %gather3A_496, %gather3A_503 : vector<16xf32>
    %add3A_590 = arith.addf %gather3A_510, %gather3A_517 : vector<16xf32>
    %add3A_591 = arith.addf %gather3A_524, %gather3A_531 : vector<16xf32>
    %add3A_592 = arith.addf %gather3A_538, %gather3A_545 : vector<16xf32>
    %add3A_593 = arith.addf %gather3A_552, %gather3A_559 : vector<16xf32>
    %add3A_594 = arith.addf %gather3A_566, %gather3A_573 : vector<16xf32>
    %add3A_595 = arith.addf %gather3A_580, %gather3A_587 : vector<16xf32>
    %add3A_596 = arith.addf %add3A_588, %add3A_589 : vector<16xf32>
    %add3A_597 = arith.addf %add3A_590, %add3A_591 : vector<16xf32>
    %add3A_598 = arith.addf %add3A_592, %add3A_593 : vector<16xf32>
    %add3A_599 = arith.addf %add3A_594, %add3A_595 : vector<16xf32>
    %add3A_600 = arith.addf %add3A_596, %add3A_597 : vector<16xf32>
    %add3A_601 = arith.addf %add3A_598, %add3A_599 : vector<16xf32>
    %add3A_602 = arith.addf %add3A_600, %add3A_601 : vector<16xf32>
    %swap3A_603 = arith.constant 48 : index
    %swap3A_604 = tpu.vector_load %arg9[%swap3A_603] {strides = array<i32>} : memref<64xf32, #tpu.memory_space<vmem>>, vector<16xf32>,
    tpu.vector_store %arg9[%swap3A_603], %add3A_602 {strides = array<i32>} : memref<64xf32, #tpu.memory_space<vmem>>, vector<16xf32>,
    %mul3A_605 = arith.constant 64 : i32
    %mul3A_606 = arith.muli %add3A_90, %mul3A_605 : i32
    "tpu.region"() ({
      %run_scoped3A = tpu.sem_alloc : memref<!tpu.dma_semaphore, #tpu.memory_space<semaphore_mem>>
      %dma_start3A_1775 = tpu.memref_slice %arg4[%mul3A_606] : memref<6144xf32, #tpu.memory_space<hbm>> -> memref<64xf32, #tpu.memory_space<hbm>>
      %dma_start3A_1776 = tpu.memref_slice %arg4[%mul3A_606] : memref<6144xf32, #tpu.memory_space<hbm>> -> memref<64xf32, #tpu.memory_space<hbm>>
      tpu.enqueue_dma source(%arg9 : memref<64xf32, #tpu.memory_space<vmem>>) target(%dma_start3A_1776 : memref<64xf32, #tpu.memory_space<hbm>>) target_semaphore(%run_scoped3A : memref<!tpu.dma_semaphore, #tpu.memory_space<semaphore_mem>>)
      %dma_wait3A_1777 = tpu.memref_slice %arg4[%mul3A_606] : memref<6144xf32, #tpu.memory_space<hbm>> -> memref<64xf32, #tpu.memory_space<hbm>>
      %dma_wait3A_1778 = tpu.memref_slice %arg4[%mul3A_606] : memref<6144xf32, #tpu.memory_space<hbm>> -> memref<64xf32, #tpu.memory_space<hbm>>
      tpu.wait_dma2 semaphore(%run_scoped3A : memref<!tpu.dma_semaphore, #tpu.memory_space<semaphore_mem>>) src(%arg9 : memref<64xf32, #tpu.memory_space<vmem>>) dst(%dma_wait3A_1778 : memref<64xf32, #tpu.memory_space<hbm>>)
      tpu.yield
    }) : () -> ()
    %mul3A_607 = arith.constant 3 : i32
    %mul3A_608 = arith.muli %add3A, %mul3A_607 : i32
    %add3A_609 = arith.constant 1 : i32
    %add3A_610 = arith.addi %mul3A_608, %add3A_609 : i32
    %mul3A_611 = arith.constant 131072 : i32
    %mul3A_612 = arith.muli %add3A_610, %mul3A_611 : i32
    %add3A_613 = arith.constant 32768 : i32
    %add3A_614 = arith.addi %mul3A_612, %add3A_613 : i32
    %dma_start3A_615 = tpu.memref_slice %arg2[%add3A_614] : memref<12582912xf32, #tpu.memory_space<hbm>> -> memref<32768xf32, #tpu.memory_space<hbm>>
    %dma_start3A_616 = tpu.memref_slice %arg2[%add3A_614] : memref<12582912xf32, #tpu.memory_space<hbm>> -> memref<32768xf32, #tpu.memory_space<hbm>>
    tpu.enqueue_dma source(%dma_start3A_616 : memref<32768xf32, #tpu.memory_space<hbm>>) target(%arg6 : memref<32768xf32, #tpu.memory_space<vmem>>) target_semaphore(%arg11 : memref<!tpu.dma_semaphore, #tpu.memory_space<semaphore_mem>>)
    %scan3A_617 = arith.constant 0 : i32
    %scan3A_618 = arith.constant 0 : i32
    %scan3A_619 = arith.constant 64 : i32
    %scan3A_620 = arith.addi %scan3A_618, %scan3A_619 : i32
    %scan3A_621 = arith.constant 1 : i32
    scf.for %scan3A_1775 = %scan3A_618 to %scan3A_620 step %scan3A_621  : i32 {
      %mul3A_1776 = arith.constant 16 : i32
      %mul3A_1777 = arith.muli %scan3A_1775, %mul3A_1776 : i32
      %swap3A_1778 = arith.index_cast %mul3A_1777 : i32 to index
      %swap3A_1779 = tpu.vector_load %arg8[%swap3A_1778] {strides = array<i32>} : memref<1024xf32, #tpu.memory_space<vmem>>, vector<16xf32>,
      tpu.vector_store %arg8[%swap3A_1778], %broadcast_in_dim3A_3 {strides = array<i32>} : memref<1024xf32, #tpu.memory_space<vmem>>, vector<16xf32>,
    }
    %scan3A_622 = arith.constant 64 : i32
    %dma_wait3A_623 = tpu.memref_slice %arg2[%add3A_79] : memref<12582912xf32, #tpu.memory_space<hbm>> -> memref<32768xf32, #tpu.memory_space<hbm>>
    %dma_wait3A_624 = tpu.memref_slice %arg2[%add3A_79] : memref<12582912xf32, #tpu.memory_space<hbm>> -> memref<32768xf32, #tpu.memory_space<hbm>>
    tpu.wait_dma2 semaphore(%arg10 : memref<!tpu.dma_semaphore, #tpu.memory_space<semaphore_mem>>) src(%dma_wait3A_624 : memref<32768xf32, #tpu.memory_space<hbm>>) dst(%arg5 : memref<32768xf32, #tpu.memory_space<vmem>>)
    %parallel_loop3A_625 = arith.constant 0 : i32
    %parallel_loop3A_626 = arith.constant 2048 : i32
    %parallel_loop3A_627 = arith.constant 1 : i32
    scf.for %parallel_loop3A_1775 = %parallel_loop3A_625 to %parallel_loop3A_626 step %parallel_loop3A_627  : i32 {
      %parallel_loop3A_1776 = arith.constant 16 : i32
      %parallel_loop3A_1777 = arith.muli %parallel_loop3A_1775, %parallel_loop3A_1776 : i32
      %parallel_loop3A_1778 = arith.index_cast %parallel_loop3A_1777 : i32 to index
      %parallel_loop3A_1779 = tpu.vector_load %arg5[%parallel_loop3A_1778] {strides = array<i32>} : memref<32768xf32, #tpu.memory_space<vmem>>, vector<16xf32>,
      %parallel_loop3A_1780 = arith.mulf %parallel_loop3A_1779, %div3A_14 : vector<16xf32>
      %parallel_loop3A_1781 = arith.fptosi %parallel_loop3A_1780 : vector<16xf32> to vector<16xi32>
      %parallel_loop3A_1782 = arith.constant -16 : i32
      %parallel_loop3A_1783 = vector.broadcast %parallel_loop3A_1782 : i32 to vector<16xi32>
      %parallel_loop3A_1784 = arith.andi %parallel_loop3A_1781, %parallel_loop3A_1783 : vector<16xi32>
      %parallel_loop3A_1785 = arith.addi %parallel_loop3A_1784, %iota3A : vector<16xi32>
      tpu.vector_store_idx %arg8[%parallel_loop3A_1785], %broadcast_in_dim3A_1 {add = true} : memref<1024xf32, #tpu.memory_space<vmem>>[vector<16xi32>], vector<16xf32>,
    } {sc.loop_unroll_factor = 8 : i64, sc.parallel_access}
    %mul3A_628 = arith.constant 3 : i32
    %mul3A_629 = arith.muli %add3A, %mul3A_628 : i32
    %add3A_630 = arith.constant 1 : i32
    %add3A_631 = arith.addi %mul3A_629, %add3A_630 : i32
    %mul3A_632 = arith.constant 131072 : i32
    %mul3A_633 = arith.muli %add3A_631, %mul3A_632 : i32
    %add3A_634 = arith.constant 65536 : i32
    %add3A_635 = arith.addi %mul3A_633, %add3A_634 : i32
    %dma_start3A_636 = tpu.memref_slice %arg2[%add3A_635] : memref<12582912xf32, #tpu.memory_space<hbm>> -> memref<32768xf32, #tpu.memory_space<hbm>>
    %dma_start3A_637 = tpu.memref_slice %arg2[%add3A_635] : memref<12582912xf32, #tpu.memory_space<hbm>> -> memref<32768xf32, #tpu.memory_space<hbm>>
    tpu.enqueue_dma source(%dma_start3A_637 : memref<32768xf32, #tpu.memory_space<hbm>>) target(%arg5 : memref<32768xf32, #tpu.memory_space<vmem>>) target_semaphore(%arg10 : memref<!tpu.dma_semaphore, #tpu.memory_space<semaphore_mem>>)
    %dma_wait3A_638 = tpu.memref_slice %arg2[%add3A_614] : memref<12582912xf32, #tpu.memory_space<hbm>> -> memref<32768xf32, #tpu.memory_space<hbm>>
    %dma_wait3A_639 = tpu.memref_slice %arg2[%add3A_614] : memref<12582912xf32, #tpu.memory_space<hbm>> -> memref<32768xf32, #tpu.memory_space<hbm>>
    tpu.wait_dma2 semaphore(%arg11 : memref<!tpu.dma_semaphore, #tpu.memory_space<semaphore_mem>>) src(%dma_wait3A_639 : memref<32768xf32, #tpu.memory_space<hbm>>) dst(%arg6 : memref<32768xf32, #tpu.memory_space<vmem>>)
    %parallel_loop3A_640 = arith.constant 0 : i32
    %parallel_loop3A_641 = arith.constant 2048 : i32
    %parallel_loop3A_642 = arith.constant 1 : i32
    scf.for %parallel_loop3A_1775 = %parallel_loop3A_640 to %parallel_loop3A_641 step %parallel_loop3A_642  : i32 {
      %parallel_loop3A_1776 = arith.constant 16 : i32
      %parallel_loop3A_1777 = arith.muli %parallel_loop3A_1775, %parallel_loop3A_1776 : i32
      %parallel_loop3A_1778 = arith.index_cast %parallel_loop3A_1777 : i32 to index
      %parallel_loop3A_1779 = tpu.vector_load %arg6[%parallel_loop3A_1778] {strides = array<i32>} : memref<32768xf32, #tpu.memory_space<vmem>>, vector<16xf32>,
      %parallel_loop3A_1780 = arith.mulf %parallel_loop3A_1779, %div3A_14 : vector<16xf32>
      %parallel_loop3A_1781 = arith.fptosi %parallel_loop3A_1780 : vector<16xf32> to vector<16xi32>
      %parallel_loop3A_1782 = arith.constant -16 : i32
      %parallel_loop3A_1783 = vector.broadcast %parallel_loop3A_1782 : i32 to vector<16xi32>
      %parallel_loop3A_1784 = arith.andi %parallel_loop3A_1781, %parallel_loop3A_1783 : vector<16xi32>
      %parallel_loop3A_1785 = arith.addi %parallel_loop3A_1784, %iota3A : vector<16xi32>
      tpu.vector_store_idx %arg8[%parallel_loop3A_1785], %broadcast_in_dim3A_1 {add = true} : memref<1024xf32, #tpu.memory_space<vmem>>[vector<16xi32>], vector<16xf32>,
    } {sc.loop_unroll_factor = 8 : i64, sc.parallel_access}
    %mul3A_643 = arith.constant 3 : i32
    %mul3A_644 = arith.muli %add3A, %mul3A_643 : i32
    %add3A_645 = arith.constant 1 : i32
    %add3A_646 = arith.addi %mul3A_644, %add3A_645 : i32
    %mul3A_647 = arith.constant 131072 : i32
    %mul3A_648 = arith.muli %add3A_646, %mul3A_647 : i32
    %add3A_649 = arith.constant 98304 : i32
    %add3A_650 = arith.addi %mul3A_648, %add3A_649 : i32
    %dma_start3A_651 = tpu.memref_slice %arg2[%add3A_650] : memref<12582912xf32, #tpu.memory_space<hbm>> -> memref<32768xf32, #tpu.memory_space<hbm>>
    %dma_start3A_652 = tpu.memref_slice %arg2[%add3A_650] : memref<12582912xf32, #tpu.memory_space<hbm>> -> memref<32768xf32, #tpu.memory_space<hbm>>
    tpu.enqueue_dma source(%dma_start3A_652 : memref<32768xf32, #tpu.memory_space<hbm>>) target(%arg6 : memref<32768xf32, #tpu.memory_space<vmem>>) target_semaphore(%arg11 : memref<!tpu.dma_semaphore, #tpu.memory_space<semaphore_mem>>)
    %dma_wait3A_653 = tpu.memref_slice %arg2[%add3A_635] : memref<12582912xf32, #tpu.memory_space<hbm>> -> memref<32768xf32, #tpu.memory_space<hbm>>
    %dma_wait3A_654 = tpu.memref_slice %arg2[%add3A_635] : memref<12582912xf32, #tpu.memory_space<hbm>> -> memref<32768xf32, #tpu.memory_space<hbm>>
    tpu.wait_dma2 semaphore(%arg10 : memref<!tpu.dma_semaphore, #tpu.memory_space<semaphore_mem>>) src(%dma_wait3A_654 : memref<32768xf32, #tpu.memory_space<hbm>>) dst(%arg5 : memref<32768xf32, #tpu.memory_space<vmem>>)
    %parallel_loop3A_655 = arith.constant 0 : i32
    %parallel_loop3A_656 = arith.constant 2048 : i32
    %parallel_loop3A_657 = arith.constant 1 : i32
    scf.for %parallel_loop3A_1775 = %parallel_loop3A_655 to %parallel_loop3A_656 step %parallel_loop3A_657  : i32 {
      %parallel_loop3A_1776 = arith.constant 16 : i32
      %parallel_loop3A_1777 = arith.muli %parallel_loop3A_1775, %parallel_loop3A_1776 : i32
      %parallel_loop3A_1778 = arith.index_cast %parallel_loop3A_1777 : i32 to index
      %parallel_loop3A_1779 = tpu.vector_load %arg5[%parallel_loop3A_1778] {strides = array<i32>} : memref<32768xf32, #tpu.memory_space<vmem>>, vector<16xf32>,
      %parallel_loop3A_1780 = arith.mulf %parallel_loop3A_1779, %div3A_14 : vector<16xf32>
      %parallel_loop3A_1781 = arith.fptosi %parallel_loop3A_1780 : vector<16xf32> to vector<16xi32>
      %parallel_loop3A_1782 = arith.constant -16 : i32
      %parallel_loop3A_1783 = vector.broadcast %parallel_loop3A_1782 : i32 to vector<16xi32>
      %parallel_loop3A_1784 = arith.andi %parallel_loop3A_1781, %parallel_loop3A_1783 : vector<16xi32>
      %parallel_loop3A_1785 = arith.addi %parallel_loop3A_1784, %iota3A : vector<16xi32>
      tpu.vector_store_idx %arg8[%parallel_loop3A_1785], %broadcast_in_dim3A_1 {add = true} : memref<1024xf32, #tpu.memory_space<vmem>>[vector<16xi32>], vector<16xf32>,
    } {sc.loop_unroll_factor = 8 : i64, sc.parallel_access}
    %mul3A_658 = arith.constant 3 : i32
    %mul3A_659 = arith.muli %add3A, %mul3A_658 : i32
    %add3A_660 = arith.constant 2 : i32
    %add3A_661 = arith.addi %mul3A_659, %add3A_660 : i32
    %mul3A_662 = arith.constant 131072 : i32
    %mul3A_663 = arith.muli %add3A_661, %mul3A_662 : i32
    %add3A_664 = arith.constant 0 : i32
    %add3A_665 = arith.addi %mul3A_663, %add3A_664 : i32
    %dma_start3A_666 = tpu.memref_slice %arg2[%add3A_665] : memref<12582912xf32, #tpu.memory_space<hbm>> -> memref<32768xf32, #tpu.memory_space<hbm>>
    %dma_start3A_667 = tpu.memref_slice %arg2[%add3A_665] : memref<12582912xf32, #tpu.memory_space<hbm>> -> memref<32768xf32, #tpu.memory_space<hbm>>
    tpu.enqueue_dma source(%dma_start3A_667 : memref<32768xf32, #tpu.memory_space<hbm>>) target(%arg5 : memref<32768xf32, #tpu.memory_space<vmem>>) target_semaphore(%arg10 : memref<!tpu.dma_semaphore, #tpu.memory_space<semaphore_mem>>)
    %dma_wait3A_668 = tpu.memref_slice %arg2[%add3A_650] : memref<12582912xf32, #tpu.memory_space<hbm>> -> memref<32768xf32, #tpu.memory_space<hbm>>
    %dma_wait3A_669 = tpu.memref_slice %arg2[%add3A_650] : memref<12582912xf32, #tpu.memory_space<hbm>> -> memref<32768xf32, #tpu.memory_space<hbm>>
    tpu.wait_dma2 semaphore(%arg11 : memref<!tpu.dma_semaphore, #tpu.memory_space<semaphore_mem>>) src(%dma_wait3A_669 : memref<32768xf32, #tpu.memory_space<hbm>>) dst(%arg6 : memref<32768xf32, #tpu.memory_space<vmem>>)
    %parallel_loop3A_670 = arith.constant 0 : i32
    %parallel_loop3A_671 = arith.constant 2048 : i32
    %parallel_loop3A_672 = arith.constant 1 : i32
    scf.for %parallel_loop3A_1775 = %parallel_loop3A_670 to %parallel_loop3A_671 step %parallel_loop3A_672  : i32 {
      %parallel_loop3A_1776 = arith.constant 16 : i32
      %parallel_loop3A_1777 = arith.muli %parallel_loop3A_1775, %parallel_loop3A_1776 : i32
      %parallel_loop3A_1778 = arith.index_cast %parallel_loop3A_1777 : i32 to index
      %parallel_loop3A_1779 = tpu.vector_load %arg6[%parallel_loop3A_1778] {strides = array<i32>} : memref<32768xf32, #tpu.memory_space<vmem>>, vector<16xf32>,
      %parallel_loop3A_1780 = arith.mulf %parallel_loop3A_1779, %div3A_14 : vector<16xf32>
      %parallel_loop3A_1781 = arith.fptosi %parallel_loop3A_1780 : vector<16xf32> to vector<16xi32>
      %parallel_loop3A_1782 = arith.constant -16 : i32
      %parallel_loop3A_1783 = vector.broadcast %parallel_loop3A_1782 : i32 to vector<16xi32>
      %parallel_loop3A_1784 = arith.andi %parallel_loop3A_1781, %parallel_loop3A_1783 : vector<16xi32>
      %parallel_loop3A_1785 = arith.addi %parallel_loop3A_1784, %iota3A : vector<16xi32>
      tpu.vector_store_idx %arg8[%parallel_loop3A_1785], %broadcast_in_dim3A_1 {add = true} : memref<1024xf32, #tpu.memory_space<vmem>>[vector<16xi32>], vector<16xf32>,
    } {sc.loop_unroll_factor = 8 : i64, sc.parallel_access}
    %mul3A_673 = arith.constant 3 : i32
    %mul3A_674 = arith.muli %add3A, %mul3A_673 : i32
    %add3A_675 = arith.constant 1 : i32
    %add3A_676 = arith.addi %mul3A_674, %add3A_675 : i32
    %mul3A_677 = arith.constant 16 : i32
    %mul3A_678 = vector.broadcast %mul3A_677 : i32 to vector<16xi32>
    %mul3A_679 = arith.muli %iota3A, %mul3A_678 : vector<16xi32>
    %add3A_680 = arith.constant 0 : i32
    %add3A_681 = vector.broadcast %add3A_680 : i32 to vector<16xi32>
    %add3A_682 = arith.addi %mul3A_679, %add3A_681 : vector<16xi32>
    %gather3A_683 = tpu.vector_load_idx %arg8[%add3A_682] : memref<1024xf32, #tpu.memory_space<vmem>>[vector<16xi32>], vector<16xf32>,
    %mul3A_684 = arith.constant 16 : i32
    %mul3A_685 = vector.broadcast %mul3A_684 : i32 to vector<16xi32>
    %mul3A_686 = arith.muli %iota3A, %mul3A_685 : vector<16xi32>
    %add3A_687 = arith.constant 1 : i32
    %add3A_688 = vector.broadcast %add3A_687 : i32 to vector<16xi32>
    %add3A_689 = arith.addi %mul3A_686, %add3A_688 : vector<16xi32>
    %gather3A_690 = tpu.vector_load_idx %arg8[%add3A_689] : memref<1024xf32, #tpu.memory_space<vmem>>[vector<16xi32>], vector<16xf32>,
    %mul3A_691 = arith.constant 16 : i32
    %mul3A_692 = vector.broadcast %mul3A_691 : i32 to vector<16xi32>
    %mul3A_693 = arith.muli %iota3A, %mul3A_692 : vector<16xi32>
    %add3A_694 = arith.constant 2 : i32
    %add3A_695 = vector.broadcast %add3A_694 : i32 to vector<16xi32>
    %add3A_696 = arith.addi %mul3A_693, %add3A_695 : vector<16xi32>
    %gather3A_697 = tpu.vector_load_idx %arg8[%add3A_696] : memref<1024xf32, #tpu.memory_space<vmem>>[vector<16xi32>], vector<16xf32>,
    %mul3A_698 = arith.constant 16 : i32
    %mul3A_699 = vector.broadcast %mul3A_698 : i32 to vector<16xi32>
    %mul3A_700 = arith.muli %iota3A, %mul3A_699 : vector<16xi32>
    %add3A_701 = arith.constant 3 : i32
    %add3A_702 = vector.broadcast %add3A_701 : i32 to vector<16xi32>
    %add3A_703 = arith.addi %mul3A_700, %add3A_702 : vector<16xi32>
    %gather3A_704 = tpu.vector_load_idx %arg8[%add3A_703] : memref<1024xf32, #tpu.memory_space<vmem>>[vector<16xi32>], vector<16xf32>,
    %mul3A_705 = arith.constant 16 : i32
    %mul3A_706 = vector.broadcast %mul3A_705 : i32 to vector<16xi32>
    %mul3A_707 = arith.muli %iota3A, %mul3A_706 : vector<16xi32>
    %add3A_708 = arith.constant 4 : i32
    %add3A_709 = vector.broadcast %add3A_708 : i32 to vector<16xi32>
    %add3A_710 = arith.addi %mul3A_707, %add3A_709 : vector<16xi32>
    %gather3A_711 = tpu.vector_load_idx %arg8[%add3A_710] : memref<1024xf32, #tpu.memory_space<vmem>>[vector<16xi32>], vector<16xf32>,
    %mul3A_712 = arith.constant 16 : i32
    %mul3A_713 = vector.broadcast %mul3A_712 : i32 to vector<16xi32>
    %mul3A_714 = arith.muli %iota3A, %mul3A_713 : vector<16xi32>
    %add3A_715 = arith.constant 5 : i32
    %add3A_716 = vector.broadcast %add3A_715 : i32 to vector<16xi32>
    %add3A_717 = arith.addi %mul3A_714, %add3A_716 : vector<16xi32>
    %gather3A_718 = tpu.vector_load_idx %arg8[%add3A_717] : memref<1024xf32, #tpu.memory_space<vmem>>[vector<16xi32>], vector<16xf32>,
    %mul3A_719 = arith.constant 16 : i32
    %mul3A_720 = vector.broadcast %mul3A_719 : i32 to vector<16xi32>
    %mul3A_721 = arith.muli %iota3A, %mul3A_720 : vector<16xi32>
    %add3A_722 = arith.constant 6 : i32
    %add3A_723 = vector.broadcast %add3A_722 : i32 to vector<16xi32>
    %add3A_724 = arith.addi %mul3A_721, %add3A_723 : vector<16xi32>
    %gather3A_725 = tpu.vector_load_idx %arg8[%add3A_724] : memref<1024xf32, #tpu.memory_space<vmem>>[vector<16xi32>], vector<16xf32>,
    %mul3A_726 = arith.constant 16 : i32
    %mul3A_727 = vector.broadcast %mul3A_726 : i32 to vector<16xi32>
    %mul3A_728 = arith.muli %iota3A, %mul3A_727 : vector<16xi32>
    %add3A_729 = arith.constant 7 : i32
    %add3A_730 = vector.broadcast %add3A_729 : i32 to vector<16xi32>
    %add3A_731 = arith.addi %mul3A_728, %add3A_730 : vector<16xi32>
    %gather3A_732 = tpu.vector_load_idx %arg8[%add3A_731] : memref<1024xf32, #tpu.memory_space<vmem>>[vector<16xi32>], vector<16xf32>,
    %mul3A_733 = arith.constant 16 : i32
    %mul3A_734 = vector.broadcast %mul3A_733 : i32 to vector<16xi32>
    %mul3A_735 = arith.muli %iota3A, %mul3A_734 : vector<16xi32>
    %add3A_736 = arith.constant 8 : i32
    %add3A_737 = vector.broadcast %add3A_736 : i32 to vector<16xi32>
    %add3A_738 = arith.addi %mul3A_735, %add3A_737 : vector<16xi32>
    %gather3A_739 = tpu.vector_load_idx %arg8[%add3A_738] : memref<1024xf32, #tpu.memory_space<vmem>>[vector<16xi32>], vector<16xf32>,
    %mul3A_740 = arith.constant 16 : i32
    %mul3A_741 = vector.broadcast %mul3A_740 : i32 to vector<16xi32>
    %mul3A_742 = arith.muli %iota3A, %mul3A_741 : vector<16xi32>
    %add3A_743 = arith.constant 9 : i32
    %add3A_744 = vector.broadcast %add3A_743 : i32 to vector<16xi32>
    %add3A_745 = arith.addi %mul3A_742, %add3A_744 : vector<16xi32>
    %gather3A_746 = tpu.vector_load_idx %arg8[%add3A_745] : memref<1024xf32, #tpu.memory_space<vmem>>[vector<16xi32>], vector<16xf32>,
    %mul3A_747 = arith.constant 16 : i32
    %mul3A_748 = vector.broadcast %mul3A_747 : i32 to vector<16xi32>
    %mul3A_749 = arith.muli %iota3A, %mul3A_748 : vector<16xi32>
    %add3A_750 = arith.constant 10 : i32
    %add3A_751 = vector.broadcast %add3A_750 : i32 to vector<16xi32>
    %add3A_752 = arith.addi %mul3A_749, %add3A_751 : vector<16xi32>
    %gather3A_753 = tpu.vector_load_idx %arg8[%add3A_752] : memref<1024xf32, #tpu.memory_space<vmem>>[vector<16xi32>], vector<16xf32>,
    %mul3A_754 = arith.constant 16 : i32
    %mul3A_755 = vector.broadcast %mul3A_754 : i32 to vector<16xi32>
    %mul3A_756 = arith.muli %iota3A, %mul3A_755 : vector<16xi32>
    %add3A_757 = arith.constant 11 : i32
    %add3A_758 = vector.broadcast %add3A_757 : i32 to vector<16xi32>
    %add3A_759 = arith.addi %mul3A_756, %add3A_758 : vector<16xi32>
    %gather3A_760 = tpu.vector_load_idx %arg8[%add3A_759] : memref<1024xf32, #tpu.memory_space<vmem>>[vector<16xi32>], vector<16xf32>,
    %mul3A_761 = arith.constant 16 : i32
    %mul3A_762 = vector.broadcast %mul3A_761 : i32 to vector<16xi32>
    %mul3A_763 = arith.muli %iota3A, %mul3A_762 : vector<16xi32>
    %add3A_764 = arith.constant 12 : i32
    %add3A_765 = vector.broadcast %add3A_764 : i32 to vector<16xi32>
    %add3A_766 = arith.addi %mul3A_763, %add3A_765 : vector<16xi32>
    %gather3A_767 = tpu.vector_load_idx %arg8[%add3A_766] : memref<1024xf32, #tpu.memory_space<vmem>>[vector<16xi32>], vector<16xf32>,
    %mul3A_768 = arith.constant 16 : i32
    %mul3A_769 = vector.broadcast %mul3A_768 : i32 to vector<16xi32>
    %mul3A_770 = arith.muli %iota3A, %mul3A_769 : vector<16xi32>
    %add3A_771 = arith.constant 13 : i32
    %add3A_772 = vector.broadcast %add3A_771 : i32 to vector<16xi32>
    %add3A_773 = arith.addi %mul3A_770, %add3A_772 : vector<16xi32>
    %gather3A_774 = tpu.vector_load_idx %arg8[%add3A_773] : memref<1024xf32, #tpu.memory_space<vmem>>[vector<16xi32>], vector<16xf32>,
    %mul3A_775 = arith.constant 16 : i32
    %mul3A_776 = vector.broadcast %mul3A_775 : i32 to vector<16xi32>
    %mul3A_777 = arith.muli %iota3A, %mul3A_776 : vector<16xi32>
    %add3A_778 = arith.constant 14 : i32
    %add3A_779 = vector.broadcast %add3A_778 : i32 to vector<16xi32>
    %add3A_780 = arith.addi %mul3A_777, %add3A_779 : vector<16xi32>
    %gather3A_781 = tpu.vector_load_idx %arg8[%add3A_780] : memref<1024xf32, #tpu.memory_space<vmem>>[vector<16xi32>], vector<16xf32>,
    %mul3A_782 = arith.constant 16 : i32
    %mul3A_783 = vector.broadcast %mul3A_782 : i32 to vector<16xi32>
    %mul3A_784 = arith.muli %iota3A, %mul3A_783 : vector<16xi32>
    %add3A_785 = arith.constant 15 : i32
    %add3A_786 = vector.broadcast %add3A_785 : i32 to vector<16xi32>
    %add3A_787 = arith.addi %mul3A_784, %add3A_786 : vector<16xi32>
    %gather3A_788 = tpu.vector_load_idx %arg8[%add3A_787] : memref<1024xf32, #tpu.memory_space<vmem>>[vector<16xi32>], vector<16xf32>,
    %add3A_789 = arith.addf %gather3A_683, %gather3A_690 : vector<16xf32>
    %add3A_790 = arith.addf %gather3A_697, %gather3A_704 : vector<16xf32>
    %add3A_791 = arith.addf %gather3A_711, %gather3A_718 : vector<16xf32>
    %add3A_792 = arith.addf %gather3A_725, %gather3A_732 : vector<16xf32>
    %add3A_793 = arith.addf %gather3A_739, %gather3A_746 : vector<16xf32>
    %add3A_794 = arith.addf %gather3A_753, %gather3A_760 : vector<16xf32>
    %add3A_795 = arith.addf %gather3A_767, %gather3A_774 : vector<16xf32>
    %add3A_796 = arith.addf %gather3A_781, %gather3A_788 : vector<16xf32>
    %add3A_797 = arith.addf %add3A_789, %add3A_790 : vector<16xf32>
    %add3A_798 = arith.addf %add3A_791, %add3A_792 : vector<16xf32>
    %add3A_799 = arith.addf %add3A_793, %add3A_794 : vector<16xf32>
    %add3A_800 = arith.addf %add3A_795, %add3A_796 : vector<16xf32>
    %add3A_801 = arith.addf %add3A_797, %add3A_798 : vector<16xf32>
    %add3A_802 = arith.addf %add3A_799, %add3A_800 : vector<16xf32>
    %add3A_803 = arith.addf %add3A_801, %add3A_802 : vector<16xf32>
    %sub3A_804 = arith.subf %add3A_803, %select_n3A : vector<16xf32>
    %swap3A_805 = arith.constant 0 : index
    %swap3A_806 = tpu.vector_load %arg9[%swap3A_805] {strides = array<i32>} : memref<64xf32, #tpu.memory_space<vmem>>, vector<16xf32>,
    tpu.vector_store %arg9[%swap3A_805], %sub3A_804 {strides = array<i32>} : memref<64xf32, #tpu.memory_space<vmem>>, vector<16xf32>,
    %mul3A_807 = arith.constant 16 : i32
    %mul3A_808 = vector.broadcast %mul3A_807 : i32 to vector<16xi32>
    %mul3A_809 = arith.muli %iota3A, %mul3A_808 : vector<16xi32>
    %add3A_810 = arith.constant 256 : i32
    %add3A_811 = vector.broadcast %add3A_810 : i32 to vector<16xi32>
    %add3A_812 = arith.addi %mul3A_809, %add3A_811 : vector<16xi32>
    %gather3A_813 = tpu.vector_load_idx %arg8[%add3A_812] : memref<1024xf32, #tpu.memory_space<vmem>>[vector<16xi32>], vector<16xf32>,
    %mul3A_814 = arith.constant 16 : i32
    %mul3A_815 = vector.broadcast %mul3A_814 : i32 to vector<16xi32>
    %mul3A_816 = arith.muli %iota3A, %mul3A_815 : vector<16xi32>
    %add3A_817 = arith.constant 257 : i32
    %add3A_818 = vector.broadcast %add3A_817 : i32 to vector<16xi32>
    %add3A_819 = arith.addi %mul3A_816, %add3A_818 : vector<16xi32>
    %gather3A_820 = tpu.vector_load_idx %arg8[%add3A_819] : memref<1024xf32, #tpu.memory_space<vmem>>[vector<16xi32>], vector<16xf32>,
    %mul3A_821 = arith.constant 16 : i32
    %mul3A_822 = vector.broadcast %mul3A_821 : i32 to vector<16xi32>
    %mul3A_823 = arith.muli %iota3A, %mul3A_822 : vector<16xi32>
    %add3A_824 = arith.constant 258 : i32
    %add3A_825 = vector.broadcast %add3A_824 : i32 to vector<16xi32>
    %add3A_826 = arith.addi %mul3A_823, %add3A_825 : vector<16xi32>
    %gather3A_827 = tpu.vector_load_idx %arg8[%add3A_826] : memref<1024xf32, #tpu.memory_space<vmem>>[vector<16xi32>], vector<16xf32>,
    %mul3A_828 = arith.constant 16 : i32
    %mul3A_829 = vector.broadcast %mul3A_828 : i32 to vector<16xi32>
    %mul3A_830 = arith.muli %iota3A, %mul3A_829 : vector<16xi32>
    %add3A_831 = arith.constant 259 : i32
    %add3A_832 = vector.broadcast %add3A_831 : i32 to vector<16xi32>
    %add3A_833 = arith.addi %mul3A_830, %add3A_832 : vector<16xi32>
    %gather3A_834 = tpu.vector_load_idx %arg8[%add3A_833] : memref<1024xf32, #tpu.memory_space<vmem>>[vector<16xi32>], vector<16xf32>,
    %mul3A_835 = arith.constant 16 : i32
    %mul3A_836 = vector.broadcast %mul3A_835 : i32 to vector<16xi32>
    %mul3A_837 = arith.muli %iota3A, %mul3A_836 : vector<16xi32>
    %add3A_838 = arith.constant 260 : i32
    %add3A_839 = vector.broadcast %add3A_838 : i32 to vector<16xi32>
    %add3A_840 = arith.addi %mul3A_837, %add3A_839 : vector<16xi32>
    %gather3A_841 = tpu.vector_load_idx %arg8[%add3A_840] : memref<1024xf32, #tpu.memory_space<vmem>>[vector<16xi32>], vector<16xf32>,
    %mul3A_842 = arith.constant 16 : i32
    %mul3A_843 = vector.broadcast %mul3A_842 : i32 to vector<16xi32>
    %mul3A_844 = arith.muli %iota3A, %mul3A_843 : vector<16xi32>
    %add3A_845 = arith.constant 261 : i32
    %add3A_846 = vector.broadcast %add3A_845 : i32 to vector<16xi32>
    %add3A_847 = arith.addi %mul3A_844, %add3A_846 : vector<16xi32>
    %gather3A_848 = tpu.vector_load_idx %arg8[%add3A_847] : memref<1024xf32, #tpu.memory_space<vmem>>[vector<16xi32>], vector<16xf32>,
    %mul3A_849 = arith.constant 16 : i32
    %mul3A_850 = vector.broadcast %mul3A_849 : i32 to vector<16xi32>
    %mul3A_851 = arith.muli %iota3A, %mul3A_850 : vector<16xi32>
    %add3A_852 = arith.constant 262 : i32
    %add3A_853 = vector.broadcast %add3A_852 : i32 to vector<16xi32>
    %add3A_854 = arith.addi %mul3A_851, %add3A_853 : vector<16xi32>
    %gather3A_855 = tpu.vector_load_idx %arg8[%add3A_854] : memref<1024xf32, #tpu.memory_space<vmem>>[vector<16xi32>], vector<16xf32>,
    %mul3A_856 = arith.constant 16 : i32
    %mul3A_857 = vector.broadcast %mul3A_856 : i32 to vector<16xi32>
    %mul3A_858 = arith.muli %iota3A, %mul3A_857 : vector<16xi32>
    %add3A_859 = arith.constant 263 : i32
    %add3A_860 = vector.broadcast %add3A_859 : i32 to vector<16xi32>
    %add3A_861 = arith.addi %mul3A_858, %add3A_860 : vector<16xi32>
    %gather3A_862 = tpu.vector_load_idx %arg8[%add3A_861] : memref<1024xf32, #tpu.memory_space<vmem>>[vector<16xi32>], vector<16xf32>,
    %mul3A_863 = arith.constant 16 : i32
    %mul3A_864 = vector.broadcast %mul3A_863 : i32 to vector<16xi32>
    %mul3A_865 = arith.muli %iota3A, %mul3A_864 : vector<16xi32>
    %add3A_866 = arith.constant 264 : i32
    %add3A_867 = vector.broadcast %add3A_866 : i32 to vector<16xi32>
    %add3A_868 = arith.addi %mul3A_865, %add3A_867 : vector<16xi32>
    %gather3A_869 = tpu.vector_load_idx %arg8[%add3A_868] : memref<1024xf32, #tpu.memory_space<vmem>>[vector<16xi32>], vector<16xf32>,
    %mul3A_870 = arith.constant 16 : i32
    %mul3A_871 = vector.broadcast %mul3A_870 : i32 to vector<16xi32>
    %mul3A_872 = arith.muli %iota3A, %mul3A_871 : vector<16xi32>
    %add3A_873 = arith.constant 265 : i32
    %add3A_874 = vector.broadcast %add3A_873 : i32 to vector<16xi32>
    %add3A_875 = arith.addi %mul3A_872, %add3A_874 : vector<16xi32>
    %gather3A_876 = tpu.vector_load_idx %arg8[%add3A_875] : memref<1024xf32, #tpu.memory_space<vmem>>[vector<16xi32>], vector<16xf32>,
    %mul3A_877 = arith.constant 16 : i32
    %mul3A_878 = vector.broadcast %mul3A_877 : i32 to vector<16xi32>
    %mul3A_879 = arith.muli %iota3A, %mul3A_878 : vector<16xi32>
    %add3A_880 = arith.constant 266 : i32
    %add3A_881 = vector.broadcast %add3A_880 : i32 to vector<16xi32>
    %add3A_882 = arith.addi %mul3A_879, %add3A_881 : vector<16xi32>
    %gather3A_883 = tpu.vector_load_idx %arg8[%add3A_882] : memref<1024xf32, #tpu.memory_space<vmem>>[vector<16xi32>], vector<16xf32>,
    %mul3A_884 = arith.constant 16 : i32
    %mul3A_885 = vector.broadcast %mul3A_884 : i32 to vector<16xi32>
    %mul3A_886 = arith.muli %iota3A, %mul3A_885 : vector<16xi32>
    %add3A_887 = arith.constant 267 : i32
    %add3A_888 = vector.broadcast %add3A_887 : i32 to vector<16xi32>
    %add3A_889 = arith.addi %mul3A_886, %add3A_888 : vector<16xi32>
    %gather3A_890 = tpu.vector_load_idx %arg8[%add3A_889] : memref<1024xf32, #tpu.memory_space<vmem>>[vector<16xi32>], vector<16xf32>,
    %mul3A_891 = arith.constant 16 : i32
    %mul3A_892 = vector.broadcast %mul3A_891 : i32 to vector<16xi32>
    %mul3A_893 = arith.muli %iota3A, %mul3A_892 : vector<16xi32>
    %add3A_894 = arith.constant 268 : i32
    %add3A_895 = vector.broadcast %add3A_894 : i32 to vector<16xi32>
    %add3A_896 = arith.addi %mul3A_893, %add3A_895 : vector<16xi32>
    %gather3A_897 = tpu.vector_load_idx %arg8[%add3A_896] : memref<1024xf32, #tpu.memory_space<vmem>>[vector<16xi32>], vector<16xf32>,
    %mul3A_898 = arith.constant 16 : i32
    %mul3A_899 = vector.broadcast %mul3A_898 : i32 to vector<16xi32>
    %mul3A_900 = arith.muli %iota3A, %mul3A_899 : vector<16xi32>
    %add3A_901 = arith.constant 269 : i32
    %add3A_902 = vector.broadcast %add3A_901 : i32 to vector<16xi32>
    %add3A_903 = arith.addi %mul3A_900, %add3A_902 : vector<16xi32>
    %gather3A_904 = tpu.vector_load_idx %arg8[%add3A_903] : memref<1024xf32, #tpu.memory_space<vmem>>[vector<16xi32>], vector<16xf32>,
    %mul3A_905 = arith.constant 16 : i32
    %mul3A_906 = vector.broadcast %mul3A_905 : i32 to vector<16xi32>
    %mul3A_907 = arith.muli %iota3A, %mul3A_906 : vector<16xi32>
    %add3A_908 = arith.constant 270 : i32
    %add3A_909 = vector.broadcast %add3A_908 : i32 to vector<16xi32>
    %add3A_910 = arith.addi %mul3A_907, %add3A_909 : vector<16xi32>
    %gather3A_911 = tpu.vector_load_idx %arg8[%add3A_910] : memref<1024xf32, #tpu.memory_space<vmem>>[vector<16xi32>], vector<16xf32>,
    %mul3A_912 = arith.constant 16 : i32
    %mul3A_913 = vector.broadcast %mul3A_912 : i32 to vector<16xi32>
    %mul3A_914 = arith.muli %iota3A, %mul3A_913 : vector<16xi32>
    %add3A_915 = arith.constant 271 : i32
    %add3A_916 = vector.broadcast %add3A_915 : i32 to vector<16xi32>
    %add3A_917 = arith.addi %mul3A_914, %add3A_916 : vector<16xi32>
    %gather3A_918 = tpu.vector_load_idx %arg8[%add3A_917] : memref<1024xf32, #tpu.memory_space<vmem>>[vector<16xi32>], vector<16xf32>,
    %add3A_919 = arith.addf %gather3A_813, %gather3A_820 : vector<16xf32>
    %add3A_920 = arith.addf %gather3A_827, %gather3A_834 : vector<16xf32>
    %add3A_921 = arith.addf %gather3A_841, %gather3A_848 : vector<16xf32>
    %add3A_922 = arith.addf %gather3A_855, %gather3A_862 : vector<16xf32>
    %add3A_923 = arith.addf %gather3A_869, %gather3A_876 : vector<16xf32>
    %add3A_924 = arith.addf %gather3A_883, %gather3A_890 : vector<16xf32>
    %add3A_925 = arith.addf %gather3A_897, %gather3A_904 : vector<16xf32>
    %add3A_926 = arith.addf %gather3A_911, %gather3A_918 : vector<16xf32>
    %add3A_927 = arith.addf %add3A_919, %add3A_920 : vector<16xf32>
    %add3A_928 = arith.addf %add3A_921, %add3A_922 : vector<16xf32>
    %add3A_929 = arith.addf %add3A_923, %add3A_924 : vector<16xf32>
    %add3A_930 = arith.addf %add3A_925, %add3A_926 : vector<16xf32>
    %add3A_931 = arith.addf %add3A_927, %add3A_928 : vector<16xf32>
    %add3A_932 = arith.addf %add3A_929, %add3A_930 : vector<16xf32>
    %add3A_933 = arith.addf %add3A_931, %add3A_932 : vector<16xf32>
    %swap3A_934 = arith.constant 16 : index
    %swap3A_935 = tpu.vector_load %arg9[%swap3A_934] {strides = array<i32>} : memref<64xf32, #tpu.memory_space<vmem>>, vector<16xf32>,
    tpu.vector_store %arg9[%swap3A_934], %add3A_933 {strides = array<i32>} : memref<64xf32, #tpu.memory_space<vmem>>, vector<16xf32>,
    %mul3A_936 = arith.constant 16 : i32
    %mul3A_937 = vector.broadcast %mul3A_936 : i32 to vector<16xi32>
    %mul3A_938 = arith.muli %iota3A, %mul3A_937 : vector<16xi32>
    %add3A_939 = arith.constant 512 : i32
    %add3A_940 = vector.broadcast %add3A_939 : i32 to vector<16xi32>
    %add3A_941 = arith.addi %mul3A_938, %add3A_940 : vector<16xi32>
    %gather3A_942 = tpu.vector_load_idx %arg8[%add3A_941] : memref<1024xf32, #tpu.memory_space<vmem>>[vector<16xi32>], vector<16xf32>,
    %mul3A_943 = arith.constant 16 : i32
    %mul3A_944 = vector.broadcast %mul3A_943 : i32 to vector<16xi32>
    %mul3A_945 = arith.muli %iota3A, %mul3A_944 : vector<16xi32>
    %add3A_946 = arith.constant 513 : i32
    %add3A_947 = vector.broadcast %add3A_946 : i32 to vector<16xi32>
    %add3A_948 = arith.addi %mul3A_945, %add3A_947 : vector<16xi32>
    %gather3A_949 = tpu.vector_load_idx %arg8[%add3A_948] : memref<1024xf32, #tpu.memory_space<vmem>>[vector<16xi32>], vector<16xf32>,
    %mul3A_950 = arith.constant 16 : i32
    %mul3A_951 = vector.broadcast %mul3A_950 : i32 to vector<16xi32>
    %mul3A_952 = arith.muli %iota3A, %mul3A_951 : vector<16xi32>
    %add3A_953 = arith.constant 514 : i32
    %add3A_954 = vector.broadcast %add3A_953 : i32 to vector<16xi32>
    %add3A_955 = arith.addi %mul3A_952, %add3A_954 : vector<16xi32>
    %gather3A_956 = tpu.vector_load_idx %arg8[%add3A_955] : memref<1024xf32, #tpu.memory_space<vmem>>[vector<16xi32>], vector<16xf32>,
    %mul3A_957 = arith.constant 16 : i32
    %mul3A_958 = vector.broadcast %mul3A_957 : i32 to vector<16xi32>
    %mul3A_959 = arith.muli %iota3A, %mul3A_958 : vector<16xi32>
    %add3A_960 = arith.constant 515 : i32
    %add3A_961 = vector.broadcast %add3A_960 : i32 to vector<16xi32>
    %add3A_962 = arith.addi %mul3A_959, %add3A_961 : vector<16xi32>
    %gather3A_963 = tpu.vector_load_idx %arg8[%add3A_962] : memref<1024xf32, #tpu.memory_space<vmem>>[vector<16xi32>], vector<16xf32>,
    %mul3A_964 = arith.constant 16 : i32
    %mul3A_965 = vector.broadcast %mul3A_964 : i32 to vector<16xi32>
    %mul3A_966 = arith.muli %iota3A, %mul3A_965 : vector<16xi32>
    %add3A_967 = arith.constant 516 : i32
    %add3A_968 = vector.broadcast %add3A_967 : i32 to vector<16xi32>
    %add3A_969 = arith.addi %mul3A_966, %add3A_968 : vector<16xi32>
    %gather3A_970 = tpu.vector_load_idx %arg8[%add3A_969] : memref<1024xf32, #tpu.memory_space<vmem>>[vector<16xi32>], vector<16xf32>,
    %mul3A_971 = arith.constant 16 : i32
    %mul3A_972 = vector.broadcast %mul3A_971 : i32 to vector<16xi32>
    %mul3A_973 = arith.muli %iota3A, %mul3A_972 : vector<16xi32>
    %add3A_974 = arith.constant 517 : i32
    %add3A_975 = vector.broadcast %add3A_974 : i32 to vector<16xi32>
    %add3A_976 = arith.addi %mul3A_973, %add3A_975 : vector<16xi32>
    %gather3A_977 = tpu.vector_load_idx %arg8[%add3A_976] : memref<1024xf32, #tpu.memory_space<vmem>>[vector<16xi32>], vector<16xf32>,
    %mul3A_978 = arith.constant 16 : i32
    %mul3A_979 = vector.broadcast %mul3A_978 : i32 to vector<16xi32>
    %mul3A_980 = arith.muli %iota3A, %mul3A_979 : vector<16xi32>
    %add3A_981 = arith.constant 518 : i32
    %add3A_982 = vector.broadcast %add3A_981 : i32 to vector<16xi32>
    %add3A_983 = arith.addi %mul3A_980, %add3A_982 : vector<16xi32>
    %gather3A_984 = tpu.vector_load_idx %arg8[%add3A_983] : memref<1024xf32, #tpu.memory_space<vmem>>[vector<16xi32>], vector<16xf32>,
    %mul3A_985 = arith.constant 16 : i32
    %mul3A_986 = vector.broadcast %mul3A_985 : i32 to vector<16xi32>
    %mul3A_987 = arith.muli %iota3A, %mul3A_986 : vector<16xi32>
    %add3A_988 = arith.constant 519 : i32
    %add3A_989 = vector.broadcast %add3A_988 : i32 to vector<16xi32>
    %add3A_990 = arith.addi %mul3A_987, %add3A_989 : vector<16xi32>
    %gather3A_991 = tpu.vector_load_idx %arg8[%add3A_990] : memref<1024xf32, #tpu.memory_space<vmem>>[vector<16xi32>], vector<16xf32>,
    %mul3A_992 = arith.constant 16 : i32
    %mul3A_993 = vector.broadcast %mul3A_992 : i32 to vector<16xi32>
    %mul3A_994 = arith.muli %iota3A, %mul3A_993 : vector<16xi32>
    %add3A_995 = arith.constant 520 : i32
    %add3A_996 = vector.broadcast %add3A_995 : i32 to vector<16xi32>
    %add3A_997 = arith.addi %mul3A_994, %add3A_996 : vector<16xi32>
    %gather3A_998 = tpu.vector_load_idx %arg8[%add3A_997] : memref<1024xf32, #tpu.memory_space<vmem>>[vector<16xi32>], vector<16xf32>,
    %mul3A_999 = arith.constant 16 : i32
    %mul3A_1000 = vector.broadcast %mul3A_999 : i32 to vector<16xi32>
    %mul3A_1001 = arith.muli %iota3A, %mul3A_1000 : vector<16xi32>
    %add3A_1002 = arith.constant 521 : i32
    %add3A_1003 = vector.broadcast %add3A_1002 : i32 to vector<16xi32>
    %add3A_1004 = arith.addi %mul3A_1001, %add3A_1003 : vector<16xi32>
    %gather3A_1005 = tpu.vector_load_idx %arg8[%add3A_1004] : memref<1024xf32, #tpu.memory_space<vmem>>[vector<16xi32>], vector<16xf32>,
    %mul3A_1006 = arith.constant 16 : i32
    %mul3A_1007 = vector.broadcast %mul3A_1006 : i32 to vector<16xi32>
    %mul3A_1008 = arith.muli %iota3A, %mul3A_1007 : vector<16xi32>
    %add3A_1009 = arith.constant 522 : i32
    %add3A_1010 = vector.broadcast %add3A_1009 : i32 to vector<16xi32>
    %add3A_1011 = arith.addi %mul3A_1008, %add3A_1010 : vector<16xi32>
    %gather3A_1012 = tpu.vector_load_idx %arg8[%add3A_1011] : memref<1024xf32, #tpu.memory_space<vmem>>[vector<16xi32>], vector<16xf32>,
    %mul3A_1013 = arith.constant 16 : i32
    %mul3A_1014 = vector.broadcast %mul3A_1013 : i32 to vector<16xi32>
    %mul3A_1015 = arith.muli %iota3A, %mul3A_1014 : vector<16xi32>
    %add3A_1016 = arith.constant 523 : i32
    %add3A_1017 = vector.broadcast %add3A_1016 : i32 to vector<16xi32>
    %add3A_1018 = arith.addi %mul3A_1015, %add3A_1017 : vector<16xi32>
    %gather3A_1019 = tpu.vector_load_idx %arg8[%add3A_1018] : memref<1024xf32, #tpu.memory_space<vmem>>[vector<16xi32>], vector<16xf32>,
    %mul3A_1020 = arith.constant 16 : i32
    %mul3A_1021 = vector.broadcast %mul3A_1020 : i32 to vector<16xi32>
    %mul3A_1022 = arith.muli %iota3A, %mul3A_1021 : vector<16xi32>
    %add3A_1023 = arith.constant 524 : i32
    %add3A_1024 = vector.broadcast %add3A_1023 : i32 to vector<16xi32>
    %add3A_1025 = arith.addi %mul3A_1022, %add3A_1024 : vector<16xi32>
    %gather3A_1026 = tpu.vector_load_idx %arg8[%add3A_1025] : memref<1024xf32, #tpu.memory_space<vmem>>[vector<16xi32>], vector<16xf32>,
    %mul3A_1027 = arith.constant 16 : i32
    %mul3A_1028 = vector.broadcast %mul3A_1027 : i32 to vector<16xi32>
    %mul3A_1029 = arith.muli %iota3A, %mul3A_1028 : vector<16xi32>
    %add3A_1030 = arith.constant 525 : i32
    %add3A_1031 = vector.broadcast %add3A_1030 : i32 to vector<16xi32>
    %add3A_1032 = arith.addi %mul3A_1029, %add3A_1031 : vector<16xi32>
    %gather3A_1033 = tpu.vector_load_idx %arg8[%add3A_1032] : memref<1024xf32, #tpu.memory_space<vmem>>[vector<16xi32>], vector<16xf32>,
    %mul3A_1034 = arith.constant 16 : i32
    %mul3A_1035 = vector.broadcast %mul3A_1034 : i32 to vector<16xi32>
    %mul3A_1036 = arith.muli %iota3A, %mul3A_1035 : vector<16xi32>
    %add3A_1037 = arith.constant 526 : i32
    %add3A_1038 = vector.broadcast %add3A_1037 : i32 to vector<16xi32>
    %add3A_1039 = arith.addi %mul3A_1036, %add3A_1038 : vector<16xi32>
    %gather3A_1040 = tpu.vector_load_idx %arg8[%add3A_1039] : memref<1024xf32, #tpu.memory_space<vmem>>[vector<16xi32>], vector<16xf32>,
    %mul3A_1041 = arith.constant 16 : i32
    %mul3A_1042 = vector.broadcast %mul3A_1041 : i32 to vector<16xi32>
    %mul3A_1043 = arith.muli %iota3A, %mul3A_1042 : vector<16xi32>
    %add3A_1044 = arith.constant 527 : i32
    %add3A_1045 = vector.broadcast %add3A_1044 : i32 to vector<16xi32>
    %add3A_1046 = arith.addi %mul3A_1043, %add3A_1045 : vector<16xi32>
    %gather3A_1047 = tpu.vector_load_idx %arg8[%add3A_1046] : memref<1024xf32, #tpu.memory_space<vmem>>[vector<16xi32>], vector<16xf32>,
    %add3A_1048 = arith.addf %gather3A_942, %gather3A_949 : vector<16xf32>
    %add3A_1049 = arith.addf %gather3A_956, %gather3A_963 : vector<16xf32>
    %add3A_1050 = arith.addf %gather3A_970, %gather3A_977 : vector<16xf32>
    %add3A_1051 = arith.addf %gather3A_984, %gather3A_991 : vector<16xf32>
    %add3A_1052 = arith.addf %gather3A_998, %gather3A_1005 : vector<16xf32>
    %add3A_1053 = arith.addf %gather3A_1012, %gather3A_1019 : vector<16xf32>
    %add3A_1054 = arith.addf %gather3A_1026, %gather3A_1033 : vector<16xf32>
    %add3A_1055 = arith.addf %gather3A_1040, %gather3A_1047 : vector<16xf32>
    %add3A_1056 = arith.addf %add3A_1048, %add3A_1049 : vector<16xf32>
    %add3A_1057 = arith.addf %add3A_1050, %add3A_1051 : vector<16xf32>
    %add3A_1058 = arith.addf %add3A_1052, %add3A_1053 : vector<16xf32>
    %add3A_1059 = arith.addf %add3A_1054, %add3A_1055 : vector<16xf32>
    %add3A_1060 = arith.addf %add3A_1056, %add3A_1057 : vector<16xf32>
    %add3A_1061 = arith.addf %add3A_1058, %add3A_1059 : vector<16xf32>
    %add3A_1062 = arith.addf %add3A_1060, %add3A_1061 : vector<16xf32>
    %swap3A_1063 = arith.constant 32 : index
    %swap3A_1064 = tpu.vector_load %arg9[%swap3A_1063] {strides = array<i32>} : memref<64xf32, #tpu.memory_space<vmem>>, vector<16xf32>,
    tpu.vector_store %arg9[%swap3A_1063], %add3A_1062 {strides = array<i32>} : memref<64xf32, #tpu.memory_space<vmem>>, vector<16xf32>,
    %mul3A_1065 = arith.constant 16 : i32
    %mul3A_1066 = vector.broadcast %mul3A_1065 : i32 to vector<16xi32>
    %mul3A_1067 = arith.muli %iota3A, %mul3A_1066 : vector<16xi32>
    %add3A_1068 = arith.constant 768 : i32
    %add3A_1069 = vector.broadcast %add3A_1068 : i32 to vector<16xi32>
    %add3A_1070 = arith.addi %mul3A_1067, %add3A_1069 : vector<16xi32>
    %gather3A_1071 = tpu.vector_load_idx %arg8[%add3A_1070] : memref<1024xf32, #tpu.memory_space<vmem>>[vector<16xi32>], vector<16xf32>,
    %mul3A_1072 = arith.constant 16 : i32
    %mul3A_1073 = vector.broadcast %mul3A_1072 : i32 to vector<16xi32>
    %mul3A_1074 = arith.muli %iota3A, %mul3A_1073 : vector<16xi32>
    %add3A_1075 = arith.constant 769 : i32
    %add3A_1076 = vector.broadcast %add3A_1075 : i32 to vector<16xi32>
    %add3A_1077 = arith.addi %mul3A_1074, %add3A_1076 : vector<16xi32>
    %gather3A_1078 = tpu.vector_load_idx %arg8[%add3A_1077] : memref<1024xf32, #tpu.memory_space<vmem>>[vector<16xi32>], vector<16xf32>,
    %mul3A_1079 = arith.constant 16 : i32
    %mul3A_1080 = vector.broadcast %mul3A_1079 : i32 to vector<16xi32>
    %mul3A_1081 = arith.muli %iota3A, %mul3A_1080 : vector<16xi32>
    %add3A_1082 = arith.constant 770 : i32
    %add3A_1083 = vector.broadcast %add3A_1082 : i32 to vector<16xi32>
    %add3A_1084 = arith.addi %mul3A_1081, %add3A_1083 : vector<16xi32>
    %gather3A_1085 = tpu.vector_load_idx %arg8[%add3A_1084] : memref<1024xf32, #tpu.memory_space<vmem>>[vector<16xi32>], vector<16xf32>,
    %mul3A_1086 = arith.constant 16 : i32
    %mul3A_1087 = vector.broadcast %mul3A_1086 : i32 to vector<16xi32>
    %mul3A_1088 = arith.muli %iota3A, %mul3A_1087 : vector<16xi32>
    %add3A_1089 = arith.constant 771 : i32
    %add3A_1090 = vector.broadcast %add3A_1089 : i32 to vector<16xi32>
    %add3A_1091 = arith.addi %mul3A_1088, %add3A_1090 : vector<16xi32>
    %gather3A_1092 = tpu.vector_load_idx %arg8[%add3A_1091] : memref<1024xf32, #tpu.memory_space<vmem>>[vector<16xi32>], vector<16xf32>,
    %mul3A_1093 = arith.constant 16 : i32
    %mul3A_1094 = vector.broadcast %mul3A_1093 : i32 to vector<16xi32>
    %mul3A_1095 = arith.muli %iota3A, %mul3A_1094 : vector<16xi32>
    %add3A_1096 = arith.constant 772 : i32
    %add3A_1097 = vector.broadcast %add3A_1096 : i32 to vector<16xi32>
    %add3A_1098 = arith.addi %mul3A_1095, %add3A_1097 : vector<16xi32>
    %gather3A_1099 = tpu.vector_load_idx %arg8[%add3A_1098] : memref<1024xf32, #tpu.memory_space<vmem>>[vector<16xi32>], vector<16xf32>,
    %mul3A_1100 = arith.constant 16 : i32
    %mul3A_1101 = vector.broadcast %mul3A_1100 : i32 to vector<16xi32>
    %mul3A_1102 = arith.muli %iota3A, %mul3A_1101 : vector<16xi32>
    %add3A_1103 = arith.constant 773 : i32
    %add3A_1104 = vector.broadcast %add3A_1103 : i32 to vector<16xi32>
    %add3A_1105 = arith.addi %mul3A_1102, %add3A_1104 : vector<16xi32>
    %gather3A_1106 = tpu.vector_load_idx %arg8[%add3A_1105] : memref<1024xf32, #tpu.memory_space<vmem>>[vector<16xi32>], vector<16xf32>,
    %mul3A_1107 = arith.constant 16 : i32
    %mul3A_1108 = vector.broadcast %mul3A_1107 : i32 to vector<16xi32>
    %mul3A_1109 = arith.muli %iota3A, %mul3A_1108 : vector<16xi32>
    %add3A_1110 = arith.constant 774 : i32
    %add3A_1111 = vector.broadcast %add3A_1110 : i32 to vector<16xi32>
    %add3A_1112 = arith.addi %mul3A_1109, %add3A_1111 : vector<16xi32>
    %gather3A_1113 = tpu.vector_load_idx %arg8[%add3A_1112] : memref<1024xf32, #tpu.memory_space<vmem>>[vector<16xi32>], vector<16xf32>,
    %mul3A_1114 = arith.constant 16 : i32
    %mul3A_1115 = vector.broadcast %mul3A_1114 : i32 to vector<16xi32>
    %mul3A_1116 = arith.muli %iota3A, %mul3A_1115 : vector<16xi32>
    %add3A_1117 = arith.constant 775 : i32
    %add3A_1118 = vector.broadcast %add3A_1117 : i32 to vector<16xi32>
    %add3A_1119 = arith.addi %mul3A_1116, %add3A_1118 : vector<16xi32>
    %gather3A_1120 = tpu.vector_load_idx %arg8[%add3A_1119] : memref<1024xf32, #tpu.memory_space<vmem>>[vector<16xi32>], vector<16xf32>,
    %mul3A_1121 = arith.constant 16 : i32
    %mul3A_1122 = vector.broadcast %mul3A_1121 : i32 to vector<16xi32>
    %mul3A_1123 = arith.muli %iota3A, %mul3A_1122 : vector<16xi32>
    %add3A_1124 = arith.constant 776 : i32
    %add3A_1125 = vector.broadcast %add3A_1124 : i32 to vector<16xi32>
    %add3A_1126 = arith.addi %mul3A_1123, %add3A_1125 : vector<16xi32>
    %gather3A_1127 = tpu.vector_load_idx %arg8[%add3A_1126] : memref<1024xf32, #tpu.memory_space<vmem>>[vector<16xi32>], vector<16xf32>,
    %mul3A_1128 = arith.constant 16 : i32
    %mul3A_1129 = vector.broadcast %mul3A_1128 : i32 to vector<16xi32>
    %mul3A_1130 = arith.muli %iota3A, %mul3A_1129 : vector<16xi32>
    %add3A_1131 = arith.constant 777 : i32
    %add3A_1132 = vector.broadcast %add3A_1131 : i32 to vector<16xi32>
    %add3A_1133 = arith.addi %mul3A_1130, %add3A_1132 : vector<16xi32>
    %gather3A_1134 = tpu.vector_load_idx %arg8[%add3A_1133] : memref<1024xf32, #tpu.memory_space<vmem>>[vector<16xi32>], vector<16xf32>,
    %mul3A_1135 = arith.constant 16 : i32
    %mul3A_1136 = vector.broadcast %mul3A_1135 : i32 to vector<16xi32>
    %mul3A_1137 = arith.muli %iota3A, %mul3A_1136 : vector<16xi32>
    %add3A_1138 = arith.constant 778 : i32
    %add3A_1139 = vector.broadcast %add3A_1138 : i32 to vector<16xi32>
    %add3A_1140 = arith.addi %mul3A_1137, %add3A_1139 : vector<16xi32>
    %gather3A_1141 = tpu.vector_load_idx %arg8[%add3A_1140] : memref<1024xf32, #tpu.memory_space<vmem>>[vector<16xi32>], vector<16xf32>,
    %mul3A_1142 = arith.constant 16 : i32
    %mul3A_1143 = vector.broadcast %mul3A_1142 : i32 to vector<16xi32>
    %mul3A_1144 = arith.muli %iota3A, %mul3A_1143 : vector<16xi32>
    %add3A_1145 = arith.constant 779 : i32
    %add3A_1146 = vector.broadcast %add3A_1145 : i32 to vector<16xi32>
    %add3A_1147 = arith.addi %mul3A_1144, %add3A_1146 : vector<16xi32>
    %gather3A_1148 = tpu.vector_load_idx %arg8[%add3A_1147] : memref<1024xf32, #tpu.memory_space<vmem>>[vector<16xi32>], vector<16xf32>,
    %mul3A_1149 = arith.constant 16 : i32
    %mul3A_1150 = vector.broadcast %mul3A_1149 : i32 to vector<16xi32>
    %mul3A_1151 = arith.muli %iota3A, %mul3A_1150 : vector<16xi32>
    %add3A_1152 = arith.constant 780 : i32
    %add3A_1153 = vector.broadcast %add3A_1152 : i32 to vector<16xi32>
    %add3A_1154 = arith.addi %mul3A_1151, %add3A_1153 : vector<16xi32>
    %gather3A_1155 = tpu.vector_load_idx %arg8[%add3A_1154] : memref<1024xf32, #tpu.memory_space<vmem>>[vector<16xi32>], vector<16xf32>,
    %mul3A_1156 = arith.constant 16 : i32
    %mul3A_1157 = vector.broadcast %mul3A_1156 : i32 to vector<16xi32>
    %mul3A_1158 = arith.muli %iota3A, %mul3A_1157 : vector<16xi32>
    %add3A_1159 = arith.constant 781 : i32
    %add3A_1160 = vector.broadcast %add3A_1159 : i32 to vector<16xi32>
    %add3A_1161 = arith.addi %mul3A_1158, %add3A_1160 : vector<16xi32>
    %gather3A_1162 = tpu.vector_load_idx %arg8[%add3A_1161] : memref<1024xf32, #tpu.memory_space<vmem>>[vector<16xi32>], vector<16xf32>,
    %mul3A_1163 = arith.constant 16 : i32
    %mul3A_1164 = vector.broadcast %mul3A_1163 : i32 to vector<16xi32>
    %mul3A_1165 = arith.muli %iota3A, %mul3A_1164 : vector<16xi32>
    %add3A_1166 = arith.constant 782 : i32
    %add3A_1167 = vector.broadcast %add3A_1166 : i32 to vector<16xi32>
    %add3A_1168 = arith.addi %mul3A_1165, %add3A_1167 : vector<16xi32>
    %gather3A_1169 = tpu.vector_load_idx %arg8[%add3A_1168] : memref<1024xf32, #tpu.memory_space<vmem>>[vector<16xi32>], vector<16xf32>,
    %mul3A_1170 = arith.constant 16 : i32
    %mul3A_1171 = vector.broadcast %mul3A_1170 : i32 to vector<16xi32>
    %mul3A_1172 = arith.muli %iota3A, %mul3A_1171 : vector<16xi32>
    %add3A_1173 = arith.constant 783 : i32
    %add3A_1174 = vector.broadcast %add3A_1173 : i32 to vector<16xi32>
    %add3A_1175 = arith.addi %mul3A_1172, %add3A_1174 : vector<16xi32>
    %gather3A_1176 = tpu.vector_load_idx %arg8[%add3A_1175] : memref<1024xf32, #tpu.memory_space<vmem>>[vector<16xi32>], vector<16xf32>,
    %add3A_1177 = arith.addf %gather3A_1071, %gather3A_1078 : vector<16xf32>
    %add3A_1178 = arith.addf %gather3A_1085, %gather3A_1092 : vector<16xf32>
    %add3A_1179 = arith.addf %gather3A_1099, %gather3A_1106 : vector<16xf32>
    %add3A_1180 = arith.addf %gather3A_1113, %gather3A_1120 : vector<16xf32>
    %add3A_1181 = arith.addf %gather3A_1127, %gather3A_1134 : vector<16xf32>
    %add3A_1182 = arith.addf %gather3A_1141, %gather3A_1148 : vector<16xf32>
    %add3A_1183 = arith.addf %gather3A_1155, %gather3A_1162 : vector<16xf32>
    %add3A_1184 = arith.addf %gather3A_1169, %gather3A_1176 : vector<16xf32>
    %add3A_1185 = arith.addf %add3A_1177, %add3A_1178 : vector<16xf32>
    %add3A_1186 = arith.addf %add3A_1179, %add3A_1180 : vector<16xf32>
    %add3A_1187 = arith.addf %add3A_1181, %add3A_1182 : vector<16xf32>
    %add3A_1188 = arith.addf %add3A_1183, %add3A_1184 : vector<16xf32>
    %add3A_1189 = arith.addf %add3A_1185, %add3A_1186 : vector<16xf32>
    %add3A_1190 = arith.addf %add3A_1187, %add3A_1188 : vector<16xf32>
    %add3A_1191 = arith.addf %add3A_1189, %add3A_1190 : vector<16xf32>
    %swap3A_1192 = arith.constant 48 : index
    %swap3A_1193 = tpu.vector_load %arg9[%swap3A_1192] {strides = array<i32>} : memref<64xf32, #tpu.memory_space<vmem>>, vector<16xf32>,
    tpu.vector_store %arg9[%swap3A_1192], %add3A_1191 {strides = array<i32>} : memref<64xf32, #tpu.memory_space<vmem>>, vector<16xf32>,
    %mul3A_1194 = arith.constant 64 : i32
    %mul3A_1195 = arith.muli %add3A_676, %mul3A_1194 : i32
    "tpu.region"() ({
      %run_scoped3A = tpu.sem_alloc : memref<!tpu.dma_semaphore, #tpu.memory_space<semaphore_mem>>
      %dma_start3A_1775 = tpu.memref_slice %arg4[%mul3A_1195] : memref<6144xf32, #tpu.memory_space<hbm>> -> memref<64xf32, #tpu.memory_space<hbm>>
      %dma_start3A_1776 = tpu.memref_slice %arg4[%mul3A_1195] : memref<6144xf32, #tpu.memory_space<hbm>> -> memref<64xf32, #tpu.memory_space<hbm>>
      tpu.enqueue_dma source(%arg9 : memref<64xf32, #tpu.memory_space<vmem>>) target(%dma_start3A_1776 : memref<64xf32, #tpu.memory_space<hbm>>) target_semaphore(%run_scoped3A : memref<!tpu.dma_semaphore, #tpu.memory_space<semaphore_mem>>)
      %dma_wait3A_1777 = tpu.memref_slice %arg4[%mul3A_1195] : memref<6144xf32, #tpu.memory_space<hbm>> -> memref<64xf32, #tpu.memory_space<hbm>>
      %dma_wait3A_1778 = tpu.memref_slice %arg4[%mul3A_1195] : memref<6144xf32, #tpu.memory_space<hbm>> -> memref<64xf32, #tpu.memory_space<hbm>>
      tpu.wait_dma2 semaphore(%run_scoped3A : memref<!tpu.dma_semaphore, #tpu.memory_space<semaphore_mem>>) src(%arg9 : memref<64xf32, #tpu.memory_space<vmem>>) dst(%dma_wait3A_1778 : memref<64xf32, #tpu.memory_space<hbm>>)
      tpu.yield
    }) : () -> ()
    %mul3A_1196 = arith.constant 3 : i32
    %mul3A_1197 = arith.muli %add3A, %mul3A_1196 : i32
    %add3A_1198 = arith.constant 2 : i32
    %add3A_1199 = arith.addi %mul3A_1197, %add3A_1198 : i32
    %mul3A_1200 = arith.constant 131072 : i32
    %mul3A_1201 = arith.muli %add3A_1199, %mul3A_1200 : i32
    %add3A_1202 = arith.constant 32768 : i32
    %add3A_1203 = arith.addi %mul3A_1201, %add3A_1202 : i32
    %dma_start3A_1204 = tpu.memref_slice %arg2[%add3A_1203] : memref<12582912xf32, #tpu.memory_space<hbm>> -> memref<32768xf32, #tpu.memory_space<hbm>>
    %dma_start3A_1205 = tpu.memref_slice %arg2[%add3A_1203] : memref<12582912xf32, #tpu.memory_space<hbm>> -> memref<32768xf32, #tpu.memory_space<hbm>>
    tpu.enqueue_dma source(%dma_start3A_1205 : memref<32768xf32, #tpu.memory_space<hbm>>) target(%arg6 : memref<32768xf32, #tpu.memory_space<vmem>>) target_semaphore(%arg11 : memref<!tpu.dma_semaphore, #tpu.memory_space<semaphore_mem>>)
    %scan3A_1206 = arith.constant 0 : i32
    %scan3A_1207 = arith.constant 0 : i32
    %scan3A_1208 = arith.constant 64 : i32
    %scan3A_1209 = arith.addi %scan3A_1207, %scan3A_1208 : i32
    %scan3A_1210 = arith.constant 1 : i32
    scf.for %scan3A_1775 = %scan3A_1207 to %scan3A_1209 step %scan3A_1210  : i32 {
      %mul3A_1776 = arith.constant 16 : i32
      %mul3A_1777 = arith.muli %scan3A_1775, %mul3A_1776 : i32
      %swap3A_1778 = arith.index_cast %mul3A_1777 : i32 to index
      %swap3A_1779 = tpu.vector_load %arg8[%swap3A_1778] {strides = array<i32>} : memref<1024xf32, #tpu.memory_space<vmem>>, vector<16xf32>,
      tpu.vector_store %arg8[%swap3A_1778], %broadcast_in_dim3A_3 {strides = array<i32>} : memref<1024xf32, #tpu.memory_space<vmem>>, vector<16xf32>,
    }
    %scan3A_1211 = arith.constant 64 : i32
    %dma_wait3A_1212 = tpu.memref_slice %arg2[%add3A_665] : memref<12582912xf32, #tpu.memory_space<hbm>> -> memref<32768xf32, #tpu.memory_space<hbm>>
    %dma_wait3A_1213 = tpu.memref_slice %arg2[%add3A_665] : memref<12582912xf32, #tpu.memory_space<hbm>> -> memref<32768xf32, #tpu.memory_space<hbm>>
    tpu.wait_dma2 semaphore(%arg10 : memref<!tpu.dma_semaphore, #tpu.memory_space<semaphore_mem>>) src(%dma_wait3A_1213 : memref<32768xf32, #tpu.memory_space<hbm>>) dst(%arg5 : memref<32768xf32, #tpu.memory_space<vmem>>)
    %parallel_loop3A_1214 = arith.constant 0 : i32
    %parallel_loop3A_1215 = arith.constant 2048 : i32
    %parallel_loop3A_1216 = arith.constant 1 : i32
    scf.for %parallel_loop3A_1775 = %parallel_loop3A_1214 to %parallel_loop3A_1215 step %parallel_loop3A_1216  : i32 {
      %parallel_loop3A_1776 = arith.constant 16 : i32
      %parallel_loop3A_1777 = arith.muli %parallel_loop3A_1775, %parallel_loop3A_1776 : i32
      %parallel_loop3A_1778 = arith.index_cast %parallel_loop3A_1777 : i32 to index
      %parallel_loop3A_1779 = tpu.vector_load %arg5[%parallel_loop3A_1778] {strides = array<i32>} : memref<32768xf32, #tpu.memory_space<vmem>>, vector<16xf32>,
      %parallel_loop3A_1780 = arith.mulf %parallel_loop3A_1779, %div3A_14 : vector<16xf32>
      %parallel_loop3A_1781 = arith.fptosi %parallel_loop3A_1780 : vector<16xf32> to vector<16xi32>
      %parallel_loop3A_1782 = arith.constant -16 : i32
      %parallel_loop3A_1783 = vector.broadcast %parallel_loop3A_1782 : i32 to vector<16xi32>
      %parallel_loop3A_1784 = arith.andi %parallel_loop3A_1781, %parallel_loop3A_1783 : vector<16xi32>
      %parallel_loop3A_1785 = arith.addi %parallel_loop3A_1784, %iota3A : vector<16xi32>
      tpu.vector_store_idx %arg8[%parallel_loop3A_1785], %broadcast_in_dim3A_1 {add = true} : memref<1024xf32, #tpu.memory_space<vmem>>[vector<16xi32>], vector<16xf32>,
    } {sc.loop_unroll_factor = 8 : i64, sc.parallel_access}
    %mul3A_1217 = arith.constant 3 : i32
    %mul3A_1218 = arith.muli %add3A, %mul3A_1217 : i32
    %add3A_1219 = arith.constant 2 : i32
    %add3A_1220 = arith.addi %mul3A_1218, %add3A_1219 : i32
    %mul3A_1221 = arith.constant 131072 : i32
    %mul3A_1222 = arith.muli %add3A_1220, %mul3A_1221 : i32
    %add3A_1223 = arith.constant 65536 : i32
    %add3A_1224 = arith.addi %mul3A_1222, %add3A_1223 : i32
    %dma_start3A_1225 = tpu.memref_slice %arg2[%add3A_1224] : memref<12582912xf32, #tpu.memory_space<hbm>> -> memref<32768xf32, #tpu.memory_space<hbm>>
    %dma_start3A_1226 = tpu.memref_slice %arg2[%add3A_1224] : memref<12582912xf32, #tpu.memory_space<hbm>> -> memref<32768xf32, #tpu.memory_space<hbm>>
    tpu.enqueue_dma source(%dma_start3A_1226 : memref<32768xf32, #tpu.memory_space<hbm>>) target(%arg5 : memref<32768xf32, #tpu.memory_space<vmem>>) target_semaphore(%arg10 : memref<!tpu.dma_semaphore, #tpu.memory_space<semaphore_mem>>)
    %dma_wait3A_1227 = tpu.memref_slice %arg2[%add3A_1203] : memref<12582912xf32, #tpu.memory_space<hbm>> -> memref<32768xf32, #tpu.memory_space<hbm>>
    %dma_wait3A_1228 = tpu.memref_slice %arg2[%add3A_1203] : memref<12582912xf32, #tpu.memory_space<hbm>> -> memref<32768xf32, #tpu.memory_space<hbm>>
    tpu.wait_dma2 semaphore(%arg11 : memref<!tpu.dma_semaphore, #tpu.memory_space<semaphore_mem>>) src(%dma_wait3A_1228 : memref<32768xf32, #tpu.memory_space<hbm>>) dst(%arg6 : memref<32768xf32, #tpu.memory_space<vmem>>)
    %parallel_loop3A_1229 = arith.constant 0 : i32
    %parallel_loop3A_1230 = arith.constant 2048 : i32
    %parallel_loop3A_1231 = arith.constant 1 : i32
    scf.for %parallel_loop3A_1775 = %parallel_loop3A_1229 to %parallel_loop3A_1230 step %parallel_loop3A_1231  : i32 {
      %parallel_loop3A_1776 = arith.constant 16 : i32
      %parallel_loop3A_1777 = arith.muli %parallel_loop3A_1775, %parallel_loop3A_1776 : i32
      %parallel_loop3A_1778 = arith.index_cast %parallel_loop3A_1777 : i32 to index
      %parallel_loop3A_1779 = tpu.vector_load %arg6[%parallel_loop3A_1778] {strides = array<i32>} : memref<32768xf32, #tpu.memory_space<vmem>>, vector<16xf32>,
      %parallel_loop3A_1780 = arith.mulf %parallel_loop3A_1779, %div3A_14 : vector<16xf32>
      %parallel_loop3A_1781 = arith.fptosi %parallel_loop3A_1780 : vector<16xf32> to vector<16xi32>
      %parallel_loop3A_1782 = arith.constant -16 : i32
      %parallel_loop3A_1783 = vector.broadcast %parallel_loop3A_1782 : i32 to vector<16xi32>
      %parallel_loop3A_1784 = arith.andi %parallel_loop3A_1781, %parallel_loop3A_1783 : vector<16xi32>
      %parallel_loop3A_1785 = arith.addi %parallel_loop3A_1784, %iota3A : vector<16xi32>
      tpu.vector_store_idx %arg8[%parallel_loop3A_1785], %broadcast_in_dim3A_1 {add = true} : memref<1024xf32, #tpu.memory_space<vmem>>[vector<16xi32>], vector<16xf32>,
    } {sc.loop_unroll_factor = 8 : i64, sc.parallel_access}
    %mul3A_1232 = arith.constant 3 : i32
    %mul3A_1233 = arith.muli %add3A, %mul3A_1232 : i32
    %add3A_1234 = arith.constant 2 : i32
    %add3A_1235 = arith.addi %mul3A_1233, %add3A_1234 : i32
    %mul3A_1236 = arith.constant 131072 : i32
    %mul3A_1237 = arith.muli %add3A_1235, %mul3A_1236 : i32
    %add3A_1238 = arith.constant 98304 : i32
    %add3A_1239 = arith.addi %mul3A_1237, %add3A_1238 : i32
    %dma_start3A_1240 = tpu.memref_slice %arg2[%add3A_1239] : memref<12582912xf32, #tpu.memory_space<hbm>> -> memref<32768xf32, #tpu.memory_space<hbm>>
    %dma_start3A_1241 = tpu.memref_slice %arg2[%add3A_1239] : memref<12582912xf32, #tpu.memory_space<hbm>> -> memref<32768xf32, #tpu.memory_space<hbm>>
    tpu.enqueue_dma source(%dma_start3A_1241 : memref<32768xf32, #tpu.memory_space<hbm>>) target(%arg6 : memref<32768xf32, #tpu.memory_space<vmem>>) target_semaphore(%arg11 : memref<!tpu.dma_semaphore, #tpu.memory_space<semaphore_mem>>)
    %dma_wait3A_1242 = tpu.memref_slice %arg2[%add3A_1224] : memref<12582912xf32, #tpu.memory_space<hbm>> -> memref<32768xf32, #tpu.memory_space<hbm>>
    %dma_wait3A_1243 = tpu.memref_slice %arg2[%add3A_1224] : memref<12582912xf32, #tpu.memory_space<hbm>> -> memref<32768xf32, #tpu.memory_space<hbm>>
    tpu.wait_dma2 semaphore(%arg10 : memref<!tpu.dma_semaphore, #tpu.memory_space<semaphore_mem>>) src(%dma_wait3A_1243 : memref<32768xf32, #tpu.memory_space<hbm>>) dst(%arg5 : memref<32768xf32, #tpu.memory_space<vmem>>)
    %parallel_loop3A_1244 = arith.constant 0 : i32
    %parallel_loop3A_1245 = arith.constant 2048 : i32
    %parallel_loop3A_1246 = arith.constant 1 : i32
    scf.for %parallel_loop3A_1775 = %parallel_loop3A_1244 to %parallel_loop3A_1245 step %parallel_loop3A_1246  : i32 {
      %parallel_loop3A_1776 = arith.constant 16 : i32
      %parallel_loop3A_1777 = arith.muli %parallel_loop3A_1775, %parallel_loop3A_1776 : i32
      %parallel_loop3A_1778 = arith.index_cast %parallel_loop3A_1777 : i32 to index
      %parallel_loop3A_1779 = tpu.vector_load %arg5[%parallel_loop3A_1778] {strides = array<i32>} : memref<32768xf32, #tpu.memory_space<vmem>>, vector<16xf32>,
      %parallel_loop3A_1780 = arith.mulf %parallel_loop3A_1779, %div3A_14 : vector<16xf32>
      %parallel_loop3A_1781 = arith.fptosi %parallel_loop3A_1780 : vector<16xf32> to vector<16xi32>
      %parallel_loop3A_1782 = arith.constant -16 : i32
      %parallel_loop3A_1783 = vector.broadcast %parallel_loop3A_1782 : i32 to vector<16xi32>
      %parallel_loop3A_1784 = arith.andi %parallel_loop3A_1781, %parallel_loop3A_1783 : vector<16xi32>
      %parallel_loop3A_1785 = arith.addi %parallel_loop3A_1784, %iota3A : vector<16xi32>
      tpu.vector_store_idx %arg8[%parallel_loop3A_1785], %broadcast_in_dim3A_1 {add = true} : memref<1024xf32, #tpu.memory_space<vmem>>[vector<16xi32>], vector<16xf32>,
    } {sc.loop_unroll_factor = 8 : i64, sc.parallel_access}
    %dma_wait3A_1247 = tpu.memref_slice %arg2[%add3A_1239] : memref<12582912xf32, #tpu.memory_space<hbm>> -> memref<32768xf32, #tpu.memory_space<hbm>>
    %dma_wait3A_1248 = tpu.memref_slice %arg2[%add3A_1239] : memref<12582912xf32, #tpu.memory_space<hbm>> -> memref<32768xf32, #tpu.memory_space<hbm>>
    tpu.wait_dma2 semaphore(%arg11 : memref<!tpu.dma_semaphore, #tpu.memory_space<semaphore_mem>>) src(%dma_wait3A_1248 : memref<32768xf32, #tpu.memory_space<hbm>>) dst(%arg6 : memref<32768xf32, #tpu.memory_space<vmem>>)
    %parallel_loop3A_1249 = arith.constant 0 : i32
    %parallel_loop3A_1250 = arith.constant 2048 : i32
    %parallel_loop3A_1251 = arith.constant 1 : i32
    scf.for %parallel_loop3A_1775 = %parallel_loop3A_1249 to %parallel_loop3A_1250 step %parallel_loop3A_1251  : i32 {
      %parallel_loop3A_1776 = arith.constant 16 : i32
      %parallel_loop3A_1777 = arith.muli %parallel_loop3A_1775, %parallel_loop3A_1776 : i32
      %parallel_loop3A_1778 = arith.index_cast %parallel_loop3A_1777 : i32 to index
      %parallel_loop3A_1779 = tpu.vector_load %arg6[%parallel_loop3A_1778] {strides = array<i32>} : memref<32768xf32, #tpu.memory_space<vmem>>, vector<16xf32>,
      %parallel_loop3A_1780 = arith.mulf %parallel_loop3A_1779, %div3A_14 : vector<16xf32>
      %parallel_loop3A_1781 = arith.fptosi %parallel_loop3A_1780 : vector<16xf32> to vector<16xi32>
      %parallel_loop3A_1782 = arith.constant -16 : i32
      %parallel_loop3A_1783 = vector.broadcast %parallel_loop3A_1782 : i32 to vector<16xi32>
      %parallel_loop3A_1784 = arith.andi %parallel_loop3A_1781, %parallel_loop3A_1783 : vector<16xi32>
      %parallel_loop3A_1785 = arith.addi %parallel_loop3A_1784, %iota3A : vector<16xi32>
      tpu.vector_store_idx %arg8[%parallel_loop3A_1785], %broadcast_in_dim3A_1 {add = true} : memref<1024xf32, #tpu.memory_space<vmem>>[vector<16xi32>], vector<16xf32>,
    } {sc.loop_unroll_factor = 8 : i64, sc.parallel_access}
    %mul3A_1252 = arith.constant 3 : i32
    %mul3A_1253 = arith.muli %add3A, %mul3A_1252 : i32
    %add3A_1254 = arith.constant 2 : i32
    %add3A_1255 = arith.addi %mul3A_1253, %add3A_1254 : i32
    %mul3A_1256 = arith.constant 16 : i32
    %mul3A_1257 = vector.broadcast %mul3A_1256 : i32 to vector<16xi32>
    %mul3A_1258 = arith.muli %iota3A, %mul3A_1257 : vector<16xi32>
    %add3A_1259 = arith.constant 0 : i32
    %add3A_1260 = vector.broadcast %add3A_1259 : i32 to vector<16xi32>
    %add3A_1261 = arith.addi %mul3A_1258, %add3A_1260 : vector<16xi32>
    %gather3A_1262 = tpu.vector_load_idx %arg8[%add3A_1261] : memref<1024xf32, #tpu.memory_space<vmem>>[vector<16xi32>], vector<16xf32>,
    %mul3A_1263 = arith.constant 16 : i32
    %mul3A_1264 = vector.broadcast %mul3A_1263 : i32 to vector<16xi32>
    %mul3A_1265 = arith.muli %iota3A, %mul3A_1264 : vector<16xi32>
    %add3A_1266 = arith.constant 1 : i32
    %add3A_1267 = vector.broadcast %add3A_1266 : i32 to vector<16xi32>
    %add3A_1268 = arith.addi %mul3A_1265, %add3A_1267 : vector<16xi32>
    %gather3A_1269 = tpu.vector_load_idx %arg8[%add3A_1268] : memref<1024xf32, #tpu.memory_space<vmem>>[vector<16xi32>], vector<16xf32>,
    %mul3A_1270 = arith.constant 16 : i32
    %mul3A_1271 = vector.broadcast %mul3A_1270 : i32 to vector<16xi32>
    %mul3A_1272 = arith.muli %iota3A, %mul3A_1271 : vector<16xi32>
    %add3A_1273 = arith.constant 2 : i32
    %add3A_1274 = vector.broadcast %add3A_1273 : i32 to vector<16xi32>
    %add3A_1275 = arith.addi %mul3A_1272, %add3A_1274 : vector<16xi32>
    %gather3A_1276 = tpu.vector_load_idx %arg8[%add3A_1275] : memref<1024xf32, #tpu.memory_space<vmem>>[vector<16xi32>], vector<16xf32>,
    %mul3A_1277 = arith.constant 16 : i32
    %mul3A_1278 = vector.broadcast %mul3A_1277 : i32 to vector<16xi32>
    %mul3A_1279 = arith.muli %iota3A, %mul3A_1278 : vector<16xi32>
    %add3A_1280 = arith.constant 3 : i32
    %add3A_1281 = vector.broadcast %add3A_1280 : i32 to vector<16xi32>
    %add3A_1282 = arith.addi %mul3A_1279, %add3A_1281 : vector<16xi32>
    %gather3A_1283 = tpu.vector_load_idx %arg8[%add3A_1282] : memref<1024xf32, #tpu.memory_space<vmem>>[vector<16xi32>], vector<16xf32>,
    %mul3A_1284 = arith.constant 16 : i32
    %mul3A_1285 = vector.broadcast %mul3A_1284 : i32 to vector<16xi32>
    %mul3A_1286 = arith.muli %iota3A, %mul3A_1285 : vector<16xi32>
    %add3A_1287 = arith.constant 4 : i32
    %add3A_1288 = vector.broadcast %add3A_1287 : i32 to vector<16xi32>
    %add3A_1289 = arith.addi %mul3A_1286, %add3A_1288 : vector<16xi32>
    %gather3A_1290 = tpu.vector_load_idx %arg8[%add3A_1289] : memref<1024xf32, #tpu.memory_space<vmem>>[vector<16xi32>], vector<16xf32>,
    %mul3A_1291 = arith.constant 16 : i32
    %mul3A_1292 = vector.broadcast %mul3A_1291 : i32 to vector<16xi32>
    %mul3A_1293 = arith.muli %iota3A, %mul3A_1292 : vector<16xi32>
    %add3A_1294 = arith.constant 5 : i32
    %add3A_1295 = vector.broadcast %add3A_1294 : i32 to vector<16xi32>
    %add3A_1296 = arith.addi %mul3A_1293, %add3A_1295 : vector<16xi32>
    %gather3A_1297 = tpu.vector_load_idx %arg8[%add3A_1296] : memref<1024xf32, #tpu.memory_space<vmem>>[vector<16xi32>], vector<16xf32>,
    %mul3A_1298 = arith.constant 16 : i32
    %mul3A_1299 = vector.broadcast %mul3A_1298 : i32 to vector<16xi32>
    %mul3A_1300 = arith.muli %iota3A, %mul3A_1299 : vector<16xi32>
    %add3A_1301 = arith.constant 6 : i32
    %add3A_1302 = vector.broadcast %add3A_1301 : i32 to vector<16xi32>
    %add3A_1303 = arith.addi %mul3A_1300, %add3A_1302 : vector<16xi32>
    %gather3A_1304 = tpu.vector_load_idx %arg8[%add3A_1303] : memref<1024xf32, #tpu.memory_space<vmem>>[vector<16xi32>], vector<16xf32>,
    %mul3A_1305 = arith.constant 16 : i32
    %mul3A_1306 = vector.broadcast %mul3A_1305 : i32 to vector<16xi32>
    %mul3A_1307 = arith.muli %iota3A, %mul3A_1306 : vector<16xi32>
    %add3A_1308 = arith.constant 7 : i32
    %add3A_1309 = vector.broadcast %add3A_1308 : i32 to vector<16xi32>
    %add3A_1310 = arith.addi %mul3A_1307, %add3A_1309 : vector<16xi32>
    %gather3A_1311 = tpu.vector_load_idx %arg8[%add3A_1310] : memref<1024xf32, #tpu.memory_space<vmem>>[vector<16xi32>], vector<16xf32>,
    %mul3A_1312 = arith.constant 16 : i32
    %mul3A_1313 = vector.broadcast %mul3A_1312 : i32 to vector<16xi32>
    %mul3A_1314 = arith.muli %iota3A, %mul3A_1313 : vector<16xi32>
    %add3A_1315 = arith.constant 8 : i32
    %add3A_1316 = vector.broadcast %add3A_1315 : i32 to vector<16xi32>
    %add3A_1317 = arith.addi %mul3A_1314, %add3A_1316 : vector<16xi32>
    %gather3A_1318 = tpu.vector_load_idx %arg8[%add3A_1317] : memref<1024xf32, #tpu.memory_space<vmem>>[vector<16xi32>], vector<16xf32>,
    %mul3A_1319 = arith.constant 16 : i32
    %mul3A_1320 = vector.broadcast %mul3A_1319 : i32 to vector<16xi32>
    %mul3A_1321 = arith.muli %iota3A, %mul3A_1320 : vector<16xi32>
    %add3A_1322 = arith.constant 9 : i32
    %add3A_1323 = vector.broadcast %add3A_1322 : i32 to vector<16xi32>
    %add3A_1324 = arith.addi %mul3A_1321, %add3A_1323 : vector<16xi32>
    %gather3A_1325 = tpu.vector_load_idx %arg8[%add3A_1324] : memref<1024xf32, #tpu.memory_space<vmem>>[vector<16xi32>], vector<16xf32>,
    %mul3A_1326 = arith.constant 16 : i32
    %mul3A_1327 = vector.broadcast %mul3A_1326 : i32 to vector<16xi32>
    %mul3A_1328 = arith.muli %iota3A, %mul3A_1327 : vector<16xi32>
    %add3A_1329 = arith.constant 10 : i32
    %add3A_1330 = vector.broadcast %add3A_1329 : i32 to vector<16xi32>
    %add3A_1331 = arith.addi %mul3A_1328, %add3A_1330 : vector<16xi32>
    %gather3A_1332 = tpu.vector_load_idx %arg8[%add3A_1331] : memref<1024xf32, #tpu.memory_space<vmem>>[vector<16xi32>], vector<16xf32>,
    %mul3A_1333 = arith.constant 16 : i32
    %mul3A_1334 = vector.broadcast %mul3A_1333 : i32 to vector<16xi32>
    %mul3A_1335 = arith.muli %iota3A, %mul3A_1334 : vector<16xi32>
    %add3A_1336 = arith.constant 11 : i32
    %add3A_1337 = vector.broadcast %add3A_1336 : i32 to vector<16xi32>
    %add3A_1338 = arith.addi %mul3A_1335, %add3A_1337 : vector<16xi32>
    %gather3A_1339 = tpu.vector_load_idx %arg8[%add3A_1338] : memref<1024xf32, #tpu.memory_space<vmem>>[vector<16xi32>], vector<16xf32>,
    %mul3A_1340 = arith.constant 16 : i32
    %mul3A_1341 = vector.broadcast %mul3A_1340 : i32 to vector<16xi32>
    %mul3A_1342 = arith.muli %iota3A, %mul3A_1341 : vector<16xi32>
    %add3A_1343 = arith.constant 12 : i32
    %add3A_1344 = vector.broadcast %add3A_1343 : i32 to vector<16xi32>
    %add3A_1345 = arith.addi %mul3A_1342, %add3A_1344 : vector<16xi32>
    %gather3A_1346 = tpu.vector_load_idx %arg8[%add3A_1345] : memref<1024xf32, #tpu.memory_space<vmem>>[vector<16xi32>], vector<16xf32>,
    %mul3A_1347 = arith.constant 16 : i32
    %mul3A_1348 = vector.broadcast %mul3A_1347 : i32 to vector<16xi32>
    %mul3A_1349 = arith.muli %iota3A, %mul3A_1348 : vector<16xi32>
    %add3A_1350 = arith.constant 13 : i32
    %add3A_1351 = vector.broadcast %add3A_1350 : i32 to vector<16xi32>
    %add3A_1352 = arith.addi %mul3A_1349, %add3A_1351 : vector<16xi32>
    %gather3A_1353 = tpu.vector_load_idx %arg8[%add3A_1352] : memref<1024xf32, #tpu.memory_space<vmem>>[vector<16xi32>], vector<16xf32>,
    %mul3A_1354 = arith.constant 16 : i32
    %mul3A_1355 = vector.broadcast %mul3A_1354 : i32 to vector<16xi32>
    %mul3A_1356 = arith.muli %iota3A, %mul3A_1355 : vector<16xi32>
    %add3A_1357 = arith.constant 14 : i32
    %add3A_1358 = vector.broadcast %add3A_1357 : i32 to vector<16xi32>
    %add3A_1359 = arith.addi %mul3A_1356, %add3A_1358 : vector<16xi32>
    %gather3A_1360 = tpu.vector_load_idx %arg8[%add3A_1359] : memref<1024xf32, #tpu.memory_space<vmem>>[vector<16xi32>], vector<16xf32>,
    %mul3A_1361 = arith.constant 16 : i32
    %mul3A_1362 = vector.broadcast %mul3A_1361 : i32 to vector<16xi32>
    %mul3A_1363 = arith.muli %iota3A, %mul3A_1362 : vector<16xi32>
    %add3A_1364 = arith.constant 15 : i32
    %add3A_1365 = vector.broadcast %add3A_1364 : i32 to vector<16xi32>
    %add3A_1366 = arith.addi %mul3A_1363, %add3A_1365 : vector<16xi32>
    %gather3A_1367 = tpu.vector_load_idx %arg8[%add3A_1366] : memref<1024xf32, #tpu.memory_space<vmem>>[vector<16xi32>], vector<16xf32>,
    %add3A_1368 = arith.addf %gather3A_1262, %gather3A_1269 : vector<16xf32>
    %add3A_1369 = arith.addf %gather3A_1276, %gather3A_1283 : vector<16xf32>
    %add3A_1370 = arith.addf %gather3A_1290, %gather3A_1297 : vector<16xf32>
    %add3A_1371 = arith.addf %gather3A_1304, %gather3A_1311 : vector<16xf32>
    %add3A_1372 = arith.addf %gather3A_1318, %gather3A_1325 : vector<16xf32>
    %add3A_1373 = arith.addf %gather3A_1332, %gather3A_1339 : vector<16xf32>
    %add3A_1374 = arith.addf %gather3A_1346, %gather3A_1353 : vector<16xf32>
    %add3A_1375 = arith.addf %gather3A_1360, %gather3A_1367 : vector<16xf32>
    %add3A_1376 = arith.addf %add3A_1368, %add3A_1369 : vector<16xf32>
    %add3A_1377 = arith.addf %add3A_1370, %add3A_1371 : vector<16xf32>
    %add3A_1378 = arith.addf %add3A_1372, %add3A_1373 : vector<16xf32>
    %add3A_1379 = arith.addf %add3A_1374, %add3A_1375 : vector<16xf32>
    %add3A_1380 = arith.addf %add3A_1376, %add3A_1377 : vector<16xf32>
    %add3A_1381 = arith.addf %add3A_1378, %add3A_1379 : vector<16xf32>
    %add3A_1382 = arith.addf %add3A_1380, %add3A_1381 : vector<16xf32>
    %sub3A_1383 = arith.subf %add3A_1382, %select_n3A : vector<16xf32>
    %swap3A_1384 = arith.constant 0 : index
    %swap3A_1385 = tpu.vector_load %arg9[%swap3A_1384] {strides = array<i32>} : memref<64xf32, #tpu.memory_space<vmem>>, vector<16xf32>,
    tpu.vector_store %arg9[%swap3A_1384], %sub3A_1383 {strides = array<i32>} : memref<64xf32, #tpu.memory_space<vmem>>, vector<16xf32>,
    %mul3A_1386 = arith.constant 16 : i32
    %mul3A_1387 = vector.broadcast %mul3A_1386 : i32 to vector<16xi32>
    %mul3A_1388 = arith.muli %iota3A, %mul3A_1387 : vector<16xi32>
    %add3A_1389 = arith.constant 256 : i32
    %add3A_1390 = vector.broadcast %add3A_1389 : i32 to vector<16xi32>
    %add3A_1391 = arith.addi %mul3A_1388, %add3A_1390 : vector<16xi32>
    %gather3A_1392 = tpu.vector_load_idx %arg8[%add3A_1391] : memref<1024xf32, #tpu.memory_space<vmem>>[vector<16xi32>], vector<16xf32>,
    %mul3A_1393 = arith.constant 16 : i32
    %mul3A_1394 = vector.broadcast %mul3A_1393 : i32 to vector<16xi32>
    %mul3A_1395 = arith.muli %iota3A, %mul3A_1394 : vector<16xi32>
    %add3A_1396 = arith.constant 257 : i32
    %add3A_1397 = vector.broadcast %add3A_1396 : i32 to vector<16xi32>
    %add3A_1398 = arith.addi %mul3A_1395, %add3A_1397 : vector<16xi32>
    %gather3A_1399 = tpu.vector_load_idx %arg8[%add3A_1398] : memref<1024xf32, #tpu.memory_space<vmem>>[vector<16xi32>], vector<16xf32>,
    %mul3A_1400 = arith.constant 16 : i32
    %mul3A_1401 = vector.broadcast %mul3A_1400 : i32 to vector<16xi32>
    %mul3A_1402 = arith.muli %iota3A, %mul3A_1401 : vector<16xi32>
    %add3A_1403 = arith.constant 258 : i32
    %add3A_1404 = vector.broadcast %add3A_1403 : i32 to vector<16xi32>
    %add3A_1405 = arith.addi %mul3A_1402, %add3A_1404 : vector<16xi32>
    %gather3A_1406 = tpu.vector_load_idx %arg8[%add3A_1405] : memref<1024xf32, #tpu.memory_space<vmem>>[vector<16xi32>], vector<16xf32>,
    %mul3A_1407 = arith.constant 16 : i32
    %mul3A_1408 = vector.broadcast %mul3A_1407 : i32 to vector<16xi32>
    %mul3A_1409 = arith.muli %iota3A, %mul3A_1408 : vector<16xi32>
    %add3A_1410 = arith.constant 259 : i32
    %add3A_1411 = vector.broadcast %add3A_1410 : i32 to vector<16xi32>
    %add3A_1412 = arith.addi %mul3A_1409, %add3A_1411 : vector<16xi32>
    %gather3A_1413 = tpu.vector_load_idx %arg8[%add3A_1412] : memref<1024xf32, #tpu.memory_space<vmem>>[vector<16xi32>], vector<16xf32>,
    %mul3A_1414 = arith.constant 16 : i32
    %mul3A_1415 = vector.broadcast %mul3A_1414 : i32 to vector<16xi32>
    %mul3A_1416 = arith.muli %iota3A, %mul3A_1415 : vector<16xi32>
    %add3A_1417 = arith.constant 260 : i32
    %add3A_1418 = vector.broadcast %add3A_1417 : i32 to vector<16xi32>
    %add3A_1419 = arith.addi %mul3A_1416, %add3A_1418 : vector<16xi32>
    %gather3A_1420 = tpu.vector_load_idx %arg8[%add3A_1419] : memref<1024xf32, #tpu.memory_space<vmem>>[vector<16xi32>], vector<16xf32>,
    %mul3A_1421 = arith.constant 16 : i32
    %mul3A_1422 = vector.broadcast %mul3A_1421 : i32 to vector<16xi32>
    %mul3A_1423 = arith.muli %iota3A, %mul3A_1422 : vector<16xi32>
    %add3A_1424 = arith.constant 261 : i32
    %add3A_1425 = vector.broadcast %add3A_1424 : i32 to vector<16xi32>
    %add3A_1426 = arith.addi %mul3A_1423, %add3A_1425 : vector<16xi32>
    %gather3A_1427 = tpu.vector_load_idx %arg8[%add3A_1426] : memref<1024xf32, #tpu.memory_space<vmem>>[vector<16xi32>], vector<16xf32>,
    %mul3A_1428 = arith.constant 16 : i32
    %mul3A_1429 = vector.broadcast %mul3A_1428 : i32 to vector<16xi32>
    %mul3A_1430 = arith.muli %iota3A, %mul3A_1429 : vector<16xi32>
    %add3A_1431 = arith.constant 262 : i32
    %add3A_1432 = vector.broadcast %add3A_1431 : i32 to vector<16xi32>
    %add3A_1433 = arith.addi %mul3A_1430, %add3A_1432 : vector<16xi32>
    %gather3A_1434 = tpu.vector_load_idx %arg8[%add3A_1433] : memref<1024xf32, #tpu.memory_space<vmem>>[vector<16xi32>], vector<16xf32>,
    %mul3A_1435 = arith.constant 16 : i32
    %mul3A_1436 = vector.broadcast %mul3A_1435 : i32 to vector<16xi32>
    %mul3A_1437 = arith.muli %iota3A, %mul3A_1436 : vector<16xi32>
    %add3A_1438 = arith.constant 263 : i32
    %add3A_1439 = vector.broadcast %add3A_1438 : i32 to vector<16xi32>
    %add3A_1440 = arith.addi %mul3A_1437, %add3A_1439 : vector<16xi32>
    %gather3A_1441 = tpu.vector_load_idx %arg8[%add3A_1440] : memref<1024xf32, #tpu.memory_space<vmem>>[vector<16xi32>], vector<16xf32>,
    %mul3A_1442 = arith.constant 16 : i32
    %mul3A_1443 = vector.broadcast %mul3A_1442 : i32 to vector<16xi32>
    %mul3A_1444 = arith.muli %iota3A, %mul3A_1443 : vector<16xi32>
    %add3A_1445 = arith.constant 264 : i32
    %add3A_1446 = vector.broadcast %add3A_1445 : i32 to vector<16xi32>
    %add3A_1447 = arith.addi %mul3A_1444, %add3A_1446 : vector<16xi32>
    %gather3A_1448 = tpu.vector_load_idx %arg8[%add3A_1447] : memref<1024xf32, #tpu.memory_space<vmem>>[vector<16xi32>], vector<16xf32>,
    %mul3A_1449 = arith.constant 16 : i32
    %mul3A_1450 = vector.broadcast %mul3A_1449 : i32 to vector<16xi32>
    %mul3A_1451 = arith.muli %iota3A, %mul3A_1450 : vector<16xi32>
    %add3A_1452 = arith.constant 265 : i32
    %add3A_1453 = vector.broadcast %add3A_1452 : i32 to vector<16xi32>
    %add3A_1454 = arith.addi %mul3A_1451, %add3A_1453 : vector<16xi32>
    %gather3A_1455 = tpu.vector_load_idx %arg8[%add3A_1454] : memref<1024xf32, #tpu.memory_space<vmem>>[vector<16xi32>], vector<16xf32>,
    %mul3A_1456 = arith.constant 16 : i32
    %mul3A_1457 = vector.broadcast %mul3A_1456 : i32 to vector<16xi32>
    %mul3A_1458 = arith.muli %iota3A, %mul3A_1457 : vector<16xi32>
    %add3A_1459 = arith.constant 266 : i32
    %add3A_1460 = vector.broadcast %add3A_1459 : i32 to vector<16xi32>
    %add3A_1461 = arith.addi %mul3A_1458, %add3A_1460 : vector<16xi32>
    %gather3A_1462 = tpu.vector_load_idx %arg8[%add3A_1461] : memref<1024xf32, #tpu.memory_space<vmem>>[vector<16xi32>], vector<16xf32>,
    %mul3A_1463 = arith.constant 16 : i32
    %mul3A_1464 = vector.broadcast %mul3A_1463 : i32 to vector<16xi32>
    %mul3A_1465 = arith.muli %iota3A, %mul3A_1464 : vector<16xi32>
    %add3A_1466 = arith.constant 267 : i32
    %add3A_1467 = vector.broadcast %add3A_1466 : i32 to vector<16xi32>
    %add3A_1468 = arith.addi %mul3A_1465, %add3A_1467 : vector<16xi32>
    %gather3A_1469 = tpu.vector_load_idx %arg8[%add3A_1468] : memref<1024xf32, #tpu.memory_space<vmem>>[vector<16xi32>], vector<16xf32>,
    %mul3A_1470 = arith.constant 16 : i32
    %mul3A_1471 = vector.broadcast %mul3A_1470 : i32 to vector<16xi32>
    %mul3A_1472 = arith.muli %iota3A, %mul3A_1471 : vector<16xi32>
    %add3A_1473 = arith.constant 268 : i32
    %add3A_1474 = vector.broadcast %add3A_1473 : i32 to vector<16xi32>
    %add3A_1475 = arith.addi %mul3A_1472, %add3A_1474 : vector<16xi32>
    %gather3A_1476 = tpu.vector_load_idx %arg8[%add3A_1475] : memref<1024xf32, #tpu.memory_space<vmem>>[vector<16xi32>], vector<16xf32>,
    %mul3A_1477 = arith.constant 16 : i32
    %mul3A_1478 = vector.broadcast %mul3A_1477 : i32 to vector<16xi32>
    %mul3A_1479 = arith.muli %iota3A, %mul3A_1478 : vector<16xi32>
    %add3A_1480 = arith.constant 269 : i32
    %add3A_1481 = vector.broadcast %add3A_1480 : i32 to vector<16xi32>
    %add3A_1482 = arith.addi %mul3A_1479, %add3A_1481 : vector<16xi32>
    %gather3A_1483 = tpu.vector_load_idx %arg8[%add3A_1482] : memref<1024xf32, #tpu.memory_space<vmem>>[vector<16xi32>], vector<16xf32>,
    %mul3A_1484 = arith.constant 16 : i32
    %mul3A_1485 = vector.broadcast %mul3A_1484 : i32 to vector<16xi32>
    %mul3A_1486 = arith.muli %iota3A, %mul3A_1485 : vector<16xi32>
    %add3A_1487 = arith.constant 270 : i32
    %add3A_1488 = vector.broadcast %add3A_1487 : i32 to vector<16xi32>
    %add3A_1489 = arith.addi %mul3A_1486, %add3A_1488 : vector<16xi32>
    %gather3A_1490 = tpu.vector_load_idx %arg8[%add3A_1489] : memref<1024xf32, #tpu.memory_space<vmem>>[vector<16xi32>], vector<16xf32>,
    %mul3A_1491 = arith.constant 16 : i32
    %mul3A_1492 = vector.broadcast %mul3A_1491 : i32 to vector<16xi32>
    %mul3A_1493 = arith.muli %iota3A, %mul3A_1492 : vector<16xi32>
    %add3A_1494 = arith.constant 271 : i32
    %add3A_1495 = vector.broadcast %add3A_1494 : i32 to vector<16xi32>
    %add3A_1496 = arith.addi %mul3A_1493, %add3A_1495 : vector<16xi32>
    %gather3A_1497 = tpu.vector_load_idx %arg8[%add3A_1496] : memref<1024xf32, #tpu.memory_space<vmem>>[vector<16xi32>], vector<16xf32>,
    %add3A_1498 = arith.addf %gather3A_1392, %gather3A_1399 : vector<16xf32>
    %add3A_1499 = arith.addf %gather3A_1406, %gather3A_1413 : vector<16xf32>
    %add3A_1500 = arith.addf %gather3A_1420, %gather3A_1427 : vector<16xf32>
    %add3A_1501 = arith.addf %gather3A_1434, %gather3A_1441 : vector<16xf32>
    %add3A_1502 = arith.addf %gather3A_1448, %gather3A_1455 : vector<16xf32>
    %add3A_1503 = arith.addf %gather3A_1462, %gather3A_1469 : vector<16xf32>
    %add3A_1504 = arith.addf %gather3A_1476, %gather3A_1483 : vector<16xf32>
    %add3A_1505 = arith.addf %gather3A_1490, %gather3A_1497 : vector<16xf32>
    %add3A_1506 = arith.addf %add3A_1498, %add3A_1499 : vector<16xf32>
    %add3A_1507 = arith.addf %add3A_1500, %add3A_1501 : vector<16xf32>
    %add3A_1508 = arith.addf %add3A_1502, %add3A_1503 : vector<16xf32>
    %add3A_1509 = arith.addf %add3A_1504, %add3A_1505 : vector<16xf32>
    %add3A_1510 = arith.addf %add3A_1506, %add3A_1507 : vector<16xf32>
    %add3A_1511 = arith.addf %add3A_1508, %add3A_1509 : vector<16xf32>
    %add3A_1512 = arith.addf %add3A_1510, %add3A_1511 : vector<16xf32>
    %swap3A_1513 = arith.constant 16 : index
    %swap3A_1514 = tpu.vector_load %arg9[%swap3A_1513] {strides = array<i32>} : memref<64xf32, #tpu.memory_space<vmem>>, vector<16xf32>,
    tpu.vector_store %arg9[%swap3A_1513], %add3A_1512 {strides = array<i32>} : memref<64xf32, #tpu.memory_space<vmem>>, vector<16xf32>,
    %mul3A_1515 = arith.constant 16 : i32
    %mul3A_1516 = vector.broadcast %mul3A_1515 : i32 to vector<16xi32>
    %mul3A_1517 = arith.muli %iota3A, %mul3A_1516 : vector<16xi32>
    %add3A_1518 = arith.constant 512 : i32
    %add3A_1519 = vector.broadcast %add3A_1518 : i32 to vector<16xi32>
    %add3A_1520 = arith.addi %mul3A_1517, %add3A_1519 : vector<16xi32>
    %gather3A_1521 = tpu.vector_load_idx %arg8[%add3A_1520] : memref<1024xf32, #tpu.memory_space<vmem>>[vector<16xi32>], vector<16xf32>,
    %mul3A_1522 = arith.constant 16 : i32
    %mul3A_1523 = vector.broadcast %mul3A_1522 : i32 to vector<16xi32>
    %mul3A_1524 = arith.muli %iota3A, %mul3A_1523 : vector<16xi32>
    %add3A_1525 = arith.constant 513 : i32
    %add3A_1526 = vector.broadcast %add3A_1525 : i32 to vector<16xi32>
    %add3A_1527 = arith.addi %mul3A_1524, %add3A_1526 : vector<16xi32>
    %gather3A_1528 = tpu.vector_load_idx %arg8[%add3A_1527] : memref<1024xf32, #tpu.memory_space<vmem>>[vector<16xi32>], vector<16xf32>,
    %mul3A_1529 = arith.constant 16 : i32
    %mul3A_1530 = vector.broadcast %mul3A_1529 : i32 to vector<16xi32>
    %mul3A_1531 = arith.muli %iota3A, %mul3A_1530 : vector<16xi32>
    %add3A_1532 = arith.constant 514 : i32
    %add3A_1533 = vector.broadcast %add3A_1532 : i32 to vector<16xi32>
    %add3A_1534 = arith.addi %mul3A_1531, %add3A_1533 : vector<16xi32>
    %gather3A_1535 = tpu.vector_load_idx %arg8[%add3A_1534] : memref<1024xf32, #tpu.memory_space<vmem>>[vector<16xi32>], vector<16xf32>,
    %mul3A_1536 = arith.constant 16 : i32
    %mul3A_1537 = vector.broadcast %mul3A_1536 : i32 to vector<16xi32>
    %mul3A_1538 = arith.muli %iota3A, %mul3A_1537 : vector<16xi32>
    %add3A_1539 = arith.constant 515 : i32
    %add3A_1540 = vector.broadcast %add3A_1539 : i32 to vector<16xi32>
    %add3A_1541 = arith.addi %mul3A_1538, %add3A_1540 : vector<16xi32>
    %gather3A_1542 = tpu.vector_load_idx %arg8[%add3A_1541] : memref<1024xf32, #tpu.memory_space<vmem>>[vector<16xi32>], vector<16xf32>,
    %mul3A_1543 = arith.constant 16 : i32
    %mul3A_1544 = vector.broadcast %mul3A_1543 : i32 to vector<16xi32>
    %mul3A_1545 = arith.muli %iota3A, %mul3A_1544 : vector<16xi32>
    %add3A_1546 = arith.constant 516 : i32
    %add3A_1547 = vector.broadcast %add3A_1546 : i32 to vector<16xi32>
    %add3A_1548 = arith.addi %mul3A_1545, %add3A_1547 : vector<16xi32>
    %gather3A_1549 = tpu.vector_load_idx %arg8[%add3A_1548] : memref<1024xf32, #tpu.memory_space<vmem>>[vector<16xi32>], vector<16xf32>,
    %mul3A_1550 = arith.constant 16 : i32
    %mul3A_1551 = vector.broadcast %mul3A_1550 : i32 to vector<16xi32>
    %mul3A_1552 = arith.muli %iota3A, %mul3A_1551 : vector<16xi32>
    %add3A_1553 = arith.constant 517 : i32
    %add3A_1554 = vector.broadcast %add3A_1553 : i32 to vector<16xi32>
    %add3A_1555 = arith.addi %mul3A_1552, %add3A_1554 : vector<16xi32>
    %gather3A_1556 = tpu.vector_load_idx %arg8[%add3A_1555] : memref<1024xf32, #tpu.memory_space<vmem>>[vector<16xi32>], vector<16xf32>,
    %mul3A_1557 = arith.constant 16 : i32
    %mul3A_1558 = vector.broadcast %mul3A_1557 : i32 to vector<16xi32>
    %mul3A_1559 = arith.muli %iota3A, %mul3A_1558 : vector<16xi32>
    %add3A_1560 = arith.constant 518 : i32
    %add3A_1561 = vector.broadcast %add3A_1560 : i32 to vector<16xi32>
    %add3A_1562 = arith.addi %mul3A_1559, %add3A_1561 : vector<16xi32>
    %gather3A_1563 = tpu.vector_load_idx %arg8[%add3A_1562] : memref<1024xf32, #tpu.memory_space<vmem>>[vector<16xi32>], vector<16xf32>,
    %mul3A_1564 = arith.constant 16 : i32
    %mul3A_1565 = vector.broadcast %mul3A_1564 : i32 to vector<16xi32>
    %mul3A_1566 = arith.muli %iota3A, %mul3A_1565 : vector<16xi32>
    %add3A_1567 = arith.constant 519 : i32
    %add3A_1568 = vector.broadcast %add3A_1567 : i32 to vector<16xi32>
    %add3A_1569 = arith.addi %mul3A_1566, %add3A_1568 : vector<16xi32>
    %gather3A_1570 = tpu.vector_load_idx %arg8[%add3A_1569] : memref<1024xf32, #tpu.memory_space<vmem>>[vector<16xi32>], vector<16xf32>,
    %mul3A_1571 = arith.constant 16 : i32
    %mul3A_1572 = vector.broadcast %mul3A_1571 : i32 to vector<16xi32>
    %mul3A_1573 = arith.muli %iota3A, %mul3A_1572 : vector<16xi32>
    %add3A_1574 = arith.constant 520 : i32
    %add3A_1575 = vector.broadcast %add3A_1574 : i32 to vector<16xi32>
    %add3A_1576 = arith.addi %mul3A_1573, %add3A_1575 : vector<16xi32>
    %gather3A_1577 = tpu.vector_load_idx %arg8[%add3A_1576] : memref<1024xf32, #tpu.memory_space<vmem>>[vector<16xi32>], vector<16xf32>,
    %mul3A_1578 = arith.constant 16 : i32
    %mul3A_1579 = vector.broadcast %mul3A_1578 : i32 to vector<16xi32>
    %mul3A_1580 = arith.muli %iota3A, %mul3A_1579 : vector<16xi32>
    %add3A_1581 = arith.constant 521 : i32
    %add3A_1582 = vector.broadcast %add3A_1581 : i32 to vector<16xi32>
    %add3A_1583 = arith.addi %mul3A_1580, %add3A_1582 : vector<16xi32>
    %gather3A_1584 = tpu.vector_load_idx %arg8[%add3A_1583] : memref<1024xf32, #tpu.memory_space<vmem>>[vector<16xi32>], vector<16xf32>,
    %mul3A_1585 = arith.constant 16 : i32
    %mul3A_1586 = vector.broadcast %mul3A_1585 : i32 to vector<16xi32>
    %mul3A_1587 = arith.muli %iota3A, %mul3A_1586 : vector<16xi32>
    %add3A_1588 = arith.constant 522 : i32
    %add3A_1589 = vector.broadcast %add3A_1588 : i32 to vector<16xi32>
    %add3A_1590 = arith.addi %mul3A_1587, %add3A_1589 : vector<16xi32>
    %gather3A_1591 = tpu.vector_load_idx %arg8[%add3A_1590] : memref<1024xf32, #tpu.memory_space<vmem>>[vector<16xi32>], vector<16xf32>,
    %mul3A_1592 = arith.constant 16 : i32
    %mul3A_1593 = vector.broadcast %mul3A_1592 : i32 to vector<16xi32>
    %mul3A_1594 = arith.muli %iota3A, %mul3A_1593 : vector<16xi32>
    %add3A_1595 = arith.constant 523 : i32
    %add3A_1596 = vector.broadcast %add3A_1595 : i32 to vector<16xi32>
    %add3A_1597 = arith.addi %mul3A_1594, %add3A_1596 : vector<16xi32>
    %gather3A_1598 = tpu.vector_load_idx %arg8[%add3A_1597] : memref<1024xf32, #tpu.memory_space<vmem>>[vector<16xi32>], vector<16xf32>,
    %mul3A_1599 = arith.constant 16 : i32
    %mul3A_1600 = vector.broadcast %mul3A_1599 : i32 to vector<16xi32>
    %mul3A_1601 = arith.muli %iota3A, %mul3A_1600 : vector<16xi32>
    %add3A_1602 = arith.constant 524 : i32
    %add3A_1603 = vector.broadcast %add3A_1602 : i32 to vector<16xi32>
    %add3A_1604 = arith.addi %mul3A_1601, %add3A_1603 : vector<16xi32>
    %gather3A_1605 = tpu.vector_load_idx %arg8[%add3A_1604] : memref<1024xf32, #tpu.memory_space<vmem>>[vector<16xi32>], vector<16xf32>,
    %mul3A_1606 = arith.constant 16 : i32
    %mul3A_1607 = vector.broadcast %mul3A_1606 : i32 to vector<16xi32>
    %mul3A_1608 = arith.muli %iota3A, %mul3A_1607 : vector<16xi32>
    %add3A_1609 = arith.constant 525 : i32
    %add3A_1610 = vector.broadcast %add3A_1609 : i32 to vector<16xi32>
    %add3A_1611 = arith.addi %mul3A_1608, %add3A_1610 : vector<16xi32>
    %gather3A_1612 = tpu.vector_load_idx %arg8[%add3A_1611] : memref<1024xf32, #tpu.memory_space<vmem>>[vector<16xi32>], vector<16xf32>,
    %mul3A_1613 = arith.constant 16 : i32
    %mul3A_1614 = vector.broadcast %mul3A_1613 : i32 to vector<16xi32>
    %mul3A_1615 = arith.muli %iota3A, %mul3A_1614 : vector<16xi32>
    %add3A_1616 = arith.constant 526 : i32
    %add3A_1617 = vector.broadcast %add3A_1616 : i32 to vector<16xi32>
    %add3A_1618 = arith.addi %mul3A_1615, %add3A_1617 : vector<16xi32>
    %gather3A_1619 = tpu.vector_load_idx %arg8[%add3A_1618] : memref<1024xf32, #tpu.memory_space<vmem>>[vector<16xi32>], vector<16xf32>,
    %mul3A_1620 = arith.constant 16 : i32
    %mul3A_1621 = vector.broadcast %mul3A_1620 : i32 to vector<16xi32>
    %mul3A_1622 = arith.muli %iota3A, %mul3A_1621 : vector<16xi32>
    %add3A_1623 = arith.constant 527 : i32
    %add3A_1624 = vector.broadcast %add3A_1623 : i32 to vector<16xi32>
    %add3A_1625 = arith.addi %mul3A_1622, %add3A_1624 : vector<16xi32>
    %gather3A_1626 = tpu.vector_load_idx %arg8[%add3A_1625] : memref<1024xf32, #tpu.memory_space<vmem>>[vector<16xi32>], vector<16xf32>,
    %add3A_1627 = arith.addf %gather3A_1521, %gather3A_1528 : vector<16xf32>
    %add3A_1628 = arith.addf %gather3A_1535, %gather3A_1542 : vector<16xf32>
    %add3A_1629 = arith.addf %gather3A_1549, %gather3A_1556 : vector<16xf32>
    %add3A_1630 = arith.addf %gather3A_1563, %gather3A_1570 : vector<16xf32>
    %add3A_1631 = arith.addf %gather3A_1577, %gather3A_1584 : vector<16xf32>
    %add3A_1632 = arith.addf %gather3A_1591, %gather3A_1598 : vector<16xf32>
    %add3A_1633 = arith.addf %gather3A_1605, %gather3A_1612 : vector<16xf32>
    %add3A_1634 = arith.addf %gather3A_1619, %gather3A_1626 : vector<16xf32>
    %add3A_1635 = arith.addf %add3A_1627, %add3A_1628 : vector<16xf32>
    %add3A_1636 = arith.addf %add3A_1629, %add3A_1630 : vector<16xf32>
    %add3A_1637 = arith.addf %add3A_1631, %add3A_1632 : vector<16xf32>
    %add3A_1638 = arith.addf %add3A_1633, %add3A_1634 : vector<16xf32>
    %add3A_1639 = arith.addf %add3A_1635, %add3A_1636 : vector<16xf32>
    %add3A_1640 = arith.addf %add3A_1637, %add3A_1638 : vector<16xf32>
    %add3A_1641 = arith.addf %add3A_1639, %add3A_1640 : vector<16xf32>
    %swap3A_1642 = arith.constant 32 : index
    %swap3A_1643 = tpu.vector_load %arg9[%swap3A_1642] {strides = array<i32>} : memref<64xf32, #tpu.memory_space<vmem>>, vector<16xf32>,
    tpu.vector_store %arg9[%swap3A_1642], %add3A_1641 {strides = array<i32>} : memref<64xf32, #tpu.memory_space<vmem>>, vector<16xf32>,
    %mul3A_1644 = arith.constant 16 : i32
    %mul3A_1645 = vector.broadcast %mul3A_1644 : i32 to vector<16xi32>
    %mul3A_1646 = arith.muli %iota3A, %mul3A_1645 : vector<16xi32>
    %add3A_1647 = arith.constant 768 : i32
    %add3A_1648 = vector.broadcast %add3A_1647 : i32 to vector<16xi32>
    %add3A_1649 = arith.addi %mul3A_1646, %add3A_1648 : vector<16xi32>
    %gather3A_1650 = tpu.vector_load_idx %arg8[%add3A_1649] : memref<1024xf32, #tpu.memory_space<vmem>>[vector<16xi32>], vector<16xf32>,
    %mul3A_1651 = arith.constant 16 : i32
    %mul3A_1652 = vector.broadcast %mul3A_1651 : i32 to vector<16xi32>
    %mul3A_1653 = arith.muli %iota3A, %mul3A_1652 : vector<16xi32>
    %add3A_1654 = arith.constant 769 : i32
    %add3A_1655 = vector.broadcast %add3A_1654 : i32 to vector<16xi32>
    %add3A_1656 = arith.addi %mul3A_1653, %add3A_1655 : vector<16xi32>
    %gather3A_1657 = tpu.vector_load_idx %arg8[%add3A_1656] : memref<1024xf32, #tpu.memory_space<vmem>>[vector<16xi32>], vector<16xf32>,
    %mul3A_1658 = arith.constant 16 : i32
    %mul3A_1659 = vector.broadcast %mul3A_1658 : i32 to vector<16xi32>
    %mul3A_1660 = arith.muli %iota3A, %mul3A_1659 : vector<16xi32>
    %add3A_1661 = arith.constant 770 : i32
    %add3A_1662 = vector.broadcast %add3A_1661 : i32 to vector<16xi32>
    %add3A_1663 = arith.addi %mul3A_1660, %add3A_1662 : vector<16xi32>
    %gather3A_1664 = tpu.vector_load_idx %arg8[%add3A_1663] : memref<1024xf32, #tpu.memory_space<vmem>>[vector<16xi32>], vector<16xf32>,
    %mul3A_1665 = arith.constant 16 : i32
    %mul3A_1666 = vector.broadcast %mul3A_1665 : i32 to vector<16xi32>
    %mul3A_1667 = arith.muli %iota3A, %mul3A_1666 : vector<16xi32>
    %add3A_1668 = arith.constant 771 : i32
    %add3A_1669 = vector.broadcast %add3A_1668 : i32 to vector<16xi32>
    %add3A_1670 = arith.addi %mul3A_1667, %add3A_1669 : vector<16xi32>
    %gather3A_1671 = tpu.vector_load_idx %arg8[%add3A_1670] : memref<1024xf32, #tpu.memory_space<vmem>>[vector<16xi32>], vector<16xf32>,
    %mul3A_1672 = arith.constant 16 : i32
    %mul3A_1673 = vector.broadcast %mul3A_1672 : i32 to vector<16xi32>
    %mul3A_1674 = arith.muli %iota3A, %mul3A_1673 : vector<16xi32>
    %add3A_1675 = arith.constant 772 : i32
    %add3A_1676 = vector.broadcast %add3A_1675 : i32 to vector<16xi32>
    %add3A_1677 = arith.addi %mul3A_1674, %add3A_1676 : vector<16xi32>
    %gather3A_1678 = tpu.vector_load_idx %arg8[%add3A_1677] : memref<1024xf32, #tpu.memory_space<vmem>>[vector<16xi32>], vector<16xf32>,
    %mul3A_1679 = arith.constant 16 : i32
    %mul3A_1680 = vector.broadcast %mul3A_1679 : i32 to vector<16xi32>
    %mul3A_1681 = arith.muli %iota3A, %mul3A_1680 : vector<16xi32>
    %add3A_1682 = arith.constant 773 : i32
    %add3A_1683 = vector.broadcast %add3A_1682 : i32 to vector<16xi32>
    %add3A_1684 = arith.addi %mul3A_1681, %add3A_1683 : vector<16xi32>
    %gather3A_1685 = tpu.vector_load_idx %arg8[%add3A_1684] : memref<1024xf32, #tpu.memory_space<vmem>>[vector<16xi32>], vector<16xf32>,
    %mul3A_1686 = arith.constant 16 : i32
    %mul3A_1687 = vector.broadcast %mul3A_1686 : i32 to vector<16xi32>
    %mul3A_1688 = arith.muli %iota3A, %mul3A_1687 : vector<16xi32>
    %add3A_1689 = arith.constant 774 : i32
    %add3A_1690 = vector.broadcast %add3A_1689 : i32 to vector<16xi32>
    %add3A_1691 = arith.addi %mul3A_1688, %add3A_1690 : vector<16xi32>
    %gather3A_1692 = tpu.vector_load_idx %arg8[%add3A_1691] : memref<1024xf32, #tpu.memory_space<vmem>>[vector<16xi32>], vector<16xf32>,
    %mul3A_1693 = arith.constant 16 : i32
    %mul3A_1694 = vector.broadcast %mul3A_1693 : i32 to vector<16xi32>
    %mul3A_1695 = arith.muli %iota3A, %mul3A_1694 : vector<16xi32>
    %add3A_1696 = arith.constant 775 : i32
    %add3A_1697 = vector.broadcast %add3A_1696 : i32 to vector<16xi32>
    %add3A_1698 = arith.addi %mul3A_1695, %add3A_1697 : vector<16xi32>
    %gather3A_1699 = tpu.vector_load_idx %arg8[%add3A_1698] : memref<1024xf32, #tpu.memory_space<vmem>>[vector<16xi32>], vector<16xf32>,
    %mul3A_1700 = arith.constant 16 : i32
    %mul3A_1701 = vector.broadcast %mul3A_1700 : i32 to vector<16xi32>
    %mul3A_1702 = arith.muli %iota3A, %mul3A_1701 : vector<16xi32>
    %add3A_1703 = arith.constant 776 : i32
    %add3A_1704 = vector.broadcast %add3A_1703 : i32 to vector<16xi32>
    %add3A_1705 = arith.addi %mul3A_1702, %add3A_1704 : vector<16xi32>
    %gather3A_1706 = tpu.vector_load_idx %arg8[%add3A_1705] : memref<1024xf32, #tpu.memory_space<vmem>>[vector<16xi32>], vector<16xf32>,
    %mul3A_1707 = arith.constant 16 : i32
    %mul3A_1708 = vector.broadcast %mul3A_1707 : i32 to vector<16xi32>
    %mul3A_1709 = arith.muli %iota3A, %mul3A_1708 : vector<16xi32>
    %add3A_1710 = arith.constant 777 : i32
    %add3A_1711 = vector.broadcast %add3A_1710 : i32 to vector<16xi32>
    %add3A_1712 = arith.addi %mul3A_1709, %add3A_1711 : vector<16xi32>
    %gather3A_1713 = tpu.vector_load_idx %arg8[%add3A_1712] : memref<1024xf32, #tpu.memory_space<vmem>>[vector<16xi32>], vector<16xf32>,
    %mul3A_1714 = arith.constant 16 : i32
    %mul3A_1715 = vector.broadcast %mul3A_1714 : i32 to vector<16xi32>
    %mul3A_1716 = arith.muli %iota3A, %mul3A_1715 : vector<16xi32>
    %add3A_1717 = arith.constant 778 : i32
    %add3A_1718 = vector.broadcast %add3A_1717 : i32 to vector<16xi32>
    %add3A_1719 = arith.addi %mul3A_1716, %add3A_1718 : vector<16xi32>
    %gather3A_1720 = tpu.vector_load_idx %arg8[%add3A_1719] : memref<1024xf32, #tpu.memory_space<vmem>>[vector<16xi32>], vector<16xf32>,
    %mul3A_1721 = arith.constant 16 : i32
    %mul3A_1722 = vector.broadcast %mul3A_1721 : i32 to vector<16xi32>
    %mul3A_1723 = arith.muli %iota3A, %mul3A_1722 : vector<16xi32>
    %add3A_1724 = arith.constant 779 : i32
    %add3A_1725 = vector.broadcast %add3A_1724 : i32 to vector<16xi32>
    %add3A_1726 = arith.addi %mul3A_1723, %add3A_1725 : vector<16xi32>
    %gather3A_1727 = tpu.vector_load_idx %arg8[%add3A_1726] : memref<1024xf32, #tpu.memory_space<vmem>>[vector<16xi32>], vector<16xf32>,
    %mul3A_1728 = arith.constant 16 : i32
    %mul3A_1729 = vector.broadcast %mul3A_1728 : i32 to vector<16xi32>
    %mul3A_1730 = arith.muli %iota3A, %mul3A_1729 : vector<16xi32>
    %add3A_1731 = arith.constant 780 : i32
    %add3A_1732 = vector.broadcast %add3A_1731 : i32 to vector<16xi32>
    %add3A_1733 = arith.addi %mul3A_1730, %add3A_1732 : vector<16xi32>
    %gather3A_1734 = tpu.vector_load_idx %arg8[%add3A_1733] : memref<1024xf32, #tpu.memory_space<vmem>>[vector<16xi32>], vector<16xf32>,
    %mul3A_1735 = arith.constant 16 : i32
    %mul3A_1736 = vector.broadcast %mul3A_1735 : i32 to vector<16xi32>
    %mul3A_1737 = arith.muli %iota3A, %mul3A_1736 : vector<16xi32>
    %add3A_1738 = arith.constant 781 : i32
    %add3A_1739 = vector.broadcast %add3A_1738 : i32 to vector<16xi32>
    %add3A_1740 = arith.addi %mul3A_1737, %add3A_1739 : vector<16xi32>
    %gather3A_1741 = tpu.vector_load_idx %arg8[%add3A_1740] : memref<1024xf32, #tpu.memory_space<vmem>>[vector<16xi32>], vector<16xf32>,
    %mul3A_1742 = arith.constant 16 : i32
    %mul3A_1743 = vector.broadcast %mul3A_1742 : i32 to vector<16xi32>
    %mul3A_1744 = arith.muli %iota3A, %mul3A_1743 : vector<16xi32>
    %add3A_1745 = arith.constant 782 : i32
    %add3A_1746 = vector.broadcast %add3A_1745 : i32 to vector<16xi32>
    %add3A_1747 = arith.addi %mul3A_1744, %add3A_1746 : vector<16xi32>
    %gather3A_1748 = tpu.vector_load_idx %arg8[%add3A_1747] : memref<1024xf32, #tpu.memory_space<vmem>>[vector<16xi32>], vector<16xf32>,
    %mul3A_1749 = arith.constant 16 : i32
    %mul3A_1750 = vector.broadcast %mul3A_1749 : i32 to vector<16xi32>
    %mul3A_1751 = arith.muli %iota3A, %mul3A_1750 : vector<16xi32>
    %add3A_1752 = arith.constant 783 : i32
    %add3A_1753 = vector.broadcast %add3A_1752 : i32 to vector<16xi32>
    %add3A_1754 = arith.addi %mul3A_1751, %add3A_1753 : vector<16xi32>
    %gather3A_1755 = tpu.vector_load_idx %arg8[%add3A_1754] : memref<1024xf32, #tpu.memory_space<vmem>>[vector<16xi32>], vector<16xf32>,
    %add3A_1756 = arith.addf %gather3A_1650, %gather3A_1657 : vector<16xf32>
    %add3A_1757 = arith.addf %gather3A_1664, %gather3A_1671 : vector<16xf32>
    %add3A_1758 = arith.addf %gather3A_1678, %gather3A_1685 : vector<16xf32>
    %add3A_1759 = arith.addf %gather3A_1692, %gather3A_1699 : vector<16xf32>
    %add3A_1760 = arith.addf %gather3A_1706, %gather3A_1713 : vector<16xf32>
    %add3A_1761 = arith.addf %gather3A_1720, %gather3A_1727 : vector<16xf32>
    %add3A_1762 = arith.addf %gather3A_1734, %gather3A_1741 : vector<16xf32>
    %add3A_1763 = arith.addf %gather3A_1748, %gather3A_1755 : vector<16xf32>
    %add3A_1764 = arith.addf %add3A_1756, %add3A_1757 : vector<16xf32>
    %add3A_1765 = arith.addf %add3A_1758, %add3A_1759 : vector<16xf32>
    %add3A_1766 = arith.addf %add3A_1760, %add3A_1761 : vector<16xf32>
    %add3A_1767 = arith.addf %add3A_1762, %add3A_1763 : vector<16xf32>
    %add3A_1768 = arith.addf %add3A_1764, %add3A_1765 : vector<16xf32>
    %add3A_1769 = arith.addf %add3A_1766, %add3A_1767 : vector<16xf32>
    %add3A_1770 = arith.addf %add3A_1768, %add3A_1769 : vector<16xf32>
    %swap3A_1771 = arith.constant 48 : index
    %swap3A_1772 = tpu.vector_load %arg9[%swap3A_1771] {strides = array<i32>} : memref<64xf32, #tpu.memory_space<vmem>>, vector<16xf32>,
    tpu.vector_store %arg9[%swap3A_1771], %add3A_1770 {strides = array<i32>} : memref<64xf32, #tpu.memory_space<vmem>>, vector<16xf32>,
    %mul3A_1773 = arith.constant 64 : i32
    %mul3A_1774 = arith.muli %add3A_1255, %mul3A_1773 : i32
    "tpu.region"() ({
      %run_scoped3A = tpu.sem_alloc : memref<!tpu.dma_semaphore, #tpu.memory_space<semaphore_mem>>
      %dma_start3A_1775 = tpu.memref_slice %arg4[%mul3A_1774] : memref<6144xf32, #tpu.memory_space<hbm>> -> memref<64xf32, #tpu.memory_space<hbm>>
      %dma_start3A_1776 = tpu.memref_slice %arg4[%mul3A_1774] : memref<6144xf32, #tpu.memory_space<hbm>> -> memref<64xf32, #tpu.memory_space<hbm>>
      tpu.enqueue_dma source(%arg9 : memref<64xf32, #tpu.memory_space<vmem>>) target(%dma_start3A_1776 : memref<64xf32, #tpu.memory_space<hbm>>) target_semaphore(%run_scoped3A : memref<!tpu.dma_semaphore, #tpu.memory_space<semaphore_mem>>)
      %dma_wait3A_1777 = tpu.memref_slice %arg4[%mul3A_1774] : memref<6144xf32, #tpu.memory_space<hbm>> -> memref<64xf32, #tpu.memory_space<hbm>>
      %dma_wait3A_1778 = tpu.memref_slice %arg4[%mul3A_1774] : memref<6144xf32, #tpu.memory_space<hbm>> -> memref<64xf32, #tpu.memory_space<hbm>>
      tpu.wait_dma2 semaphore(%run_scoped3A : memref<!tpu.dma_semaphore, #tpu.memory_space<semaphore_mem>>) src(%arg9 : memref<64xf32, #tpu.memory_space<vmem>>) dst(%dma_wait3A_1778 : memref<64xf32, #tpu.memory_space<hbm>>)
      tpu.yield
    }) : () -> ()
    return
  }
}

module attributes {stable_mosaic.version = 14 : i64} {
  func.func @_tc_body(%arg0: i32, %arg1: memref<1x1x512x512xf32, #tpu.memory_space<vmem>>, %arg2: memref<512x512xf32, #tpu.memory_space<vmem>>, %arg3: memref<262144xf32, #tpu.memory_space<vmem>>, %arg4: memref<1xf32, #tpu.memory_space<smem>>, %arg5: memref<1xf32, #tpu.memory_space<smem>>) attributes {dimension_semantics = [#tpu.dimension_semantics<arbitrary>], iteration_bounds = array<i64: 48>, scalar_prefetch = 0 : i64, scratch_operands = 1 : i64, tpu.core_type = #tpu.core_type<tc>, window_params = [{transform_indices = @transform_0, window_bounds = array<i64: 1, 1, 512, 512>}, {pipeline_mode = #tpu.pipeline_mode<synchronous>, transform_indices = @transform_1, window_bounds = array<i64: 512, 512>}, {transform_indices = @transform_2, window_bounds = array<i64: 262144>}, {transform_indices = @transform_3, window_bounds = array<i64: 1>}]} {
    %get3A = arith.constant 0 : index
    %get3A_0 = arith.constant 0 : index
    %get3A_1 = arith.constant 0 : index
    %get3A_2 = arith.constant 0 : index
    %get3A_3 = vector.load %arg1[%get3A, %get3A_0, %get3A_1, %get3A_2] : memref<1x1x512x512xf32, #tpu.memory_space<vmem>>, vector<1x1x512x512xf32>
    %get3A_4 = vector.shape_cast %get3A_3 : vector<1x1x512x512xf32> to vector<512x512xf32>
    %get3A_5 = arith.constant 0 : index
    %get3A_6 = arith.constant 0 : index
    %get3A_7 = vector.load %arg2[%get3A_5, %get3A_6] : memref<512x512xf32, #tpu.memory_space<vmem>>, vector<512x512xf32>
    %dot_general3A = arith.constant dense<0.000000e+00> : vector<512x512xf32>
    %dot_general3A_8 = tpu.matmul %get3A_4, %get3A_7, %dot_general3A {dimension_numbers = #tpu.dot_dimension_numbers<[1], [0], [0], [1], [0, 0, 1, 1], [], []>, transpose_lhs_hint = false} : vector<512x512xf32>, vector<512x512xf32>, vector<512x512xf32> -> vector<512x512xf32>
    %dot_general3A_9 = arith.constant dense<0.000000e+00> : vector<512x512xf32>
    %dot_general3A_10 = tpu.matmul %get3A_7, %dot_general3A_8, %dot_general3A_9 {dimension_numbers = #tpu.dot_dimension_numbers<[1], [0], [0], [1], [0, 0, 1, 1], [], []>, transpose_lhs_hint = false} : vector<512x512xf32>, vector<512x512xf32>, vector<512x512xf32> -> vector<512x512xf32>
    %abs3A = math.absf %dot_general3A_10 : vector<512x512xf32>
    %iota3A = tpu.iota {dimensions = array<i32: 0>} : vector<512x512xi32>
    %iota3A_11 = tpu.iota {dimensions = array<i32: 1>} : vector<512x512xi32>
    %and3A = arith.constant 7 : i32
    %and3A_12 = vector.broadcast %and3A : i32 to vector<512x512xi32>
    %and3A_13 = arith.andi %iota3A, %and3A_12 : vector<512x512xi32>
    %eq3A = arith.constant 0 : i32
    %eq3A_14 = vector.broadcast %eq3A : i32 to vector<512x512xi32>
    %eq3A_15 = arith.cmpi eq, %and3A_13, %eq3A_14 : vector<512x512xi32>
    %and3A_16 = arith.constant 7 : i32
    %and3A_17 = vector.broadcast %and3A_16 : i32 to vector<512x512xi32>
    %and3A_18 = arith.andi %iota3A_11, %and3A_17 : vector<512x512xi32>
    %eq3A_19 = arith.constant 0 : i32
    %eq3A_20 = vector.broadcast %eq3A_19 : i32 to vector<512x512xi32>
    %eq3A_21 = arith.cmpi eq, %and3A_18, %eq3A_20 : vector<512x512xi32>
    %and3A_22 = arith.andi %eq3A_15, %eq3A_21 : vector<512x512xi1>
    %jit3A = arith.constant 0.000000e+00 : f32
    %broadcast_in_dim3A = vector.broadcast %jit3A : f32 to vector<512x512xf32>
    %select_n3A = arith.select %and3A_22, %broadcast_in_dim3A, %abs3A : vector<512x512xi1>, vector<512x512xf32>
    %reshape3A = vector.shape_cast %select_n3A : vector<512x512xf32> to vector<262144xf32>
    %swap3A = arith.constant 0 : index
    %swap3A_23 = vector.load %arg3[%swap3A] : memref<262144xf32, #tpu.memory_space<vmem>>, vector<262144xf32>
    tpu.vector_store %arg3[%swap3A], %reshape3A {strides = array<i32>} : memref<262144xf32, #tpu.memory_space<vmem>>, vector<262144xf32>,
    %eq3A_24 = arith.constant 0 : i32
    %eq3A_25 = arith.cmpi eq, %arg0, %eq3A_24 : i32
    %convert_element_type3A = arith.extui %eq3A_25 : i1 to i32
    %cond3A = arith.constant 0 : i32
    %cond3A_26 = arith.cmpi ne, %convert_element_type3A, %cond3A : i32
    scf.if %cond3A_26 {
      %swap3A_40 = arith.constant 0.000000e+00 : f32
      %swap3A_41 = arith.constant 0 : index
      %swap3A_42 = memref.load %arg5[%swap3A_41] : memref<1xf32, #tpu.memory_space<smem>>
      memref.store %swap3A_40, %arg5[%swap3A_41] : memref<1xf32, #tpu.memory_space<smem>>
    } else {
    }
    %get3A_27 = arith.constant 0 : index
    %get3A_28 = memref.load %arg5[%get3A_27] : memref<1xf32, #tpu.memory_space<smem>>
    %reduce_max3A = vector.shape_cast %select_n3A : vector<512x512xf32> to vector<1x512x512xf32>
    %reduce_max3A_29 = arith.constant dense<0xFF800000> : vector<1xf32>
    %reduce_max3A_30 = vector.multi_reduction <maximumf>, %reduce_max3A, %reduce_max3A_29 [1, 2] : vector<1x512x512xf32> to vector<1xf32>
    %reduce_max3A_31 = vector.shape_cast %reduce_max3A_30 : vector<1xf32> to vector<1x1x1xf32>
    %reduce_max3A_32 = vector.extract %reduce_max3A_31[0, 0, 0] : f32 from vector<1x1x1xf32>
    %max3A = arith.maximumf %get3A_28, %reduce_max3A_32 : f32
    %swap3A_33 = arith.constant 0 : index
    %swap3A_34 = memref.load %arg5[%swap3A_33] : memref<1xf32, #tpu.memory_space<smem>>
    memref.store %max3A, %arg5[%swap3A_33] : memref<1xf32, #tpu.memory_space<smem>>
    %eq3A_35 = arith.constant 47 : i32
    %eq3A_36 = arith.cmpi eq, %arg0, %eq3A_35 : i32
    %convert_element_type3A_37 = arith.extui %eq3A_36 : i1 to i32
    %cond3A_38 = arith.constant 0 : i32
    %cond3A_39 = arith.cmpi ne, %convert_element_type3A_37, %cond3A_38 : i32
    scf.if %cond3A_39 {
      %get3A_40 = arith.constant 0 : index
      %get3A_41 = memref.load %arg5[%get3A_40] : memref<1xf32, #tpu.memory_space<smem>>
      %swap3A_42 = arith.constant 0 : index
      %swap3A_43 = memref.load %arg4[%swap3A_42] : memref<1xf32, #tpu.memory_space<smem>>
      memref.store %get3A_41, %arg4[%swap3A_42] : memref<1xf32, #tpu.memory_space<smem>>
    } else {
    }
    return
  }
  func.func @transform_0(%arg0: i32) -> (i32, i32, i32, i32) {
    %jit3A = arith.constant 3 : i32
    %div3A = arith.divsi %arg0, %jit3A : i32
    %sign3A = arith.constant 0 : i32
    %sign3A_0 = arith.cmpi sgt, %arg0, %sign3A : i32
    %sign3A_1 = arith.extui %sign3A_0 : i1 to i32
    %sign3A_2 = arith.constant 0 : i32
    %sign3A_3 = arith.cmpi slt, %arg0, %sign3A_2 : i32
    %sign3A_4 = arith.extui %sign3A_3 : i1 to i32
    %sign3A_5 = arith.subi %sign3A_1, %sign3A_4 : i32
    %sign3A_6 = arith.constant 0 : i32
    %sign3A_7 = arith.cmpi sgt, %jit3A, %sign3A_6 : i32
    %sign3A_8 = arith.extui %sign3A_7 : i1 to i32
    %sign3A_9 = arith.constant 0 : i32
    %sign3A_10 = arith.cmpi slt, %jit3A, %sign3A_9 : i32
    %sign3A_11 = arith.extui %sign3A_10 : i1 to i32
    %sign3A_12 = arith.subi %sign3A_8, %sign3A_11 : i32
    %ne3A = arith.cmpi ne, %sign3A_5, %sign3A_12 : i32
    %rem3A = arith.remsi %arg0, %jit3A : i32
    %ne3A_13 = arith.constant 0 : i32
    %ne3A_14 = arith.cmpi ne, %rem3A, %ne3A_13 : i32
    %and3A = arith.andi %ne3A, %ne3A_14 : i1
    %sub3A = arith.constant 1 : i32
    %sub3A_15 = arith.subi %div3A, %sub3A : i32
    %select_n3A = arith.select %and3A, %sub3A_15, %div3A : i32
    %jit3A_16 = arith.constant 3 : i32
    %eq3A = arith.constant 0 : i32
    %eq3A_17 = arith.cmpi eq, %jit3A_16, %eq3A : i32
    %jit3A_18 = arith.constant 1 : i32
    %select_n3A_19 = arith.select %eq3A_17, %jit3A_18, %jit3A_16 : i32
    %rem3A_20 = arith.remsi %arg0, %select_n3A_19 : i32
    %ne3A_21 = arith.constant 0 : i32
    %ne3A_22 = arith.cmpi ne, %rem3A_20, %ne3A_21 : i32
    %lt3A = arith.constant 0 : i32
    %lt3A_23 = arith.cmpi slt, %rem3A_20, %lt3A : i32
    %lt3A_24 = arith.constant 0 : i32
    %lt3A_25 = arith.cmpi slt, %select_n3A_19, %lt3A_24 : i32
    %ne3A_26 = arith.xori %lt3A_23, %lt3A_25 : i1
    %and3A_27 = arith.andi %ne3A_26, %ne3A_22 : i1
    %add3A = arith.addi %rem3A_20, %select_n3A_19 : i32
    %select_n3A_28 = arith.select %and3A_27, %add3A, %rem3A_20 : i32
    %c0_i32 = arith.constant 0 : i32
    %c0_i32_29 = arith.constant 0 : i32
    %c0_i32_30 = arith.constant 0 : i32
    return %select_n3A, %select_n3A_28, %c0_i32, %c0_i32_29 : i32, i32, i32, i32
  }
  func.func @transform_1(%arg0: i32) -> (i32, i32) {
    %c0_i32 = arith.constant 0 : i32
    %c0_i32_0 = arith.constant 0 : i32
    %c0_i32_1 = arith.constant 0 : i32
    return %c0_i32, %c0_i32_0 : i32, i32
  }
  func.func @transform_2(%arg0: i32) -> i32 {
    %c0_i32 = arith.constant 0 : i32
    return %arg0 : i32
  }
  func.func @transform_3(%arg0: i32) -> i32 {
    %c0_i32 = arith.constant 0 : i32
    %c0_i32_0 = arith.constant 0 : i32
    return %c0_i32 : i32
  }
}

</mosaic_0001>

<sc_bundles>
// kernel: kernel.4.cloned.1.call-start
scs
__scs_entry_jumppad:
0x0: {  	(pc) =	sbr.rel $0x88, $3  }
0x1: {  	(tag) =	ssettag $0x0;
	lr =	simm.s32 $0x1  }
0x2: {  	[smem:$0x3F9F] =	sst lr;
	_ =	strace $0xD0000000  }
0x3: {  	_ = 	snop  }
0x4: {  	_ = 	snop  }
0x5: {  	_ = 	snop  }
0x6: {  	_ = 	snop  }
0x7: {  	_ = 	snop  }
__scs_overlays_trampoline_lowered:
0x8: {  	[smem:$0x3FAE] =	sst s0  }
0x9: {  	[smem:$0x3FAF] =	sst s1  }
0xa: {  	[smem:$0x3FB0] =	sst s2  }
0xb: {  	[smem:$0x3FB1] =	sst s3  }
0xc: {  	[smem:$0x3FB2] =	sst s4  }
0xd: {  	[smem:$0x3FB3] =	sst s5  }
0xe: {  	[smem:$0x3FB4] =	sst s6  }
0xf: {  	[smem:$0x3FB5] =	sst s7  }
0x10: {  	[smem:$0x3FB6] =	sst s8  }
0x11: {  	[smem:$0x3FB7] =	sst s9;
	s0 =	simm.s32 @!p0 $0x0  }
0x12: {  	s1 =	sld [smem:$0x3F9D];
	s0 =	simm.s32 @p0 $0x1  }
0x13: {  	[smem:$0x3FB8] =	sst s0;
	s0 =	simm.s32 @!p1 $0x0  }
0x14: {  	s2 =	sld [smem:$0x3F9C];
	s0 =	simm.s32 @p1 $0x1  }
0x15: {  	[smem:$0x3FB9] =	sst s0;
	s0 =	simm.s32 @!p2 $0x0  }
0x16: {  	s3 =	sld [smem:$0x3FDB];
	s0 =	simm.s32 @p2 $0x1  }
0x17: {  	s4 =	simm.s32 $0x1BF5;
	[smem:$0x3FBB] =	sst s0  }
0x18: {  	s0 =	sld [smem:$0x3F9E];
	_ =	swait.ge [sflag:s4], $0x0  }
0x19: {  	s7 =	sld [smem:$0x3F9F]  }
0x1a: {  	s8 =	sadd.s32 $0xFFFFE003, lr  }
0x1b: {  	s9 =	sadd.s32 $0xFFFFFEF7, lr;
	s5 =	simm.s32 $0xFFFFFFFF;
	p2 =	slt.u32 s8, $0xFFFFF086  }
0x1c: {  	p1 =	slt.u32 s9, $0xF7A;
	s5 =	simm.s32 @!p2 $0x0  }
0x1d: {  	s5 =	simm.s32 @p1 $0x1;
	p0 =	seq.s32 s7, s2  }
0x1e: {  	s7 =	smul.u32 @!p0 $0xF7A, s2;
	p2 =	seq.s32 @!p0 s5, $0x0  }
0x1f: {  	s9 =	smul.u32 $0xF7A, s1;
	s8 =	simm.s32 @!p0 $0x1BF5;
	p2 =	por !p2, p0  }
0x20: {  	[sflag:s8] =	ssyncset.s32 @!p0 $0xFFFFF086;
	s6 =	sadd.s32 @!p0 s3, s7;
	s7 =	simm.s32 @!p0 $0x108  }
0x21: {  	s3 =	sadd.s32 s3, s9;
	s6 =	sadd.s32 @!p0 $0x88, s6;
	s7 =	simm.s32 @p2 $0x1082  }
0x22: {  	[simem:s7], [sflag:s8] =	dma.local @!p0 [hbm:s6], $0xF7A  }
0x23: {  	s9 =	sor.u32 $0xD0000000, s2;
	s6 =	simm.s32 $0x108;
	_ =	swait.ge @!p0 [sflag:s8], $0x0  }
0x24: {  	s3 =	sadd.s32 $0x88, s3;
	s6 =	simm.s32 @!p1 $0x1082;
	[sflag:s4] =	ssyncset.s32 $0xFFFFF086  }
0x25: {  	[simem:s6], [sflag:s4] =	dma.local [hbm:s3], $0xF7A  }
0x26: {  	[smem:$0x3F9F] =	sst s1;
	(tag) =	ssettag s2;
	_ =	strace s9  }
0x27: {  	s1 =	sld [smem:$0x3FAF]  }
0x28: {  	s2 =	sld [smem:$0x3FB0]  }
0x29: {  	s4 =	sld [smem:$0x3FB2]  }
0x2a: {  	p0 =	seq.s32 s5, $0x0;
	s5 =	sld [smem:$0x3FB3]  }
0x2b: {  	s6 =	sld [smem:$0x3FB4]  }
0x2c: {  	s7 =	sld [smem:$0x3FB5]  }
0x2d: {  	s3 =	simm.s32 $0x108;
	s8 =	sld [smem:$0x3FB6]  }
0x2e: {  	s3 =	simm.s32 @!p0 $0x1082;
	s9 =	sld [smem:$0x3FB7]  }
0x2f: {  	lr =	sadd.s32 s0, s3;
	s0 =	sld [smem:$0x3FAE]  }
0x30: {  	s3 =	sld [smem:$0x3FB1]  }
0x31: {  	[smem:$0x3FBA] =	sst s10  }
0x32: {  	s10 =	sld [smem:$0x3FB8];
	_ =	sdelay $0x3  }
0x33: {  	p0 =	seq.s32 s10, $0x1;
	s10 =	sld [smem:$0x3FBA];
	_ =	sdelay $0x3  }
0x34: {  	[smem:$0x3FBA] =	sst s10  }
0x35: {  	s10 =	sld [smem:$0x3FB9];
	_ =	sdelay $0x3  }
0x36: {  	p1 =	seq.s32 s10, $0x1;
	s10 =	sld [smem:$0x3FBA];
	_ =	sdelay $0x3  }
0x37: {  	[smem:$0x3FBA] =	sst s10  }
0x38: {  	s10 =	sld [smem:$0x3FBB]  }
0x39: {  	_ = 	snop;
	(pc) =	sbr.ind lr, $3  }
0x3a: {  	_ = 	snop  }
0x3b: {  	_ = 	snop  }
0x3c: {  	p2 =	seq.s32 s10, $0x1;
	s10 =	sld [smem:$0x3FBA]  }
0x3d: {  	_ =	shalt  }
0x3e: {  	_ =	shalt  }
0x3f: {  	_ =	shalt  }
0x40: {  	_ =	shalt  }
0x41: {  	_ =	shalt  }
0x42: {  	_ =	shalt  }
0x43: {  	_ =	shalt  }
0x44: {  	_ =	shalt  }
0x45: {  	_ =	shalt  }
0x46: {  	_ =	shalt  }
0x47: {  	_ =	shalt  }
0x48: {  	_ =	shalt  }
0x49: {  	_ =	shalt  }
0x4a: {  	_ =	shalt  }
0x4b: {  	_ =	shalt  }
0x4c: {  	_ =	shalt  }
0x4d: {  	_ =	shalt  }
0x4e: {  	_ =	shalt  }
0x4f: {  	_ =	shalt  }
0x50: {  	_ =	shalt  }
0x51: {  	_ =	shalt  }
0x52: {  	_ =	shalt  }
0x53: {  	_ =	shalt  }
0x54: {  	_ =	shalt  }
0x55: {  	_ =	shalt  }
0x56: {  	_ =	shalt  }
0x57: {  	_ =	shalt  }
0x58: {  	_ =	shalt  }
0x59: {  	_ =	shalt  }
0x5a: {  	_ =	shalt  }
0x5b: {  	_ =	shalt  }
0x5c: {  	_ =	shalt  }
0x5d: {  	_ =	shalt  }
0x5e: {  	_ =	shalt  }
0x5f: {  	_ =	shalt  }
0x60: {  	_ =	shalt  }
0x61: {  	_ =	shalt  }
0x62: {  	_ =	shalt  }
0x63: {  	_ =	shalt  }
0x64: {  	_ =	shalt  }
0x65: {  	_ =	shalt  }
0x66: {  	_ =	shalt  }
0x67: {  	_ =	shalt  }
0x68: {  	_ =	shalt  }
0x69: {  	_ =	shalt  }
0x6a: {  	_ =	shalt  }
0x6b: {  	_ =	shalt  }
0x6c: {  	_ =	shalt  }
0x6d: {  	_ =	shalt  }
0x6e: {  	_ =	shalt  }
0x6f: {  	_ =	shalt  }
0x70: {  	_ =	shalt  }
0x71: {  	_ =	shalt  }
0x72: {  	_ =	shalt  }
0x73: {  	_ =	shalt  }
0x74: {  	_ =	shalt  }
0x75: {  	_ =	shalt  }
0x76: {  	_ =	shalt  }
0x77: {  	_ =	shalt  }
0x78: {  	_ =	shalt  }
0x79: {  	_ =	shalt  }
0x7a: {  	_ =	shalt  }
0x7b: {  	_ =	shalt  }
0x7c: {  	_ =	shalt  }
0x7d: {  	_ =	shalt  }
0x7e: {  	_ =	shalt  }
0x7f: {  	_ =	shalt  }
0x80: {  	_ =	shalt  }
0x81: {  	_ =	shalt  }
0x82: {  	_ =	shalt  }
0x83: {  	_ =	shalt  }
0x84: {  	_ =	shalt  }
0x85: {  	_ =	shalt  }
0x86: {  	_ =	shalt  }
0x87: {  	_ =	shalt  }
.Lfunc_end0:
.L_simem_size_0:
called_computation_lowered:
.L_overlay_start_0:
0x88: {  	s2 =	sld [smem:$0x3FD9]  }
0x89: {  	s3 =	sld [smem:$0x3FFE];
	_ =	sdelay $0x1  }
0x8a: {  	s1 =	srdreg.scid  }
0x8b: {  	s0 =	sand.u32 $0x1, s1  }
0x8c: {  	s16 =	sshll.u32 s0, $0xA;
	s2 =	sadd.s32 s3, s2  }
0x8d: {  	s2 =	sadd.s32 s2, s16  }
0x8e: {  	[smem:$0x3FC6] =	sst s2  }
0x8f: {  	_ = 	snop  }
0x90: {  	(tm) =	ssettm $0x1  }
0x91: {  	s17 =	sld [smem:$0x3FFB];
	_ =	sdelay $0x3  }
0x92: {  	_ =	strace s17  }
0x93: {  	s2 =	sld [smem:$0x3FFC];
	_ =	sdelay $0x3  }
0x94: {  	_ =	strace s2  }
0x95: {  	s2 =	sld [smem:$0x3FFD];
	_ =	sdelay $0x3  }
0x96: {  	_ =	strace s2  }
0x97: {  	_ =	strace $0x8FFFFFFF  }
0x98: {  	s18 =	sld [smem:$0x3FDB];
	_ =	sdelay $0x1  }
0x99: {  	s19 =	simm.s32 $_scs_section_size  }
0x9a: {  	s4 =	simm.s32 $_size__tile_overlayer_lowered;
	s5 =	simm.s32 $_tile_overlayer_lowered  }
0x9b: {  	s22 =	simm.s32 $0x1BFF;
	s21 =	sshll.u32 s5, $0x1;
	s2 =	sadd.s32 s19, s18  }
0x9c: {  	s6 =	simm.s32 $0x0;
	s20 =	sshll.u32 s4, $0x1;
	s4 =	sadd.s32 s21, s2  }
0x9d: {  	[timem:s6], [sflag:s22] =	dma.local [hbm:s4], s20  }
0x9e: {  	_ =	swait.ge [sflag:s22], s20  }
0x9f: {  	s3 =	ssub.s32 $0x0, s20;
	[sflag:s22] =	ssyncset.done $0x0  }
0xa0: {  	[sflag:s22] =	ssyncadd.s32 s3;
	_ =	sdelay $0x1  }
0xa1: {  	s23 =	simm.s32 $0x1B8B  }
0xa2: {  	_ =	swait.ge [sflag:s23], $0x1  }
0xa3: {  	[sflag:s23] =	ssyncset.done $0x0  }
0xa4: {  	s25 =	simm.s32 $0x1B8E;
	s24 =	sld [smem:$0x3FFE];
	[sflag:s23] =	ssyncadd.s32 $0xFFFFFFFF  }
0xa5: {  	s26 =	simm.s32 $execute0_lowered;
	[smem:$0x3FD2] =	sst s25  }
0xa6: {  	s4 =	sshll.u32 s26, $0x1;
	_ =	strace $0x80000046;
	[dreg:$0x1] =	wrdreg $0xFFFFFFFF  }
0xa7: {  	s28 =	simm.s32 $_size_execute0_lowered;
	s2 =	sadd.s32 s2, s4;
	[dreg:$0x0] =	wrdreg $0x0  }
0xa8: {  	s4 =	sshll.u32 s28, $0x1;
	[dreg:$0x2] =	wrdreg s2  }
0xa9: {  	[dreg:$0x3] =	wrdreg s4  }
0xaa: {  	[dreg:$0x4] =	wrdreg $0xC0  }
0xab: {  	_ =	task [dreg:s6], $0x5FFFF  }
0xac: {  	[dreg:$0x1] =	wrdreg $0xFFFFFFFF  }
0xad: {  	[dreg:$0x0] =	wrdreg $0x60  }
0xae: {  	[dreg:$0x2] =	wrdreg s24  }
0xaf: {  	[dreg:$0x3] =	wrdreg $0x9  }
0xb0: {  	_ =	task.clear_ibuf [dreg:s6], $0x4FFFF;
	_ =	strace $0x90000046  }
0xb1: {  	s29 =	simm.s32 $0x9;
	_ =	strace $0x80000048  }
0xb2: {  	_ =	swait.ge [sflag:s29], $0x1  }
0xb3: {  	[sflag:s29] =	ssyncadd.s32 $0xFFFFFFFF  }
0xb4: {  	_ =	strace $0x90000048  }
0xb5: {  	_ =	sfence  }
0xb6: {  	s30 =	sld [smem:$0x0];
	_ =	sdelay $0x2  }
0xb7: {  	s31 =	sshll.u32 s1, $0xD;
	s1 =	sshrl.u32 s1, $0x2  }
0xb8: {  	s3 =	sand.u32 $0x4000, s31;
	s1 =	sadd.s32 s1, s30  }
0xb9: {  	s0 =	sor.u32 s3, s0;
	s1 =	sshll.u32 s1, $0x11  }
0xba: {  	s0 =	sor.u32 s1, s0  }
0xbb: {  	s0 =	sadd.s32 $0x8F2B, s0  }
0xbc: {  	[sflag:s0] =	ssyncadd.remote.s32 $0x1  }
0xbd: {  	_ =	sfence.sel $0xFFFF  }
0xbe: {  	[dreg:$0x0] =	wrdreg $0xFFFFFFFF;
	(pc) =	sbr.abs _section_cstart, $3  }
0xbf: {  	[dreg:$0x1] =	wrdreg $0xFFFFFFFF  }
0xc0: {  	_ =	task.clear_ibuf [dreg:s6], $0x2FFFF;
	_ =	strace $0x9FFFFFFF  }
0xc1: {  	(tm) =	ssettm $0x7FFFFFFF  }
tec
execute0_lowered:
.L_overlay_start_1:
0x0: {  	(tag) =	ssettag $0x1  }
0x1: {  	v0 =	vlaneseq.u32  }
0x2: {  	v1 =	vmul.u32 $0x10, v0;
	_ =	sdelay $0x1  }
0x3: {  	v4 =	vor.u32 $0x1, v1  }
0x4: {  	[tilespmem:$0x1FEA0] =	vst v4;
	v4 =	vor.u32 $0x2, v1  }
0x5: {  	[tilespmem:$0x1FEB0] =	vst v4;
	v4 =	vor.u32 $0x3, v1  }
0x6: {  	v2 =	vimm.f32 $0.0e+00;
	v3 =	vimm.f32 $1.000000000e+00;
	[tilespmem:$0x1FEC0] =	vst v4;
	v4 =	vor.u32 $0x4, v1  }
0x7: {  	vm0 =	vcmask $0x300;
	v5 =	vor.u32 $0xF, v1;
	[tilespmem:$0x1FED0] =	vst v4;
	v4 =	vor.u32 $0x5, v1  }
0x8: {  	s6 =	rddreg [dreg:$0x0];
	v26 =	vor.u32 $0x106, v1;
	v27 =	vor.u32 $0x107, v1;
	[tilespmem:$0x1FEE0] =	vst v4;
	v4 =	vor.u32 $0x6, v1  }
0x9: {  	s0 =	rddreg [dreg:$0x1];
	s1 =	simm.s32 $0x0;
	s3 =	srdreg.scid;
	v28 =	vor.u32 $0x108, v1;
	v29 =	vor.u32 $0x109, v1;
	[tilespmem:$0x1FEF0] =	vst v4;
	v4 =	vor.u32 $0x7, v1  }
0xa: {  	s2 =	stileid.u32;
	s22 =	simm.s32 $0x8000;
	s24 =	simm.s32 $0x10080;
	v30 =	vor.u32 $0x10A, v1;
	v31 =	vor.u32 $0x10B, v1;
	[tilespmem:$0x1FF00] =	vst v4;
	v4 =	vor.u32 $0x8, v1  }
0xb: {  	s23 =	simm.s32 $0x1;
	s26 =	simm.s32 $0x10480;
	[smem:$0x7FF] =	sst s1;
	v32 =	vor.u32 $0x10C, v1;
	v33 =	vor.u32 $0x10D, v1;
	[tilespmem:$0x1FF10] =	vst v4;
	v4 =	vor.u32 $0x9, v1  }
0xc: {  	s25 =	simm.s32 $0x2;
	s4 =	sand.u32 $0x1, s3;
	s3 =	sadd.s32 $0x180200, s6;
	v34 =	vor.u32 $0x10E, v1;
	v35 =	vor.u32 $0x10F, v1;
	[tilespmem:$0x1FF20] =	vst v4;
	v4 =	vor.u32 $0xA, v1  }
0xd: {  	s28 =	simm.s32 $0x0;
	s5 =	sshll.u32 s2, $0x1;
	s18 =	sadd.s32 $0x180400, s6;
	v36 =	vor.u32 $0x200, v1;
	v37 =	vor.u32 $0x201, v1;
	[tilespmem:$0x1FF30] =	vst v4;
	v4 =	vor.u32 $0xB, v1  }
0xe: {  	s13 =	sadd.s32 $0x200, s6;
	s15 =	sadd.s32 $0x1200, s6;
	s8 =	sor.u32 s4, s5;
	v38 =	vor.u32 $0x202, v1;
	v39 =	vor.u32 $0x203, v1;
	[tilespmem:$0x1FF40] =	vst v4;
	v4 =	vor.u32 $0xC, v1  }
0xf: {  	s16 =	sadd.s32 $0x2200, s6;
	s7 =	ssub.s32 $0x2, s4;
	s9 =	smul.u32 $0xC000, s8;
	v40 =	vor.u32 $0x204, v1;
	v41 =	vor.u32 $0x205, v1;
	[tilespmem:$0x1FF50] =	vst v4;
	v4 =	vor.u32 $0xD, v1  }
0x10: {  	s17 =	sadd.s32 $0x3200, s6;
	s31 =	sshrl.u32 s7, $0x1;
	s10 =	smul.u32 $0x3, s8;
	v42 =	vor.u32 $0x206, v1;
	v43 =	vor.u32 $0x207, v1;
	[tilespmem:$0x1FF60] =	vst v4;
	v4 =	vor.u32 $0xE, v1  }
0x11: {  	s11 =	smul.u32 $0x18, s8;
	v44 =	vor.u32 $0x208, v1;
	v45 =	vor.u32 $0x209, v1;
	s19 =	ssub.s32 s7, s31;
	_ =	strace $0x80000047;
	[tilespmem:$0x1FF70] =	vst v4;
	v4 =	vimm.f32 $-0.0e+00  }
0x12: {  	v46 =	vor.u32 $0x20A, v1;
	v47 =	vor.u32 $0x20B, v1;
	s4 =	sadd.s32 s13, s9;
	s5 =	sadd.s32 s9, s15;
	s14 =	sadd.s32 $0x1, s10;
	[tilespmem:$0x1FF80] =	vst v5;
	v4 =	vsel vm0, $0xC5000000, v4  }
0x13: {  	v48 =	vor.u32 $0x20C, v1;
	v49 =	vor.u32 $0x20D, v1;
	s6 =	sadd.s32 s9, s16;
	s7 =	sadd.s32 s9, s17;
	s9 =	sadd.s32 s18, s11;
	[tilespmem:$0x1FF90] =	vst v4;
	v4 =	vor.u32 $0x100, v1  }
0x14: {  	v50 =	vor.u32 $0x20E, v1;
	v51 =	vor.u32 $0x20F, v1;
	s20 =	sadd.s32 $0x2, s10;
	s19 =	smax.u32 s19, $0x1;
	s12 =	sshll.u32 s14, $0xE;
	[tilespmem:$0x1FFA0] =	vst v4;
	v4 =	vor.u32 $0x101, v1  }
0x15: {  	v52 =	vor.u32 $0x300, v1;
	v53 =	vor.u32 $0x301, v1;
	s21 =	sshll.u32 s20, $0xE;
	s14 =	sshll.u32 s14, $0x3;
	s20 =	sshll.u32 s20, $0x3;
	[tilespmem:$0x1FFB0] =	vst v4;
	v4 =	vor.u32 $0x102, v1  }
0x16: {  	v54 =	vor.u32 $0x302, v1;
	v55 =	vor.u32 $0x303, v1;
	s8 =	sadd.s32 s13, s12;
	s10 =	sadd.s32 s12, s15;
	s11 =	sadd.s32 s12, s16;
	[tilespmem:$0x1FFC0] =	vst v4;
	v4 =	vor.u32 $0x103, v1  }
0x17: {  	v56 =	vor.u32 $0x304, v1;
	v57 =	vor.u32 $0x305, v1;
	s12 =	sadd.s32 s12, s17;
	s13 =	sadd.s32 s13, s21;
	s14 =	sadd.s32 s18, s14;
	[tilespmem:$0x1FFD0] =	vst v4;
	v4 =	vor.u32 $0x104, v1  }
0x18: {  	v58 =	vor.u32 $0x306, v1;
	v59 =	vor.u32 $0x307, v1;
	s15 =	sadd.s32 s21, s15;
	s16 =	sadd.s32 s21, s16;
	s17 =	sadd.s32 s21, s17;
	[tilespmem:$0x1FFE0] =	vst v4;
	v4 =	vor.u32 $0x105, v1  }
0x19: {  	v60 =	vor.u32 $0x308, v1;
	v61 =	vor.u32 $0x309, v1;
	v62 =	vor.u32 $0x30A, v1;
	s18 =	sadd.s32 s18, s20;
	s20 =	simm.s32 $0x10000;
	s21 =	simm.s32 $0x3;
	[tilespmem:$0x1FFF0] =	vst v4  }
.LBB2_1:
0x1a: {  	[tilespmem:s20], [sflag:$0x3] =	stream.linear.gather [hbm4b:s3+s1], $0x80, $0x38;
	[tilespmem:$0x10500] =	vst v63  }
0x1b: {  	_ =	swait.ge [sflag:s21], $0x80  }
0x1c: {  	[sflag:s21] =	ssyncset.done $0x0  }
0x1d: {  	[sflag:s21] =	ssyncadd.s32 $0xFFFFFF80  }
0x1e: {  	v4 =	vld [tilespmem:$0x10000];
	[tilespmem:s1], [sflag:$0x1] =	stream.linear.gather [hbm4b:s4+s1], $0x8000, $0x38  }
0x1f: {  	s29 =	simm.s32 $0x40;
	s30 =	simm.s32 $0x0  }
0x20: {  	[tilespmem:s22], [sflag:$0x2] =	stream.linear.gather [hbm4b:s5+s1], $0x8000, $0x38;
	[tilespmem:$0x10500] =	vst v63  }
.LBB2_2:
0x21: {  	p0 =	sne.s32 s29, $0xFC0;
	[tilespmem:s30+$0x10080] =	vst v2;
	s30 =	smov.u32 s29;
	s29 =	sadd.s32 $0x40, s29  }
.Ltmp0:
0x22: {  	(pc) =	sbr.rel @p0 .LBB2_2-.Ltmp0, $2  }
0x23: {  	_ =	sdelay $0x2  }
0x24: {  	s30 =	sshra.s32 s30, $0x2  }
0x25: {  	v4 =	vmul.f32 $1.100000020e+00, v4;
	_ =	sdelay $0x1  }
0x26: {  	(erf) = vrcp.f32 v4;
	_ =	sdelay $0x8  }
0x27: {  	[tilespmem:s30+$0x10080] =	vst v2;
	v4 =	vpop (erf)  }
0x28: {  	_ =	swait.ge [sflag:s23], $0x8000  }
0x29: {  	[sflag:s23] =	ssyncset.done $0x0  }
0x2a: {  	s29 =	simm.s32 $0x40;
	[sflag:s23] =	ssyncadd.s32 $0xFFFF8000  }
0x2b: {  	v5 =	vld [tilespmem:s29+$0x30]  }
0x2c: {  	v6 =	vld [tilespmem:s29+$0xFFFFFFD0]  }
0x2d: {  	v7 =	vld [tilespmem:s29+$0xFFFFFFE0]  }
0x2e: {  	v63 =	vmul.f32 $1.024000000e+03, v4;
	v4 =	vld [tilespmem:s29+$0xFFFFFFF0]  }
0x2f: {  	v8 =	vld [tilespmem:s29+$0x0];
	_ =	sdelay $0x1  }
0x30: {  	v10 =	vld [tilespmem:s29+$0x20]  }
0x31: {  	v9 =	vld [tilespmem:s29+$0x10];
	v5 =	vmul.f32 v5, v63;
	v6 =	vmul.f32 v6, v63  }
0x32: {  	v11 =	vld [tilespmem:s29+$0xFFFFFFC0];
	v7 =	vmul.f32 v7, v63;
	v4 =	vmul.f32 v4, v63  }
0x33: {  	v8 =	vmul.f32 v8, v63;
	v5 =	vtrunc.f32 v5  }
0x34: {  	v13 =	vtrunc.f32 v6;
	v6 =	vtrunc.f32 v4  }
0x35: {  	v4 =	vmul.f32 v10, v63;
	v12 =	vcvt.f32.s32 v5  }
0x36: {  	v5 =	vtrunc.f32 v7;
	v7 =	vmul.f32 v9, v63  }
0x37: {  	v10 =	vmul.f32 v11, v63;
	v9 =	vtrunc.f32 v8;
	v11 =	vand.u32 $0xFFFFFFF0, v12  }
0x38: {  	v8 =	vtrunc.f32 v7;
	v7 =	vtrunc.f32 v4;
	v4 =	vor.u32 v0, v11;
	_ =	sdelay $0x2  }
0x39: {  	s30 =	simm.s32 $0xC0;
	s29 =	simm.s32 $0x0;
	v11 =	vtrunc.f32 v10;
	v10 =	vcvt.f32.s32 v13  }
.LBB2_4:
0x3a: {  	v12 =	vld [tilespmem:s30+$0x30];
	v11 =	vcvt.f32.s32 v11;
	v5 =	vcvt.f32.s32 v5  }
0x3b: {  	s29 =	sadd.s32 $0x8, s29;
	v6 =	vcvt.f32.s32 v6;
	v9 =	vcvt.f32.s32 v9;
	v10 =	vand.u32 $0xFFFFFFF0, v10;
	[tilespmem:v4+s24+$0x0] =	vst.idx.add.f32.msk $0xffff, v3  }
0x3c: {  	v8 =	vcvt.f32.s32 v8;
	v7 =	vcvt.f32.s32 v7;
	p0 =	slt.u32 s29, $0x7F8;
	v4 =	vld [tilespmem:s30+$0xFFFFFFD0];
	v11 =	vand.u32 $0xFFFFFFF0, v11  }
0x3d: {  	v5 =	vand.u32 $0xFFFFFFF0, v5;
	v6 =	vand.u32 $0xFFFFFFF0, v6;
	v9 =	vand.u32 $0xFFFFFFF0, v9;
	v13 =	vld [tilespmem:s30+$0xFFFFFFE0]  }
0x3e: {  	v8 =	vand.u32 $0xFFFFFFF0, v8;
	v7 =	vand.u32 $0xFFFFFFF0, v7;
	v11 =	vor.u32 v0, v11;
	v14 =	vld [tilespmem:s30+$0xFFFFFFF0]  }
0x3f: {  	v10 =	vor.u32 v0, v10;
	v16 =	vor.u32 v0, v5;
	v17 =	vor.u32 v0, v6;
	v15 =	vld [tilespmem:s30+$0x0]  }
0x40: {  	v18 =	vor.u32 v0, v8;
	v5 =	vmul.f32 v12, v63;
	v12 =	vor.u32 v0, v9;
	v6 =	vld [tilespmem:s30+$0x10]  }
0x41: {  	v19 =	vor.u32 v0, v7;
	v4 =	vmul.f32 v4, v63;
	v8 =	vld [tilespmem:s30+$0x20]  }
0x42: {  	v5 =	vtrunc.f32 v5;
	v7 =	vld [tilespmem:s30+$0xFFFFFFC0];
	v9 =	vmul.f32 v13, v63  }
0x43: {  	v13 =	vmul.f32 v14, v63;
	v14 =	vcvt.f32.s32 v5;
	[tilespmem:v11+s24+$0x0] =	vst.idx.add.f32.msk $0xffff, v3  }
0x44: {  	v20 =	vtrunc.f32 v4;
	v11 =	vmul.f32 v15, v63;
	[tilespmem:v10+s24+$0x0] =	vst.idx.add.f32.msk $0xffff, v3  }
.Ltmp1:
0x45: {  	v5 =	vtrunc.f32 v9;
	v10 =	vmul.f32 v6, v63;
	v4 =	vand.u32 $0xFFFFFFF0, v14;
	[tilespmem:v16+s24+$0x0] =	vst.idx.add.f32.msk $0xffff, v3;
	(pc) =	sbr.rel @p0 .LBB2_4-.Ltmp1, $4  }
0x46: {  	v6 =	vtrunc.f32 v13;
	v13 =	vmul.f32 v8, v63;
	v4 =	vor.u32 v0, v4;
	[tilespmem:v17+s24+$0x0] =	vst.idx.add.f32.msk $0xffff, v3  }
0x47: {  	v9 =	vtrunc.f32 v11;
	v14 =	vmul.f32 v7, v63;
	[tilespmem:v12+s24+$0x0] =	vst.idx.add.f32.msk $0xffff, v3  }
0x48: {  	v8 =	vtrunc.f32 v10;
	v7 =	vtrunc.f32 v13;
	[tilespmem:v18+s24+$0x0] =	vst.idx.add.f32.msk $0xffff, v3  }
0x49: {  	s30 =	sadd.s32 $0x80, s30;
	v10 =	vcvt.f32.s32 v20;
	v11 =	vtrunc.f32 v14;
	[tilespmem:v19+s24+$0x0] =	vst.idx.add.f32.msk $0xffff, v3  }
0x4a: {  	v11 =	vcvt.f32.s32 v11  }
0x4b: {  	v5 =	vcvt.f32.s32 v5;
	v10 =	vand.u32 $0xFFFFFFF0, v10  }
0x4c: {  	v6 =	vcvt.f32.s32 v6;
	v11 =	vand.u32 $0xFFFFFFF0, v11;
	v10 =	vor.u32 v0, v10  }
0x4d: {  	v9 =	vcvt.f32.s32 v9;
	v5 =	vand.u32 $0xFFFFFFF0, v5;
	v11 =	vor.u32 v0, v11  }
0x4e: {  	v8 =	vcvt.f32.s32 v8;
	v6 =	vand.u32 $0xFFFFFFF0, v6;
	v5 =	vor.u32 v0, v5  }
0x4f: {  	v7 =	vcvt.f32.s32 v7;
	v9 =	vand.u32 $0xFFFFFFF0, v9;
	v6 =	vor.u32 v0, v6  }
0x50: {  	[tilespmem:v4+s24+$0x0] =	vst.idx.add.f32.msk $0xffff, v3;
	v4 =	vand.u32 $0xFFFFFFF0, v8;
	v8 =	vor.u32 v0, v9  }
0x51: {  	v7 =	vand.u32 $0xFFFFFFF0, v7;
	v4 =	vor.u32 v0, v4;
	[tilespmem:v10+s24+$0x0] =	vst.idx.add.f32.msk $0xffff, v3  }
0x52: {  	v7 =	vor.u32 v0, v7;
	[tilespmem:v11+s24+$0x0] =	vst.idx.add.f32.msk $0xffff, v3  }
0x53: {  	[tilespmem:v5+s24+$0x0] =	vst.idx.add.f32.msk $0xffff, v3  }
0x54: {  	[tilespmem:v6+s24+$0x0] =	vst.idx.add.f32.msk $0xffff, v3  }
0x55: {  	[tilespmem:v8+s24+$0x0] =	vst.idx.add.f32.msk $0xffff, v3  }
0x56: {  	[tilespmem:v4+s24+$0x0] =	vst.idx.add.f32.msk $0xffff, v3  }
0x57: {  	[tilespmem:v7+s24+$0x0] =	vst.idx.add.f32.msk $0xffff, v3  }
0x58: {  	[tilespmem:s1], [sflag:$0x1] =	stream.linear.gather [hbm4b:s6+s1], $0x8000, $0x38;
	[tilespmem:$0x10500] =	vst v63  }
0x59: {  	_ =	swait.ge [sflag:s25], $0x8000  }
0x5a: {  	[sflag:s25] =	ssyncset.done $0x0  }
0x5b: {  	s29 =	simm.s32 $0x8040;
	[sflag:s25] =	ssyncadd.s32 $0xFFFF8000  }
0x5c: {  	v4 =	vld [tilespmem:s29+$0x30]  }
0x5d: {  	v5 =	vld [tilespmem:s29+$0xFFFFFFD0]  }
0x5e: {  	v6 =	vld [tilespmem:s29+$0xFFFFFFE0]  }
0x5f: {  	v7 =	vld [tilespmem:s29+$0xFFFFFFF0]  }
0x60: {  	v8 =	vld [tilespmem:s29+$0x0]  }
0x61: {  	v9 =	vld [tilespmem:s29+$0x10]  }
0x62: {  	v4 =	vmul.f32 v4, v63  }
0x63: {  	v10 =	vld [tilespmem:s29+$0x20];
	v5 =	vmul.f32 v5, v63  }
0x64: {  	v11 =	vld [tilespmem:s29+$0xFFFFFFC0];
	v6 =	vmul.f32 v6, v63;
	v4 =	vtrunc.f32 v4  }
0x65: {  	v7 =	vmul.f32 v7, v63;
	v4 =	vcvt.f32.s32 v4  }
0x66: {  	v8 =	vmul.f32 v8, v63;
	v13 =	vmul.f32 v9, v63  }
0x67: {  	v12 =	vtrunc.f32 v5;
	v5 =	vtrunc.f32 v6;
	v4 =	vand.u32 $0xFFFFFFF0, v4  }
0x68: {  	v6 =	vtrunc.f32 v7;
	v7 =	vmul.f32 v10, v63;
	v4 =	vor.u32 v0, v4  }
0x69: {  	v10 =	vmul.f32 v11, v63;
	v9 =	vtrunc.f32 v8  }
0x6a: {  	v8 =	vtrunc.f32 v13;
	v7 =	vtrunc.f32 v7  }
0x6b: {  	s30 =	simm.s32 $0x80C0;
	s29 =	simm.s32 $0x0;
	v11 =	vtrunc.f32 v10;
	v10 =	vcvt.f32.s32 v12  }
.LBB2_6:
0x6c: {  	v12 =	vld [tilespmem:s30+$0x30];
	v11 =	vcvt.f32.s32 v11;
	v5 =	vcvt.f32.s32 v5  }
0x6d: {  	s29 =	sadd.s32 $0x8, s29;
	v6 =	vcvt.f32.s32 v6;
	v9 =	vcvt.f32.s32 v9;
	v10 =	vand.u32 $0xFFFFFFF0, v10;
	[tilespmem:v4+s24+$0x0] =	vst.idx.add.f32.msk $0xffff, v3  }
0x6e: {  	v8 =	vcvt.f32.s32 v8;
	v7 =	vcvt.f32.s32 v7;
	p0 =	slt.u32 s29, $0x7F8;
	v4 =	vld [tilespmem:s30+$0xFFFFFFD0];
	v11 =	vand.u32 $0xFFFFFFF0, v11  }
0x6f: {  	v5 =	vand.u32 $0xFFFFFFF0, v5;
	v6 =	vand.u32 $0xFFFFFFF0, v6;
	v9 =	vand.u32 $0xFFFFFFF0, v9;
	v13 =	vld [tilespmem:s30+$0xFFFFFFE0]  }
0x70: {  	v8 =	vand.u32 $0xFFFFFFF0, v8;
	v7 =	vand.u32 $0xFFFFFFF0, v7;
	v11 =	vor.u32 v0, v11;
	v14 =	vld [tilespmem:s30+$0xFFFFFFF0]  }
0x71: {  	v10 =	vor.u32 v0, v10;
	v16 =	vor.u32 v0, v5;
	v17 =	vor.u32 v0, v6;
	v15 =	vld [tilespmem:s30+$0x0]  }
0x72: {  	v18 =	vor.u32 v0, v8;
	v5 =	vmul.f32 v12, v63;
	v12 =	vor.u32 v0, v9;
	v6 =	vld [tilespmem:s30+$0x10]  }
0x73: {  	v19 =	vor.u32 v0, v7;
	v4 =	vmul.f32 v4, v63;
	v8 =	vld [tilespmem:s30+$0x20]  }
0x74: {  	v5 =	vtrunc.f32 v5;
	v7 =	vld [tilespmem:s30+$0xFFFFFFC0];
	v9 =	vmul.f32 v13, v63  }
0x75: {  	v13 =	vmul.f32 v14, v63;
	v14 =	vcvt.f32.s32 v5;
	[tilespmem:v11+s24+$0x0] =	vst.idx.add.f32.msk $0xffff, v3  }
0x76: {  	v20 =	vtrunc.f32 v4;
	v11 =	vmul.f32 v15, v63;
	[tilespmem:v10+s24+$0x0] =	vst.idx.add.f32.msk $0xffff, v3  }
.Ltmp2:
0x77: {  	v5 =	vtrunc.f32 v9;
	v10 =	vmul.f32 v6, v63;
	v4 =	vand.u32 $0xFFFFFFF0, v14;
	[tilespmem:v16+s24+$0x0] =	vst.idx.add.f32.msk $0xffff, v3;
	(pc) =	sbr.rel @p0 .LBB2_6-.Ltmp2, $4  }
0x78: {  	v6 =	vtrunc.f32 v13;
	v13 =	vmul.f32 v8, v63;
	v4 =	vor.u32 v0, v4;
	[tilespmem:v17+s24+$0x0] =	vst.idx.add.f32.msk $0xffff, v3  }
0x79: {  	v9 =	vtrunc.f32 v11;
	v14 =	vmul.f32 v7, v63;
	[tilespmem:v12+s24+$0x0] =	vst.idx.add.f32.msk $0xffff, v3  }
0x7a: {  	v8 =	vtrunc.f32 v10;
	v7 =	vtrunc.f32 v13;
	[tilespmem:v18+s24+$0x0] =	vst.idx.add.f32.msk $0xffff, v3  }
0x7b: {  	s30 =	sadd.s32 $0x80, s30;
	v10 =	vcvt.f32.s32 v20;
	v11 =	vtrunc.f32 v14;
	[tilespmem:v19+s24+$0x0] =	vst.idx.add.f32.msk $0xffff, v3  }
0x7c: {  	v11 =	vcvt.f32.s32 v11  }
0x7d: {  	v5 =	vcvt.f32.s32 v5;
	v10 =	vand.u32 $0xFFFFFFF0, v10  }
0x7e: {  	v6 =	vcvt.f32.s32 v6;
	v11 =	vand.u32 $0xFFFFFFF0, v11;
	v10 =	vor.u32 v0, v10  }
0x7f: {  	v9 =	vcvt.f32.s32 v9;
	v5 =	vand.u32 $0xFFFFFFF0, v5;
	v11 =	vor.u32 v0, v11  }
0x80: {  	v8 =	vcvt.f32.s32 v8;
	v6 =	vand.u32 $0xFFFFFFF0, v6;
	v5 =	vor.u32 v0, v5  }
0x81: {  	v7 =	vcvt.f32.s32 v7;
	v9 =	vand.u32 $0xFFFFFFF0, v9;
	v6 =	vor.u32 v0, v6  }
0x82: {  	[tilespmem:v4+s24+$0x0] =	vst.idx.add.f32.msk $0xffff, v3;
	v4 =	vand.u32 $0xFFFFFFF0, v8;
	v8 =	vor.u32 v0, v9  }
0x83: {  	v7 =	vand.u32 $0xFFFFFFF0, v7;
	v4 =	vor.u32 v0, v4;
	[tilespmem:v10+s24+$0x0] =	vst.idx.add.f32.msk $0xffff, v3  }
0x84: {  	v7 =	vor.u32 v0, v7;
	[tilespmem:v11+s24+$0x0] =	vst.idx.add.f32.msk $0xffff, v3  }
0x85: {  	[tilespmem:v5+s24+$0x0] =	vst.idx.add.f32.msk $0xffff, v3  }
0x86: {  	[tilespmem:v6+s24+$0x0] =	vst.idx.add.f32.msk $0xffff, v3  }
0x87: {  	[tilespmem:v8+s24+$0x0] =	vst.idx.add.f32.msk $0xffff, v3  }
0x88: {  	[tilespmem:v4+s24+$0x0] =	vst.idx.add.f32.msk $0xffff, v3  }
0x89: {  	[tilespmem:v7+s24+$0x0] =	vst.idx.add.f32.msk $0xffff, v3  }
0x8a: {  	[tilespmem:s22], [sflag:$0x2] =	stream.linear.gather [hbm4b:s7+s1], $0x8000, $0x38;
	[tilespmem:$0x10500] =	vst v63  }
0x8b: {  	_ =	swait.ge [sflag:s23], $0x8000  }
0x8c: {  	[sflag:s23] =	ssyncset.done $0x0  }
0x8d: {  	s29 =	simm.s32 $0x40;
	[sflag:s23] =	ssyncadd.s32 $0xFFFF8000  }
0x8e: {  	v4 =	vld [tilespmem:s29+$0x30]  }
0x8f: {  	v5 =	vld [tilespmem:s29+$0xFFFFFFD0]  }
0x90: {  	v6 =	vld [tilespmem:s29+$0xFFFFFFE0]  }
0x91: {  	v7 =	vld [tilespmem:s29+$0xFFFFFFF0]  }
0x92: {  	v8 =	vld [tilespmem:s29+$0x0]  }
0x93: {  	v9 =	vld [tilespmem:s29+$0x10]  }
0x94: {  	v4 =	vmul.f32 v4, v63  }
0x95: {  	v10 =	vld [tilespmem:s29+$0x20];
	v5 =	vmul.f32 v5, v63  }
0x96: {  	v11 =	vld [tilespmem:s29+$0xFFFFFFC0];
	v6 =	vmul.f32 v6, v63;
	v4 =	vtrunc.f32 v4  }
0x97: {  	v7 =	vmul.f32 v7, v63;
	v4 =	vcvt.f32.s32 v4  }
0x98: {  	v8 =	vmul.f32 v8, v63;
	v13 =	vmul.f32 v9, v63  }
0x99: {  	v12 =	vtrunc.f32 v5;
	v5 =	vtrunc.f32 v6;
	v4 =	vand.u32 $0xFFFFFFF0, v4  }
0x9a: {  	v6 =	vtrunc.f32 v7;
	v7 =	vmul.f32 v10, v63;
	v4 =	vor.u32 v0, v4  }
0x9b: {  	v10 =	vmul.f32 v11, v63;
	v9 =	vtrunc.f32 v8  }
0x9c: {  	v8 =	vtrunc.f32 v13;
	v7 =	vtrunc.f32 v7  }
0x9d: {  	s30 =	simm.s32 $0xC0;
	s29 =	simm.s32 $0x0;
	v11 =	vtrunc.f32 v10;
	v10 =	vcvt.f32.s32 v12  }
.LBB2_8:
0x9e: {  	v12 =	vld [tilespmem:s30+$0x30];
	v11 =	vcvt.f32.s32 v11;
	v5 =	vcvt.f32.s32 v5  }
0x9f: {  	s29 =	sadd.s32 $0x8, s29;
	v6 =	vcvt.f32.s32 v6;
	v9 =	vcvt.f32.s32 v9;
	v10 =	vand.u32 $0xFFFFFFF0, v10;
	[tilespmem:v4+s24+$0x0] =	vst.idx.add.f32.msk $0xffff, v3  }
0xa0: {  	v8 =	vcvt.f32.s32 v8;
	v7 =	vcvt.f32.s32 v7;
	p0 =	slt.u32 s29, $0x7F8;
	v4 =	vld [tilespmem:s30+$0xFFFFFFD0];
	v11 =	vand.u32 $0xFFFFFFF0, v11  }
0xa1: {  	v5 =	vand.u32 $0xFFFFFFF0, v5;
	v6 =	vand.u32 $0xFFFFFFF0, v6;
	v9 =	vand.u32 $0xFFFFFFF0, v9;
	v13 =	vld [tilespmem:s30+$0xFFFFFFE0]  }
0xa2: {  	v8 =	vand.u32 $0xFFFFFFF0, v8;
	v7 =	vand.u32 $0xFFFFFFF0, v7;
	v11 =	vor.u32 v0, v11;
	v14 =	vld [tilespmem:s30+$0xFFFFFFF0]  }
0xa3: {  	v10 =	vor.u32 v0, v10;
	v16 =	vor.u32 v0, v5;
	v17 =	vor.u32 v0, v6;
	v15 =	vld [tilespmem:s30+$0x0]  }
0xa4: {  	v18 =	vor.u32 v0, v8;
	v5 =	vmul.f32 v12, v63;
	v12 =	vor.u32 v0, v9;
	v6 =	vld [tilespmem:s30+$0x10]  }
0xa5: {  	v19 =	vor.u32 v0, v7;
	v4 =	vmul.f32 v4, v63;
	v8 =	vld [tilespmem:s30+$0x20]  }
0xa6: {  	v5 =	vtrunc.f32 v5;
	v7 =	vld [tilespmem:s30+$0xFFFFFFC0];
	v9 =	vmul.f32 v13, v63  }
0xa7: {  	v13 =	vmul.f32 v14, v63;
	v14 =	vcvt.f32.s32 v5;
	[tilespmem:v11+s24+$0x0] =	vst.idx.add.f32.msk $0xffff, v3  }
0xa8: {  	v20 =	vtrunc.f32 v4;
	v11 =	vmul.f32 v15, v63;
	[tilespmem:v10+s24+$0x0] =	vst.idx.add.f32.msk $0xffff, v3  }
.Ltmp3:
0xa9: {  	v5 =	vtrunc.f32 v9;
	v10 =	vmul.f32 v6, v63;
	v4 =	vand.u32 $0xFFFFFFF0, v14;
	[tilespmem:v16+s24+$0x0] =	vst.idx.add.f32.msk $0xffff, v3;
	(pc) =	sbr.rel @p0 .LBB2_8-.Ltmp3, $4  }
0xaa: {  	v6 =	vtrunc.f32 v13;
	v13 =	vmul.f32 v8, v63;
	v4 =	vor.u32 v0, v4;
	[tilespmem:v17+s24+$0x0] =	vst.idx.add.f32.msk $0xffff, v3  }
0xab: {  	v9 =	vtrunc.f32 v11;
	v14 =	vmul.f32 v7, v63;
	[tilespmem:v12+s24+$0x0] =	vst.idx.add.f32.msk $0xffff, v3  }
0xac: {  	v8 =	vtrunc.f32 v10;
	v7 =	vtrunc.f32 v13;
	[tilespmem:v18+s24+$0x0] =	vst.idx.add.f32.msk $0xffff, v3  }
0xad: {  	s30 =	sadd.s32 $0x80, s30;
	v10 =	vcvt.f32.s32 v20;
	v11 =	vtrunc.f32 v14;
	[tilespmem:v19+s24+$0x0] =	vst.idx.add.f32.msk $0xffff, v3  }
0xae: {  	v11 =	vcvt.f32.s32 v11  }
0xaf: {  	v5 =	vcvt.f32.s32 v5;
	v10 =	vand.u32 $0xFFFFFFF0, v10  }
0xb0: {  	v6 =	vcvt.f32.s32 v6;
	v11 =	vand.u32 $0xFFFFFFF0, v11;
	v10 =	vor.u32 v0, v10  }
0xb1: {  	v9 =	vcvt.f32.s32 v9;
	v5 =	vand.u32 $0xFFFFFFF0, v5;
	v11 =	vor.u32 v0, v11  }
0xb2: {  	v8 =	vcvt.f32.s32 v8;
	v6 =	vand.u32 $0xFFFFFFF0, v6;
	v5 =	vor.u32 v0, v5  }
0xb3: {  	v7 =	vcvt.f32.s32 v7;
	v9 =	vand.u32 $0xFFFFFFF0, v9;
	v6 =	vor.u32 v0, v6  }
0xb4: {  	[tilespmem:v4+s24+$0x0] =	vst.idx.add.f32.msk $0xffff, v3;
	v4 =	vand.u32 $0xFFFFFFF0, v8;
	v8 =	vor.u32 v0, v9  }
0xb5: {  	v7 =	vand.u32 $0xFFFFFFF0, v7;
	v4 =	vor.u32 v0, v4;
	[tilespmem:v10+s24+$0x0] =	vst.idx.add.f32.msk $0xffff, v3  }
0xb6: {  	v7 =	vor.u32 v0, v7;
	[tilespmem:v11+s24+$0x0] =	vst.idx.add.f32.msk $0xffff, v3  }
0xb7: {  	[tilespmem:v5+s24+$0x0] =	vst.idx.add.f32.msk $0xffff, v3  }
0xb8: {  	[tilespmem:v6+s24+$0x0] =	vst.idx.add.f32.msk $0xffff, v3  }
0xb9: {  	[tilespmem:v8+s24+$0x0] =	vst.idx.add.f32.msk $0xffff, v3  }
0xba: {  	[tilespmem:v4+s24+$0x0] =	vst.idx.add.f32.msk $0xffff, v3  }
0xbb: {  	[tilespmem:v7+s24+$0x0] =	vst.idx.add.f32.msk $0xffff, v3  }
0xbc: {  	[tilespmem:s1], [sflag:$0x1] =	stream.linear.gather [hbm4b:s8+s1], $0x8000, $0x38;
	[tilespmem:$0x10500] =	vst v63  }
0xbd: {  	_ =	swait.ge [sflag:s25], $0x8000  }
0xbe: {  	[sflag:s25] =	ssyncset.done $0x0  }
0xbf: {  	s29 =	simm.s32 $0x8040;
	[sflag:s25] =	ssyncadd.s32 $0xFFFF8000  }
0xc0: {  	v4 =	vld [tilespmem:s29+$0x30]  }
0xc1: {  	v5 =	vld [tilespmem:s29+$0xFFFFFFD0]  }
0xc2: {  	v6 =	vld [tilespmem:s29+$0xFFFFFFE0]  }
0xc3: {  	v7 =	vld [tilespmem:s29+$0xFFFFFFF0]  }
0xc4: {  	v8 =	vld [tilespmem:s29+$0x0]  }
0xc5: {  	v9 =	vld [tilespmem:s29+$0x10]  }
0xc6: {  	v4 =	vmul.f32 v4, v63  }
0xc7: {  	v10 =	vld [tilespmem:s29+$0x20];
	v5 =	vmul.f32 v5, v63  }
0xc8: {  	v11 =	vld [tilespmem:s29+$0xFFFFFFC0];
	v6 =	vmul.f32 v6, v63;
	v4 =	vtrunc.f32 v4  }
0xc9: {  	v7 =	vmul.f32 v7, v63;
	v4 =	vcvt.f32.s32 v4  }
0xca: {  	v8 =	vmul.f32 v8, v63;
	v13 =	vmul.f32 v9, v63  }
0xcb: {  	v12 =	vtrunc.f32 v5;
	v5 =	vtrunc.f32 v6;
	v4 =	vand.u32 $0xFFFFFFF0, v4  }
0xcc: {  	v6 =	vtrunc.f32 v7;
	v7 =	vmul.f32 v10, v63;
	v4 =	vor.u32 v0, v4  }
0xcd: {  	v10 =	vmul.f32 v11, v63;
	v9 =	vtrunc.f32 v8  }
0xce: {  	v8 =	vtrunc.f32 v13;
	v7 =	vtrunc.f32 v7  }
0xcf: {  	s30 =	simm.s32 $0x80C0;
	s29 =	simm.s32 $0x0;
	v11 =	vtrunc.f32 v10;
	v10 =	vcvt.f32.s32 v12  }
.LBB2_10:
0xd0: {  	v12 =	vld [tilespmem:s30+$0x30];
	v11 =	vcvt.f32.s32 v11;
	v5 =	vcvt.f32.s32 v5  }
0xd1: {  	s29 =	sadd.s32 $0x8, s29;
	v6 =	vcvt.f32.s32 v6;
	v9 =	vcvt.f32.s32 v9;
	v10 =	vand.u32 $0xFFFFFFF0, v10;
	[tilespmem:v4+s24+$0x0] =	vst.idx.add.f32.msk $0xffff, v3  }
0xd2: {  	v8 =	vcvt.f32.s32 v8;
	v7 =	vcvt.f32.s32 v7;
	p0 =	slt.u32 s29, $0x7F8;
	v4 =	vld [tilespmem:s30+$0xFFFFFFD0];
	v11 =	vand.u32 $0xFFFFFFF0, v11  }
0xd3: {  	v5 =	vand.u32 $0xFFFFFFF0, v5;
	v6 =	vand.u32 $0xFFFFFFF0, v6;
	v9 =	vand.u32 $0xFFFFFFF0, v9;
	v13 =	vld [tilespmem:s30+$0xFFFFFFE0]  }
0xd4: {  	v8 =	vand.u32 $0xFFFFFFF0, v8;
	v7 =	vand.u32 $0xFFFFFFF0, v7;
	v11 =	vor.u32 v0, v11;
	v14 =	vld [tilespmem:s30+$0xFFFFFFF0]  }
0xd5: {  	v10 =	vor.u32 v0, v10;
	v16 =	vor.u32 v0, v5;
	v17 =	vor.u32 v0, v6;
	v15 =	vld [tilespmem:s30+$0x0]  }
0xd6: {  	v18 =	vor.u32 v0, v8;
	v5 =	vmul.f32 v12, v63;
	v12 =	vor.u32 v0, v9;
	v6 =	vld [tilespmem:s30+$0x10]  }
0xd7: {  	v19 =	vor.u32 v0, v7;
	v4 =	vmul.f32 v4, v63;
	v8 =	vld [tilespmem:s30+$0x20]  }
0xd8: {  	v5 =	vtrunc.f32 v5;
	v7 =	vld [tilespmem:s30+$0xFFFFFFC0];
	v9 =	vmul.f32 v13, v63  }
0xd9: {  	v13 =	vmul.f32 v14, v63;
	v14 =	vcvt.f32.s32 v5;
	[tilespmem:v11+s24+$0x0] =	vst.idx.add.f32.msk $0xffff, v3  }
0xda: {  	v20 =	vtrunc.f32 v4;
	v11 =	vmul.f32 v15, v63;
	[tilespmem:v10+s24+$0x0] =	vst.idx.add.f32.msk $0xffff, v3  }
.Ltmp4:
0xdb: {  	v5 =	vtrunc.f32 v9;
	v10 =	vmul.f32 v6, v63;
	v4 =	vand.u32 $0xFFFFFFF0, v14;
	[tilespmem:v16+s24+$0x0] =	vst.idx.add.f32.msk $0xffff, v3;
	(pc) =	sbr.rel @p0 .LBB2_10-.Ltmp4, $4  }
0xdc: {  	v6 =	vtrunc.f32 v13;
	v13 =	vmul.f32 v8, v63;
	v4 =	vor.u32 v0, v4;
	[tilespmem:v17+s24+$0x0] =	vst.idx.add.f32.msk $0xffff, v3  }
0xdd: {  	v9 =	vtrunc.f32 v11;
	v14 =	vmul.f32 v7, v63;
	[tilespmem:v12+s24+$0x0] =	vst.idx.add.f32.msk $0xffff, v3  }
0xde: {  	v8 =	vtrunc.f32 v10;
	v7 =	vtrunc.f32 v13;
	[tilespmem:v18+s24+$0x0] =	vst.idx.add.f32.msk $0xffff, v3  }
0xdf: {  	s30 =	sadd.s32 $0x80, s30;
	v10 =	vcvt.f32.s32 v20;
	v11 =	vtrunc.f32 v14;
	[tilespmem:v19+s24+$0x0] =	vst.idx.add.f32.msk $0xffff, v3  }
0xe0: {  	v11 =	vcvt.f32.s32 v11  }
0xe1: {  	v5 =	vcvt.f32.s32 v5;
	v10 =	vand.u32 $0xFFFFFFF0, v10  }
0xe2: {  	v6 =	vcvt.f32.s32 v6;
	v11 =	vand.u32 $0xFFFFFFF0, v11;
	v10 =	vor.u32 v0, v10  }
0xe3: {  	v9 =	vcvt.f32.s32 v9;
	v5 =	vand.u32 $0xFFFFFFF0, v5;
	v11 =	vor.u32 v0, v11  }
0xe4: {  	v8 =	vcvt.f32.s32 v8;
	v6 =	vand.u32 $0xFFFFFFF0, v6;
	v5 =	vor.u32 v0, v5  }
0xe5: {  	v7 =	vcvt.f32.s32 v7;
	v9 =	vand.u32 $0xFFFFFFF0, v9;
	v6 =	vor.u32 v0, v6  }
0xe6: {  	[tilespmem:v4+s24+$0x0] =	vst.idx.add.f32.msk $0xffff, v3;
	v4 =	vand.u32 $0xFFFFFFF0, v8;
	v8 =	vor.u32 v0, v9  }
0xe7: {  	v7 =	vand.u32 $0xFFFFFFF0, v7;
	v4 =	vor.u32 v0, v4;
	[tilespmem:v10+s24+$0x0] =	vst.idx.add.f32.msk $0xffff, v3  }
0xe8: {  	v7 =	vor.u32 v0, v7;
	[tilespmem:v11+s24+$0x0] =	vst.idx.add.f32.msk $0xffff, v3  }
0xe9: {  	[tilespmem:v5+s24+$0x0] =	vst.idx.add.f32.msk $0xffff, v3  }
0xea: {  	[tilespmem:v6+s24+$0x0] =	vst.idx.add.f32.msk $0xffff, v3  }
0xeb: {  	[tilespmem:v8+s24+$0x0] =	vst.idx.add.f32.msk $0xffff, v3  }
0xec: {  	[tilespmem:v4+s24+$0x0] =	vst.idx.add.f32.msk $0xffff, v3  }
0xed: {  	[tilespmem:v7+s24+$0x0] =	vst.idx.add.f32.msk $0xffff, v3  }
0xee: {  	v4 =	vld.idx.msk [tilespmem:v1+s24+$0x0], $0xffff  }
0xef: {  	v5 =	vld [tilespmem:$0x1FEA0]  }
0xf0: {  	v6 =	vld [tilespmem:$0x1FEB0]  }
0xf1: {  	v7 =	vld [tilespmem:$0x1FEC0]  }
0xf2: {  	v8 =	vld [tilespmem:$0x1FED0]  }
0xf3: {  	v9 =	vld [tilespmem:$0x1FEE0]  }
0xf4: {  	v10 =	vld [tilespmem:$0x1FEF0]  }
0xf5: {  	v11 =	vld [tilespmem:$0x1FF00]  }
0xf6: {  	v12 =	vld [tilespmem:$0x1FF10]  }
0xf7: {  	v13 =	vld [tilespmem:$0x1FF20]  }
0xf8: {  	v14 =	vld [tilespmem:$0x1FF30]  }
0xf9: {  	v15 =	vld [tilespmem:$0x1FF40]  }
0xfa: {  	v16 =	vld [tilespmem:$0x1FF50]  }
0xfb: {  	v17 =	vld [tilespmem:$0x1FF60]  }
0xfc: {  	v18 =	vld [tilespmem:$0x1FF70]  }
0xfd: {  	v19 =	vld [tilespmem:$0x1FF80]  }
0xfe: {  	v5 =	vld.idx.msk [tilespmem:v5+s24+$0x0], $0xffff  }
0xff: {  	v6 =	vld.idx.msk [tilespmem:v6+s24+$0x0], $0xffff  }
0x100: {  	v7 =	vld.idx.msk [tilespmem:v7+s24+$0x0], $0xffff  }
0x101: {  	v8 =	vld.idx.msk [tilespmem:v8+s24+$0x0], $0xffff  }
0x102: {  	v9 =	vld.idx.msk [tilespmem:v9+s24+$0x0], $0xffff  }
0x103: {  	v10 =	vld.idx.msk [tilespmem:v10+s24+$0x0], $0xffff  }
0x104: {  	v11 =	vld.idx.msk [tilespmem:v11+s24+$0x0], $0xffff  }
0x105: {  	v12 =	vld.idx.msk [tilespmem:v12+s24+$0x0], $0xffff  }
0x106: {  	v13 =	vld.idx.msk [tilespmem:v13+s24+$0x0], $0xffff  }
0x107: {  	v14 =	vld.idx.msk [tilespmem:v14+s24+$0x0], $0xffff  }
0x108: {  	v15 =	vld.idx.msk [tilespmem:v15+s24+$0x0], $0xffff  }
0x109: {  	v16 =	vld.idx.msk [tilespmem:v16+s24+$0x0], $0xffff  }
0x10a: {  	v17 =	vld.idx.msk [tilespmem:v17+s24+$0x0], $0xffff  }
0x10b: {  	v18 =	vld.idx.msk [tilespmem:v18+s24+$0x0], $0xffff  }
0x10c: {  	v19 =	vld.idx.msk [tilespmem:v19+s24+$0x0], $0xffff;
	_ =	sdelay $0x1  }
0x10d: {  	v4 =	vadd.f32 v5, v4;
	v5 =	vadd.f32 v7, v6  }
0x10e: {  	v6 =	vadd.f32 v9, v8;
	v7 =	vadd.f32 v11, v10  }
0x10f: {  	v8 =	vadd.f32 v13, v12;
	v9 =	vadd.f32 v15, v14  }
0x110: {  	v10 =	vadd.f32 v17, v16;
	v11 =	vadd.f32 v19, v18  }
0x111: {  	v4 =	vadd.f32 v5, v4;
	v5 =	vadd.f32 v7, v6  }
0x112: {  	v6 =	vadd.f32 v9, v8;
	v7 =	vadd.f32 v11, v10;
	_ =	sdelay $0x1  }
0x113: {  	v4 =	vadd.f32 v5, v4;
	v5 =	vadd.f32 v7, v6  }
0x114: {  	v6 =	vld [tilespmem:$0x1FFC0]  }
0x115: {  	v4 =	vadd.f32 v5, v4;
	v5 =	vld [tilespmem:$0x1FF90]  }
0x116: {  	v7 =	vld [tilespmem:$0x1FFD0]  }
0x117: {  	v8 =	vld [tilespmem:$0x1FFE0]  }
0x118: {  	v9 =	vld [tilespmem:$0x1FFF0];
	_ =	sdelay $0x1  }
0x119: {  	v4 =	vadd.f32 v5, v4  }
0x11a: {  	v5 =	vld [tilespmem:$0x1FFB0]  }
0x11b: {  	[tilespmem:$0x10480] =	vst v4;
	v4 =	vld [tilespmem:$0x1FFA0]  }
0x11c: {  	v6 =	vld.idx.msk [tilespmem:v6+s24+$0x0], $0xffff  }
0x11d: {  	v7 =	vld.idx.msk [tilespmem:v7+s24+$0x0], $0xffff  }
0x11e: {  	v8 =	vld.idx.msk [tilespmem:v8+s24+$0x0], $0xffff  }
0x11f: {  	v9 =	vld.idx.msk [tilespmem:v9+s24+$0x0], $0xffff  }
0x120: {  	v10 =	vld.idx.msk [tilespmem:v26+s24+$0x0], $0xffff  }
0x121: {  	v11 =	vld.idx.msk [tilespmem:v27+s24+$0x0], $0xffff  }
0x122: {  	v12 =	vld.idx.msk [tilespmem:v28+s24+$0x0], $0xffff  }
0x123: {  	v13 =	vld.idx.msk [tilespmem:v29+s24+$0x0], $0xffff  }
0x124: {  	v14 =	vld.idx.msk [tilespmem:v30+s24+$0x0], $0xffff  }
0x125: {  	v15 =	vld.idx.msk [tilespmem:v31+s24+$0x0], $0xffff  }
0x126: {  	v16 =	vld.idx.msk [tilespmem:v32+s24+$0x0], $0xffff  }
0x127: {  	v5 =	vld.idx.msk [tilespmem:v5+s24+$0x0], $0xffff  }
0x128: {  	v4 =	vld.idx.msk [tilespmem:v4+s24+$0x0], $0xffff  }
0x129: {  	v21 =	vld.idx.msk [tilespmem:v33+s24+$0x0], $0xffff  }
0x12a: {  	v22 =	vld.idx.msk [tilespmem:v34+s24+$0x0], $0xffff  }
0x12b: {  	v23 =	vld.idx.msk [tilespmem:v35+s24+$0x0], $0xffff;
	_ =	sdelay $0x1  }
0x12c: {  	v4 =	vadd.f32 v5, v4;
	v5 =	vadd.f32 v7, v6  }
0x12d: {  	v6 =	vadd.f32 v9, v8;
	v7 =	vadd.f32 v11, v10  }
0x12e: {  	v8 =	vadd.f32 v13, v12;
	v9 =	vadd.f32 v15, v14  }
0x12f: {  	v10 =	vadd.f32 v21, v16;
	v11 =	vadd.f32 v23, v22  }
0x130: {  	v4 =	vadd.f32 v5, v4;
	v5 =	vadd.f32 v7, v6  }
0x131: {  	v6 =	vadd.f32 v9, v8;
	v7 =	vadd.f32 v11, v10;
	_ =	sdelay $0x1  }
0x132: {  	v4 =	vadd.f32 v5, v4;
	v5 =	vadd.f32 v7, v6;
	_ =	sdelay $0x1  }
0x133: {  	v4 =	vadd.f32 v5, v4;
	_ =	sdelay $0x1  }
0x134: {  	[tilespmem:$0x10490] =	vst v4  }
0x135: {  	v4 =	vld.idx.msk [tilespmem:v36+s24+$0x0], $0xffff  }
0x136: {  	v5 =	vld.idx.msk [tilespmem:v37+s24+$0x0], $0xffff  }
0x137: {  	v6 =	vld.idx.msk [tilespmem:v38+s24+$0x0], $0xffff  }
0x138: {  	v7 =	vld.idx.msk [tilespmem:v39+s24+$0x0], $0xffff  }
0x139: {  	v8 =	vld.idx.msk [tilespmem:v40+s24+$0x0], $0xffff  }
0x13a: {  	v9 =	vld.idx.msk [tilespmem:v41+s24+$0x0], $0xffff  }
0x13b: {  	v10 =	vld.idx.msk [tilespmem:v42+s24+$0x0], $0xffff  }
0x13c: {  	v11 =	vld.idx.msk [tilespmem:v43+s24+$0x0], $0xffff  }
0x13d: {  	v12 =	vld.idx.msk [tilespmem:v44+s24+$0x0], $0xffff  }
0x13e: {  	v13 =	vld.idx.msk [tilespmem:v45+s24+$0x0], $0xffff  }
0x13f: {  	v14 =	vld.idx.msk [tilespmem:v46+s24+$0x0], $0xffff  }
0x140: {  	v15 =	vld.idx.msk [tilespmem:v47+s24+$0x0], $0xffff  }
0x141: {  	v16 =	vld.idx.msk [tilespmem:v48+s24+$0x0], $0xffff  }
0x142: {  	v21 =	vld.idx.msk [tilespmem:v49+s24+$0x0], $0xffff  }
0x143: {  	v22 =	vld.idx.msk [tilespmem:v50+s24+$0x0], $0xffff  }
0x144: {  	v23 =	vld.idx.msk [tilespmem:v51+s24+$0x0], $0xffff;
	_ =	sdelay $0x1  }
0x145: {  	v4 =	vadd.f32 v5, v4;
	v5 =	vadd.f32 v7, v6  }
0x146: {  	v6 =	vadd.f32 v9, v8;
	v7 =	vadd.f32 v11, v10  }
0x147: {  	v8 =	vadd.f32 v13, v12;
	v9 =	vadd.f32 v15, v14  }
0x148: {  	v10 =	vadd.f32 v21, v16;
	v11 =	vadd.f32 v23, v22  }
0x149: {  	v4 =	vadd.f32 v5, v4;
	v5 =	vadd.f32 v7, v6  }
0x14a: {  	v6 =	vadd.f32 v9, v8;
	v7 =	vadd.f32 v11, v10;
	_ =	sdelay $0x1  }
0x14b: {  	v4 =	vadd.f32 v5, v4;
	v5 =	vadd.f32 v7, v6;
	_ =	sdelay $0x1  }
0x14c: {  	v4 =	vadd.f32 v5, v4;
	_ =	sdelay $0x1  }
0x14d: {  	[tilespmem:$0x104A0] =	vst v4  }
0x14e: {  	v9 =	vld.idx.msk [tilespmem:v52+s24+$0x0], $0xffff  }
0x14f: {  	v10 =	vld.idx.msk [tilespmem:v53+s24+$0x0], $0xffff  }
0x150: {  	v11 =	vld.idx.msk [tilespmem:v54+s24+$0x0], $0xffff  }
0x151: {  	v12 =	vld.idx.msk [tilespmem:v55+s24+$0x0], $0xffff  }
0x152: {  	v13 =	vld.idx.msk [tilespmem:v56+s24+$0x0], $0xffff  }
0x153: {  	v14 =	vld.idx.msk [tilespmem:v57+s24+$0x0], $0xffff  }
0x154: {  	v6 =	vor.u32 $0x30D, v1;
	v15 =	vld.idx.msk [tilespmem:v58+s24+$0x0], $0xffff  }
0x155: {  	v7 =	vor.u32 $0x30E, v1;
	v16 =	vld.idx.msk [tilespmem:v59+s24+$0x0], $0xffff  }
0x156: {  	v8 =	vor.u32 $0x30F, v1;
	v17 =	vld.idx.msk [tilespmem:v60+s24+$0x0], $0xffff  }
0x157: {  	v5 =	vor.u32 $0x30C, v1;
	v18 =	vld.idx.msk [tilespmem:v61+s24+$0x0], $0xffff  }
0x158: {  	v4 =	vor.u32 $0x30B, v1;
	v19 =	vld.idx.msk [tilespmem:v62+s24+$0x0], $0xffff  }
0x159: {  	v22 =	vld.idx.msk [tilespmem:v6+s24+$0x0], $0xffff  }
0x15a: {  	v23 =	vld.idx.msk [tilespmem:v7+s24+$0x0], $0xffff  }
0x15b: {  	v24 =	vld.idx.msk [tilespmem:v8+s24+$0x0], $0xffff  }
0x15c: {  	v21 =	vld.idx.msk [tilespmem:v5+s24+$0x0], $0xffff  }
0x15d: {  	v20 =	vld.idx.msk [tilespmem:v4+s24+$0x0], $0xffff;
	_ =	sdelay $0x1  }
0x15e: {  	v9 =	vadd.f32 v10, v9;
	v10 =	vadd.f32 v12, v11  }
0x15f: {  	v11 =	vadd.f32 v14, v13;
	v12 =	vadd.f32 v16, v15  }
0x160: {  	v13 =	vadd.f32 v18, v17;
	v21 =	vadd.f32 v22, v21  }
0x161: {  	v22 =	vadd.f32 v24, v23;
	v20 =	vadd.f32 v20, v19  }
0x162: {  	v9 =	vadd.f32 v10, v9;
	v10 =	vadd.f32 v12, v11  }
0x163: {  	v23 =	vadd.f32 v22, v21;
	v11 =	vadd.f32 v20, v13;
	_ =	sdelay $0x1  }
0x164: {  	v9 =	vadd.f32 v10, v9;
	v10 =	vadd.f32 v23, v11;
	_ =	sdelay $0x1  }
0x165: {  	v9 =	vadd.f32 v10, v9;
	_ =	sdelay $0x1  }
0x166: {  	s29 =	simm.s32 $0x0;
	[tilespmem:$0x104B0] =	vst v9  }
0x167: {  	[hbm4b:s9+s29] =	stream.linear.scatter [tilespmem:s26], [sflag:$0x3], $0x40, $0x38;
	[tilespmem:$0x10500] =	vst v63  }
0x168: {  	_ =	swait.ge [sflag:s21], $0x40  }
0x169: {  	[sflag:s21] =	ssyncset.done $0x0  }
0x16a: {  	[sflag:s21] =	ssyncadd.s32 $0xFFFFFFC0  }
0x16b: {  	[tilespmem:s22], [sflag:$0x2] =	stream.linear.gather [hbm4b:s10+s29], $0x8000, $0x38;
	[tilespmem:$0x10500] =	vst v63  }
0x16c: {  	s30 =	simm.s32 $0x0;
	s29 =	simm.s32 $0x40  }
.LBB2_12:
0x16d: {  	p0 =	sne.s32 s29, $0xFC0;
	[tilespmem:s30+$0x10080] =	vst v2;
	s30 =	smov.u32 s29;
	s29 =	sadd.s32 $0x40, s29  }
.Ltmp5:
0x16e: {  	(pc) =	sbr.rel @p0 .LBB2_12-.Ltmp5, $2  }
0x16f: {  	_ =	sdelay $0x2  }
0x170: {  	s30 =	sshra.s32 s30, $0x2  }
0x171: {  	[tilespmem:s30+$0x10080] =	vst v2  }
0x172: {  	_ =	swait.ge [sflag:s23], $0x8000  }
0x173: {  	[sflag:s23] =	ssyncset.done $0x0  }
0x174: {  	s29 =	simm.s32 $0x40;
	[sflag:s23] =	ssyncadd.s32 $0xFFFF8000  }
0x175: {  	v9 =	vld [tilespmem:s29+$0x30]  }
0x176: {  	v10 =	vld [tilespmem:s29+$0xFFFFFFD0]  }
0x177: {  	v11 =	vld [tilespmem:s29+$0xFFFFFFE0]  }
0x178: {  	v12 =	vld [tilespmem:s29+$0xFFFFFFF0]  }
0x179: {  	v13 =	vld [tilespmem:s29+$0x0]  }
0x17a: {  	v14 =	vld [tilespmem:s29+$0x10]  }
0x17b: {  	v9 =	vmul.f32 v9, v63  }
0x17c: {  	v15 =	vld [tilespmem:s29+$0x20];
	v10 =	vmul.f32 v10, v63  }
0x17d: {  	v16 =	vld [tilespmem:s29+$0xFFFFFFC0];
	v11 =	vmul.f32 v11, v63;
	v9 =	vtrunc.f32 v9  }
0x17e: {  	v12 =	vmul.f32 v12, v63;
	v9 =	vcvt.f32.s32 v9  }
0x17f: {  	v13 =	vmul.f32 v13, v63;
	v18 =	vmul.f32 v14, v63  }
0x180: {  	v17 =	vtrunc.f32 v10;
	v10 =	vtrunc.f32 v11;
	v9 =	vand.u32 $0xFFFFFFF0, v9  }
0x181: {  	v11 =	vtrunc.f32 v12;
	v12 =	vmul.f32 v15, v63;
	v9 =	vor.u32 v0, v9  }
0x182: {  	v15 =	vmul.f32 v16, v63;
	v14 =	vtrunc.f32 v13  }
0x183: {  	v13 =	vtrunc.f32 v18;
	v12 =	vtrunc.f32 v12  }
0x184: {  	s30 =	simm.s32 $0xC0;
	s29 =	simm.s32 $0x0;
	v16 =	vtrunc.f32 v15;
	v15 =	vcvt.f32.s32 v17  }
.LBB2_14:
0x185: {  	v17 =	vld [tilespmem:s30+$0x30];
	v16 =	vcvt.f32.s32 v16;
	v10 =	vcvt.f32.s32 v10  }
0x186: {  	s29 =	sadd.s32 $0x8, s29;
	v11 =	vcvt.f32.s32 v11;
	v14 =	vcvt.f32.s32 v14;
	v15 =	vand.u32 $0xFFFFFFF0, v15;
	[tilespmem:v9+s24+$0x0] =	vst.idx.add.f32.msk $0xffff, v3  }
0x187: {  	v13 =	vcvt.f32.s32 v13;
	v12 =	vcvt.f32.s32 v12;
	p0 =	slt.u32 s29, $0x7F8;
	v9 =	vld [tilespmem:s30+$0xFFFFFFD0];
	v16 =	vand.u32 $0xFFFFFFF0, v16  }
0x188: {  	v10 =	vand.u32 $0xFFFFFFF0, v10;
	v11 =	vand.u32 $0xFFFFFFF0, v11;
	v14 =	vand.u32 $0xFFFFFFF0, v14;
	v18 =	vld [tilespmem:s30+$0xFFFFFFE0]  }
0x189: {  	v13 =	vand.u32 $0xFFFFFFF0, v13;
	v12 =	vand.u32 $0xFFFFFFF0, v12;
	v16 =	vor.u32 v0, v16;
	v19 =	vld [tilespmem:s30+$0xFFFFFFF0]  }
0x18a: {  	v15 =	vor.u32 v0, v15;
	v21 =	vor.u32 v0, v10;
	v22 =	vor.u32 v0, v11;
	v20 =	vld [tilespmem:s30+$0x0]  }
0x18b: {  	v23 =	vor.u32 v0, v13;
	v10 =	vmul.f32 v17, v63;
	v17 =	vor.u32 v0, v14;
	v11 =	vld [tilespmem:s30+$0x10]  }
0x18c: {  	v24 =	vor.u32 v0, v12;
	v9 =	vmul.f32 v9, v63;
	v13 =	vld [tilespmem:s30+$0x20]  }
0x18d: {  	v10 =	vtrunc.f32 v10;
	v12 =	vld [tilespmem:s30+$0xFFFFFFC0];
	v14 =	vmul.f32 v18, v63  }
0x18e: {  	v18 =	vmul.f32 v19, v63;
	v19 =	vcvt.f32.s32 v10;
	[tilespmem:v16+s24+$0x0] =	vst.idx.add.f32.msk $0xffff, v3  }
0x18f: {  	v25 =	vtrunc.f32 v9;
	v16 =	vmul.f32 v20, v63;
	[tilespmem:v15+s24+$0x0] =	vst.idx.add.f32.msk $0xffff, v3  }
.Ltmp6:
0x190: {  	v10 =	vtrunc.f32 v14;
	v15 =	vmul.f32 v11, v63;
	v9 =	vand.u32 $0xFFFFFFF0, v19;
	[tilespmem:v21+s24+$0x0] =	vst.idx.add.f32.msk $0xffff, v3;
	(pc) =	sbr.rel @p0 .LBB2_14-.Ltmp6, $4  }
0x191: {  	v11 =	vtrunc.f32 v18;
	v18 =	vmul.f32 v13, v63;
	v9 =	vor.u32 v0, v9;
	[tilespmem:v22+s24+$0x0] =	vst.idx.add.f32.msk $0xffff, v3  }
0x192: {  	v14 =	vtrunc.f32 v16;
	v19 =	vmul.f32 v12, v63;
	[tilespmem:v17+s24+$0x0] =	vst.idx.add.f32.msk $0xffff, v3  }
0x193: {  	v13 =	vtrunc.f32 v15;
	v12 =	vtrunc.f32 v18;
	[tilespmem:v23+s24+$0x0] =	vst.idx.add.f32.msk $0xffff, v3  }
0x194: {  	s30 =	sadd.s32 $0x80, s30;
	v15 =	vcvt.f32.s32 v25;
	v16 =	vtrunc.f32 v19;
	[tilespmem:v24+s24+$0x0] =	vst.idx.add.f32.msk $0xffff, v3  }
0x195: {  	v16 =	vcvt.f32.s32 v16  }
0x196: {  	v10 =	vcvt.f32.s32 v10;
	v15 =	vand.u32 $0xFFFFFFF0, v15  }
0x197: {  	v11 =	vcvt.f32.s32 v11;
	v16 =	vand.u32 $0xFFFFFFF0, v16;
	v15 =	vor.u32 v0, v15  }
0x198: {  	v14 =	vcvt.f32.s32 v14;
	v10 =	vand.u32 $0xFFFFFFF0, v10;
	v16 =	vor.u32 v0, v16  }
0x199: {  	v13 =	vcvt.f32.s32 v13;
	v11 =	vand.u32 $0xFFFFFFF0, v11;
	v10 =	vor.u32 v0, v10  }
0x19a: {  	v12 =	vcvt.f32.s32 v12;
	v14 =	vand.u32 $0xFFFFFFF0, v14;
	v11 =	vor.u32 v0, v11  }
0x19b: {  	[tilespmem:v9+s24+$0x0] =	vst.idx.add.f32.msk $0xffff, v3;
	v9 =	vand.u32 $0xFFFFFFF0, v13;
	v13 =	vor.u32 v0, v14  }
0x19c: {  	v12 =	vand.u32 $0xFFFFFFF0, v12;
	v9 =	vor.u32 v0, v9;
	[tilespmem:v15+s24+$0x0] =	vst.idx.add.f32.msk $0xffff, v3  }
0x19d: {  	v12 =	vor.u32 v0, v12;
	[tilespmem:v16+s24+$0x0] =	vst.idx.add.f32.msk $0xffff, v3  }
0x19e: {  	[tilespmem:v10+s24+$0x0] =	vst.idx.add.f32.msk $0xffff, v3  }
0x19f: {  	[tilespmem:v11+s24+$0x0] =	vst.idx.add.f32.msk $0xffff, v3  }
0x1a0: {  	[tilespmem:v13+s24+$0x0] =	vst.idx.add.f32.msk $0xffff, v3  }
0x1a1: {  	[tilespmem:v9+s24+$0x0] =	vst.idx.add.f32.msk $0xffff, v3  }
0x1a2: {  	[tilespmem:v12+s24+$0x0] =	vst.idx.add.f32.msk $0xffff, v3  }
0x1a3: {  	[tilespmem:s1], [sflag:$0x1] =	stream.linear.gather [hbm4b:s11+s1], $0x8000, $0x38;
	[tilespmem:$0x10500] =	vst v63  }
0x1a4: {  	_ =	swait.ge [sflag:s25], $0x8000  }
0x1a5: {  	[sflag:s25] =	ssyncset.done $0x0  }
0x1a6: {  	s29 =	simm.s32 $0x8040;
	[sflag:s25] =	ssyncadd.s32 $0xFFFF8000  }
0x1a7: {  	v9 =	vld [tilespmem:s29+$0x30]  }
0x1a8: {  	v10 =	vld [tilespmem:s29+$0xFFFFFFD0]  }
0x1a9: {  	v11 =	vld [tilespmem:s29+$0xFFFFFFE0]  }
0x1aa: {  	v12 =	vld [tilespmem:s29+$0xFFFFFFF0]  }
0x1ab: {  	v13 =	vld [tilespmem:s29+$0x0]  }
0x1ac: {  	v14 =	vld [tilespmem:s29+$0x10]  }
0x1ad: {  	v9 =	vmul.f32 v9, v63  }
0x1ae: {  	v15 =	vld [tilespmem:s29+$0x20];
	v10 =	vmul.f32 v10, v63  }
0x1af: {  	v16 =	vld [tilespmem:s29+$0xFFFFFFC0];
	v11 =	vmul.f32 v11, v63;
	v9 =	vtrunc.f32 v9  }
0x1b0: {  	v12 =	vmul.f32 v12, v63;
	v9 =	vcvt.f32.s32 v9  }
0x1b1: {  	v13 =	vmul.f32 v13, v63;
	v18 =	vmul.f32 v14, v63  }
0x1b2: {  	v17 =	vtrunc.f32 v10;
	v10 =	vtrunc.f32 v11;
	v9 =	vand.u32 $0xFFFFFFF0, v9  }
0x1b3: {  	v11 =	vtrunc.f32 v12;
	v12 =	vmul.f32 v15, v63;
	v9 =	vor.u32 v0, v9  }
0x1b4: {  	v15 =	vmul.f32 v16, v63;
	v14 =	vtrunc.f32 v13  }
0x1b5: {  	v13 =	vtrunc.f32 v18;
	v12 =	vtrunc.f32 v12  }
0x1b6: {  	s30 =	simm.s32 $0x80C0;
	s29 =	simm.s32 $0x0;
	v16 =	vtrunc.f32 v15;
	v15 =	vcvt.f32.s32 v17  }
.LBB2_16:
0x1b7: {  	v17 =	vld [tilespmem:s30+$0x30];
	v16 =	vcvt.f32.s32 v16;
	v10 =	vcvt.f32.s32 v10  }
0x1b8: {  	s29 =	sadd.s32 $0x8, s29;
	v11 =	vcvt.f32.s32 v11;
	v14 =	vcvt.f32.s32 v14;
	v15 =	vand.u32 $0xFFFFFFF0, v15;
	[tilespmem:v9+s24+$0x0] =	vst.idx.add.f32.msk $0xffff, v3  }
0x1b9: {  	v13 =	vcvt.f32.s32 v13;
	v12 =	vcvt.f32.s32 v12;
	p0 =	slt.u32 s29, $0x7F8;
	v9 =	vld [tilespmem:s30+$0xFFFFFFD0];
	v16 =	vand.u32 $0xFFFFFFF0, v16  }
0x1ba: {  	v10 =	vand.u32 $0xFFFFFFF0, v10;
	v11 =	vand.u32 $0xFFFFFFF0, v11;
	v14 =	vand.u32 $0xFFFFFFF0, v14;
	v18 =	vld [tilespmem:s30+$0xFFFFFFE0]  }
0x1bb: {  	v13 =	vand.u32 $0xFFFFFFF0, v13;
	v12 =	vand.u32 $0xFFFFFFF0, v12;
	v16 =	vor.u32 v0, v16;
	v19 =	vld [tilespmem:s30+$0xFFFFFFF0]  }
0x1bc: {  	v15 =	vor.u32 v0, v15;
	v21 =	vor.u32 v0, v10;
	v22 =	vor.u32 v0, v11;
	v20 =	vld [tilespmem:s30+$0x0]  }
0x1bd: {  	v23 =	vor.u32 v0, v13;
	v10 =	vmul.f32 v17, v63;
	v17 =	vor.u32 v0, v14;
	v11 =	vld [tilespmem:s30+$0x10]  }
0x1be: {  	v24 =	vor.u32 v0, v12;
	v9 =	vmul.f32 v9, v63;
	v13 =	vld [tilespmem:s30+$0x20]  }
0x1bf: {  	v10 =	vtrunc.f32 v10;
	v12 =	vld [tilespmem:s30+$0xFFFFFFC0];
	v14 =	vmul.f32 v18, v63  }
0x1c0: {  	v18 =	vmul.f32 v19, v63;
	v19 =	vcvt.f32.s32 v10;
	[tilespmem:v16+s24+$0x0] =	vst.idx.add.f32.msk $0xffff, v3  }
0x1c1: {  	v25 =	vtrunc.f32 v9;
	v16 =	vmul.f32 v20, v63;
	[tilespmem:v15+s24+$0x0] =	vst.idx.add.f32.msk $0xffff, v3  }
.Ltmp7:
0x1c2: {  	v10 =	vtrunc.f32 v14;
	v15 =	vmul.f32 v11, v63;
	v9 =	vand.u32 $0xFFFFFFF0, v19;
	[tilespmem:v21+s24+$0x0] =	vst.idx.add.f32.msk $0xffff, v3;
	(pc) =	sbr.rel @p0 .LBB2_16-.Ltmp7, $4  }
0x1c3: {  	v11 =	vtrunc.f32 v18;
	v18 =	vmul.f32 v13, v63;
	v9 =	vor.u32 v0, v9;
	[tilespmem:v22+s24+$0x0] =	vst.idx.add.f32.msk $0xffff, v3  }
0x1c4: {  	v14 =	vtrunc.f32 v16;
	v19 =	vmul.f32 v12, v63;
	[tilespmem:v17+s24+$0x0] =	vst.idx.add.f32.msk $0xffff, v3  }
0x1c5: {  	v13 =	vtrunc.f32 v15;
	v12 =	vtrunc.f32 v18;
	[tilespmem:v23+s24+$0x0] =	vst.idx.add.f32.msk $0xffff, v3  }
0x1c6: {  	s30 =	sadd.s32 $0x80, s30;
	v15 =	vcvt.f32.s32 v25;
	v16 =	vtrunc.f32 v19;
	[tilespmem:v24+s24+$0x0] =	vst.idx.add.f32.msk $0xffff, v3  }
0x1c7: {  	v16 =	vcvt.f32.s32 v16  }
0x1c8: {  	v10 =	vcvt.f32.s32 v10;
	v15 =	vand.u32 $0xFFFFFFF0, v15  }
0x1c9: {  	v11 =	vcvt.f32.s32 v11;
	v16 =	vand.u32 $0xFFFFFFF0, v16;
	v15 =	vor.u32 v0, v15  }
0x1ca: {  	v14 =	vcvt.f32.s32 v14;
	v10 =	vand.u32 $0xFFFFFFF0, v10;
	v16 =	vor.u32 v0, v16  }
0x1cb: {  	v13 =	vcvt.f32.s32 v13;
	v11 =	vand.u32 $0xFFFFFFF0, v11;
	v10 =	vor.u32 v0, v10  }
0x1cc: {  	v12 =	vcvt.f32.s32 v12;
	v14 =	vand.u32 $0xFFFFFFF0, v14;
	v11 =	vor.u32 v0, v11  }
0x1cd: {  	[tilespmem:v9+s24+$0x0] =	vst.idx.add.f32.msk $0xffff, v3;
	v9 =	vand.u32 $0xFFFFFFF0, v13;
	v13 =	vor.u32 v0, v14  }
0x1ce: {  	v12 =	vand.u32 $0xFFFFFFF0, v12;
	v9 =	vor.u32 v0, v9;
	[tilespmem:v15+s24+$0x0] =	vst.idx.add.f32.msk $0xffff, v3  }
0x1cf: {  	v12 =	vor.u32 v0, v12;
	[tilespmem:v16+s24+$0x0] =	vst.idx.add.f32.msk $0xffff, v3  }
0x1d0: {  	[tilespmem:v10+s24+$0x0] =	vst.idx.add.f32.msk $0xffff, v3  }
0x1d1: {  	[tilespmem:v11+s24+$0x0] =	vst.idx.add.f32.msk $0xffff, v3  }
0x1d2: {  	[tilespmem:v13+s24+$0x0] =	vst.idx.add.f32.msk $0xffff, v3  }
0x1d3: {  	[tilespmem:v9+s24+$0x0] =	vst.idx.add.f32.msk $0xffff, v3  }
0x1d4: {  	[tilespmem:v12+s24+$0x0] =	vst.idx.add.f32.msk $0xffff, v3  }
0x1d5: {  	[tilespmem:s22], [sflag:$0x2] =	stream.linear.gather [hbm4b:s12+s1], $0x8000, $0x38;
	[tilespmem:$0x10500] =	vst v63  }
0x1d6: {  	_ =	swait.ge [sflag:s23], $0x8000  }
0x1d7: {  	[sflag:s23] =	ssyncset.done $0x0  }
0x1d8: {  	s29 =	simm.s32 $0x40;
	[sflag:s23] =	ssyncadd.s32 $0xFFFF8000  }
0x1d9: {  	v9 =	vld [tilespmem:s29+$0x30]  }
0x1da: {  	v10 =	vld [tilespmem:s29+$0xFFFFFFD0]  }
0x1db: {  	v11 =	vld [tilespmem:s29+$0xFFFFFFE0]  }
0x1dc: {  	v12 =	vld [tilespmem:s29+$0xFFFFFFF0]  }
0x1dd: {  	v13 =	vld [tilespmem:s29+$0x0]  }
0x1de: {  	v14 =	vld [tilespmem:s29+$0x10]  }
0x1df: {  	v9 =	vmul.f32 v9, v63  }
0x1e0: {  	v15 =	vld [tilespmem:s29+$0x20];
	v10 =	vmul.f32 v10, v63  }
0x1e1: {  	v16 =	vld [tilespmem:s29+$0xFFFFFFC0];
	v11 =	vmul.f32 v11, v63;
	v9 =	vtrunc.f32 v9  }
0x1e2: {  	v12 =	vmul.f32 v12, v63;
	v9 =	vcvt.f32.s32 v9  }
0x1e3: {  	v13 =	vmul.f32 v13, v63;
	v18 =	vmul.f32 v14, v63  }
0x1e4: {  	v17 =	vtrunc.f32 v10;
	v10 =	vtrunc.f32 v11;
	v9 =	vand.u32 $0xFFFFFFF0, v9  }
0x1e5: {  	v11 =	vtrunc.f32 v12;
	v12 =	vmul.f32 v15, v63;
	v9 =	vor.u32 v0, v9  }
0x1e6: {  	v15 =	vmul.f32 v16, v63;
	v14 =	vtrunc.f32 v13  }
0x1e7: {  	v13 =	vtrunc.f32 v18;
	v12 =	vtrunc.f32 v12  }
0x1e8: {  	s30 =	simm.s32 $0xC0;
	s29 =	simm.s32 $0x0;
	v16 =	vtrunc.f32 v15;
	v15 =	vcvt.f32.s32 v17  }
.LBB2_18:
0x1e9: {  	v17 =	vld [tilespmem:s30+$0x30];
	v16 =	vcvt.f32.s32 v16;
	v10 =	vcvt.f32.s32 v10  }
0x1ea: {  	s29 =	sadd.s32 $0x8, s29;
	v11 =	vcvt.f32.s32 v11;
	v14 =	vcvt.f32.s32 v14;
	v15 =	vand.u32 $0xFFFFFFF0, v15;
	[tilespmem:v9+s24+$0x0] =	vst.idx.add.f32.msk $0xffff, v3  }
0x1eb: {  	v13 =	vcvt.f32.s32 v13;
	v12 =	vcvt.f32.s32 v12;
	p0 =	slt.u32 s29, $0x7F8;
	v9 =	vld [tilespmem:s30+$0xFFFFFFD0];
	v16 =	vand.u32 $0xFFFFFFF0, v16  }
0x1ec: {  	v10 =	vand.u32 $0xFFFFFFF0, v10;
	v11 =	vand.u32 $0xFFFFFFF0, v11;
	v14 =	vand.u32 $0xFFFFFFF0, v14;
	v18 =	vld [tilespmem:s30+$0xFFFFFFE0]  }
0x1ed: {  	v13 =	vand.u32 $0xFFFFFFF0, v13;
	v12 =	vand.u32 $0xFFFFFFF0, v12;
	v16 =	vor.u32 v0, v16;
	v19 =	vld [tilespmem:s30+$0xFFFFFFF0]  }
0x1ee: {  	v15 =	vor.u32 v0, v15;
	v21 =	vor.u32 v0, v10;
	v22 =	vor.u32 v0, v11;
	v20 =	vld [tilespmem:s30+$0x0]  }
0x1ef: {  	v23 =	vor.u32 v0, v13;
	v10 =	vmul.f32 v17, v63;
	v17 =	vor.u32 v0, v14;
	v11 =	vld [tilespmem:s30+$0x10]  }
0x1f0: {  	v24 =	vor.u32 v0, v12;
	v9 =	vmul.f32 v9, v63;
	v13 =	vld [tilespmem:s30+$0x20]  }
0x1f1: {  	v10 =	vtrunc.f32 v10;
	v12 =	vld [tilespmem:s30+$0xFFFFFFC0];
	v14 =	vmul.f32 v18, v63  }
0x1f2: {  	v18 =	vmul.f32 v19, v63;
	v19 =	vcvt.f32.s32 v10;
	[tilespmem:v16+s24+$0x0] =	vst.idx.add.f32.msk $0xffff, v3  }
0x1f3: {  	v25 =	vtrunc.f32 v9;
	v16 =	vmul.f32 v20, v63;
	[tilespmem:v15+s24+$0x0] =	vst.idx.add.f32.msk $0xffff, v3  }
.Ltmp8:
0x1f4: {  	v10 =	vtrunc.f32 v14;
	v15 =	vmul.f32 v11, v63;
	v9 =	vand.u32 $0xFFFFFFF0, v19;
	[tilespmem:v21+s24+$0x0] =	vst.idx.add.f32.msk $0xffff, v3;
	(pc) =	sbr.rel @p0 .LBB2_18-.Ltmp8, $4  }
0x1f5: {  	v11 =	vtrunc.f32 v18;
	v18 =	vmul.f32 v13, v63;
	v9 =	vor.u32 v0, v9;
	[tilespmem:v22+s24+$0x0] =	vst.idx.add.f32.msk $0xffff, v3  }
0x1f6: {  	v14 =	vtrunc.f32 v16;
	v19 =	vmul.f32 v12, v63;
	[tilespmem:v17+s24+$0x0] =	vst.idx.add.f32.msk $0xffff, v3  }
0x1f7: {  	v13 =	vtrunc.f32 v15;
	v12 =	vtrunc.f32 v18;
	[tilespmem:v23+s24+$0x0] =	vst.idx.add.f32.msk $0xffff, v3  }
0x1f8: {  	s30 =	sadd.s32 $0x80, s30;
	v15 =	vcvt.f32.s32 v25;
	v16 =	vtrunc.f32 v19;
	[tilespmem:v24+s24+$0x0] =	vst.idx.add.f32.msk $0xffff, v3  }
0x1f9: {  	v16 =	vcvt.f32.s32 v16  }
0x1fa: {  	v10 =	vcvt.f32.s32 v10;
	v15 =	vand.u32 $0xFFFFFFF0, v15  }
0x1fb: {  	v11 =	vcvt.f32.s32 v11;
	v16 =	vand.u32 $0xFFFFFFF0, v16;
	v15 =	vor.u32 v0, v15  }
0x1fc: {  	v14 =	vcvt.f32.s32 v14;
	v10 =	vand.u32 $0xFFFFFFF0, v10;
	v16 =	vor.u32 v0, v16  }
0x1fd: {  	v13 =	vcvt.f32.s32 v13;
	v11 =	vand.u32 $0xFFFFFFF0, v11;
	v10 =	vor.u32 v0, v10  }
0x1fe: {  	v12 =	vcvt.f32.s32 v12;
	v14 =	vand.u32 $0xFFFFFFF0, v14;
	v11 =	vor.u32 v0, v11  }
0x1ff: {  	[tilespmem:v9+s24+$0x0] =	vst.idx.add.f32.msk $0xffff, v3;
	v9 =	vand.u32 $0xFFFFFFF0, v13;
	v13 =	vor.u32 v0, v14  }
0x200: {  	v12 =	vand.u32 $0xFFFFFFF0, v12;
	v9 =	vor.u32 v0, v9;
	[tilespmem:v15+s24+$0x0] =	vst.idx.add.f32.msk $0xffff, v3  }
0x201: {  	v12 =	vor.u32 v0, v12;
	[tilespmem:v16+s24+$0x0] =	vst.idx.add.f32.msk $0xffff, v3  }
0x202: {  	[tilespmem:v10+s24+$0x0] =	vst.idx.add.f32.msk $0xffff, v3  }
0x203: {  	[tilespmem:v11+s24+$0x0] =	vst.idx.add.f32.msk $0xffff, v3  }
0x204: {  	[tilespmem:v13+s24+$0x0] =	vst.idx.add.f32.msk $0xffff, v3  }
0x205: {  	[tilespmem:v9+s24+$0x0] =	vst.idx.add.f32.msk $0xffff, v3  }
0x206: {  	[tilespmem:v12+s24+$0x0] =	vst.idx.add.f32.msk $0xffff, v3  }
0x207: {  	[tilespmem:s1], [sflag:$0x1] =	stream.linear.gather [hbm4b:s13+s1], $0x8000, $0x38;
	[tilespmem:$0x10500] =	vst v63  }
0x208: {  	_ =	swait.ge [sflag:s25], $0x8000  }
0x209: {  	[sflag:s25] =	ssyncset.done $0x0  }
0x20a: {  	s29 =	simm.s32 $0x8040;
	[sflag:s25] =	ssyncadd.s32 $0xFFFF8000  }
0x20b: {  	v9 =	vld [tilespmem:s29+$0x30]  }
0x20c: {  	v10 =	vld [tilespmem:s29+$0xFFFFFFD0]  }
0x20d: {  	v11 =	vld [tilespmem:s29+$0xFFFFFFE0]  }
0x20e: {  	v12 =	vld [tilespmem:s29+$0xFFFFFFF0]  }
0x20f: {  	v13 =	vld [tilespmem:s29+$0x0]  }
0x210: {  	v14 =	vld [tilespmem:s29+$0x10]  }
0x211: {  	v9 =	vmul.f32 v9, v63  }
0x212: {  	v15 =	vld [tilespmem:s29+$0x20];
	v10 =	vmul.f32 v10, v63  }
0x213: {  	v16 =	vld [tilespmem:s29+$0xFFFFFFC0];
	v11 =	vmul.f32 v11, v63;
	v9 =	vtrunc.f32 v9  }
0x214: {  	v12 =	vmul.f32 v12, v63;
	v9 =	vcvt.f32.s32 v9  }
0x215: {  	v13 =	vmul.f32 v13, v63;
	v18 =	vmul.f32 v14, v63  }
0x216: {  	v17 =	vtrunc.f32 v10;
	v10 =	vtrunc.f32 v11;
	v9 =	vand.u32 $0xFFFFFFF0, v9  }
0x217: {  	v11 =	vtrunc.f32 v12;
	v12 =	vmul.f32 v15, v63;
	v9 =	vor.u32 v0, v9  }
0x218: {  	v15 =	vmul.f32 v16, v63;
	v14 =	vtrunc.f32 v13  }
0x219: {  	v13 =	vtrunc.f32 v18;
	v12 =	vtrunc.f32 v12  }
0x21a: {  	s30 =	simm.s32 $0x80C0;
	s29 =	simm.s32 $0x0;
	v16 =	vtrunc.f32 v15;
	v15 =	vcvt.f32.s32 v17  }
.LBB2_20:
0x21b: {  	v17 =	vld [tilespmem:s30+$0x30];
	v16 =	vcvt.f32.s32 v16;
	v10 =	vcvt.f32.s32 v10  }
0x21c: {  	s29 =	sadd.s32 $0x8, s29;
	v11 =	vcvt.f32.s32 v11;
	v14 =	vcvt.f32.s32 v14;
	v15 =	vand.u32 $0xFFFFFFF0, v15;
	[tilespmem:v9+s24+$0x0] =	vst.idx.add.f32.msk $0xffff, v3  }
0x21d: {  	v13 =	vcvt.f32.s32 v13;
	v12 =	vcvt.f32.s32 v12;
	p0 =	slt.u32 s29, $0x7F8;
	v9 =	vld [tilespmem:s30+$0xFFFFFFD0];
	v16 =	vand.u32 $0xFFFFFFF0, v16  }
0x21e: {  	v10 =	vand.u32 $0xFFFFFFF0, v10;
	v11 =	vand.u32 $0xFFFFFFF0, v11;
	v14 =	vand.u32 $0xFFFFFFF0, v14;
	v18 =	vld [tilespmem:s30+$0xFFFFFFE0]  }
0x21f: {  	v13 =	vand.u32 $0xFFFFFFF0, v13;
	v12 =	vand.u32 $0xFFFFFFF0, v12;
	v16 =	vor.u32 v0, v16;
	v19 =	vld [tilespmem:s30+$0xFFFFFFF0]  }
0x220: {  	v15 =	vor.u32 v0, v15;
	v21 =	vor.u32 v0, v10;
	v22 =	vor.u32 v0, v11;
	v20 =	vld [tilespmem:s30+$0x0]  }
0x221: {  	v23 =	vor.u32 v0, v13;
	v10 =	vmul.f32 v17, v63;
	v17 =	vor.u32 v0, v14;
	v11 =	vld [tilespmem:s30+$0x10]  }
0x222: {  	v24 =	vor.u32 v0, v12;
	v9 =	vmul.f32 v9, v63;
	v13 =	vld [tilespmem:s30+$0x20]  }
0x223: {  	v10 =	vtrunc.f32 v10;
	v12 =	vld [tilespmem:s30+$0xFFFFFFC0];
	v14 =	vmul.f32 v18, v63  }
0x224: {  	v18 =	vmul.f32 v19, v63;
	v19 =	vcvt.f32.s32 v10;
	[tilespmem:v16+s24+$0x0] =	vst.idx.add.f32.msk $0xffff, v3  }
0x225: {  	v25 =	vtrunc.f32 v9;
	v16 =	vmul.f32 v20, v63;
	[tilespmem:v15+s24+$0x0] =	vst.idx.add.f32.msk $0xffff, v3  }
.Ltmp9:
0x226: {  	v10 =	vtrunc.f32 v14;
	v15 =	vmul.f32 v11, v63;
	v9 =	vand.u32 $0xFFFFFFF0, v19;
	[tilespmem:v21+s24+$0x0] =	vst.idx.add.f32.msk $0xffff, v3;
	(pc) =	sbr.rel @p0 .LBB2_20-.Ltmp9, $4  }
0x227: {  	v11 =	vtrunc.f32 v18;
	v18 =	vmul.f32 v13, v63;
	v9 =	vor.u32 v0, v9;
	[tilespmem:v22+s24+$0x0] =	vst.idx.add.f32.msk $0xffff, v3  }
0x228: {  	v14 =	vtrunc.f32 v16;
	v19 =	vmul.f32 v12, v63;
	[tilespmem:v17+s24+$0x0] =	vst.idx.add.f32.msk $0xffff, v3  }
0x229: {  	v13 =	vtrunc.f32 v15;
	v12 =	vtrunc.f32 v18;
	[tilespmem:v23+s24+$0x0] =	vst.idx.add.f32.msk $0xffff, v3  }
0x22a: {  	s30 =	sadd.s32 $0x80, s30;
	v15 =	vcvt.f32.s32 v25;
	v16 =	vtrunc.f32 v19;
	[tilespmem:v24+s24+$0x0] =	vst.idx.add.f32.msk $0xffff, v3  }
0x22b: {  	v16 =	vcvt.f32.s32 v16  }
0x22c: {  	v10 =	vcvt.f32.s32 v10;
	v15 =	vand.u32 $0xFFFFFFF0, v15  }
0x22d: {  	v11 =	vcvt.f32.s32 v11;
	v16 =	vand.u32 $0xFFFFFFF0, v16;
	v15 =	vor.u32 v0, v15  }
0x22e: {  	v14 =	vcvt.f32.s32 v14;
	v10 =	vand.u32 $0xFFFFFFF0, v10;
	v16 =	vor.u32 v0, v16  }
0x22f: {  	v13 =	vcvt.f32.s32 v13;
	v11 =	vand.u32 $0xFFFFFFF0, v11;
	v10 =	vor.u32 v0, v10  }
0x230: {  	v12 =	vcvt.f32.s32 v12;
	v14 =	vand.u32 $0xFFFFFFF0, v14;
	v11 =	vor.u32 v0, v11  }
0x231: {  	[tilespmem:v9+s24+$0x0] =	vst.idx.add.f32.msk $0xffff, v3;
	v9 =	vand.u32 $0xFFFFFFF0, v13;
	v18 =	vor.u32 v0, v14  }
0x232: {  	v12 =	vand.u32 $0xFFFFFFF0, v12;
	v9 =	vor.u32 v0, v9;
	[tilespmem:v15+s24+$0x0] =	vst.idx.add.f32.msk $0xffff, v3  }
0x233: {  	v12 =	vor.u32 v0, v12;
	[tilespmem:v16+s24+$0x0] =	vst.idx.add.f32.msk $0xffff, v3  }
0x234: {  	[tilespmem:v10+s24+$0x0] =	vst.idx.add.f32.msk $0xffff, v3  }
0x235: {  	[tilespmem:v11+s24+$0x0] =	vst.idx.add.f32.msk $0xffff, v3  }
0x236: {  	[tilespmem:v18+s24+$0x0] =	vst.idx.add.f32.msk $0xffff, v3  }
0x237: {  	[tilespmem:v9+s24+$0x0] =	vst.idx.add.f32.msk $0xffff, v3  }
0x238: {  	[tilespmem:v12+s24+$0x0] =	vst.idx.add.f32.msk $0xffff, v3  }
0x239: {  	v9 =	vld.idx.msk [tilespmem:v1+s24+$0x0], $0xffff  }
0x23a: {  	v10 =	vld [tilespmem:$0x1FEA0]  }
0x23b: {  	v11 =	vld [tilespmem:$0x1FEB0]  }
0x23c: {  	v12 =	vld [tilespmem:$0x1FEC0]  }
0x23d: {  	v13 =	vld [tilespmem:$0x1FED0]  }
0x23e: {  	v19 =	vld [tilespmem:$0x1FEE0]  }
0x23f: {  	v15 =	vld [tilespmem:$0x1FEF0]  }
0x240: {  	v16 =	vld [tilespmem:$0x1FF00]  }
0x241: {  	v17 =	vld [tilespmem:$0x1FF10]  }
0x242: {  	v18 =	vld [tilespmem:$0x1FF20]  }
0x243: {  	v20 =	vld [tilespmem:$0x1FF40]  }
0x244: {  	v21 =	vld [tilespmem:$0x1FF50]  }
0x245: {  	v22 =	vld [tilespmem:$0x1FF60]  }
0x246: {  	v23 =	vld [tilespmem:$0x1FF70]  }
0x247: {  	v24 =	vld [tilespmem:$0x1FF80]  }
0x248: {  	v10 =	vld.idx.msk [tilespmem:v10+s24+$0x0], $0xffff  }
0x249: {  	v11 =	vld.idx.msk [tilespmem:v11+s24+$0x0], $0xffff  }
0x24a: {  	v12 =	vld.idx.msk [tilespmem:v12+s24+$0x0], $0xffff  }
0x24b: {  	v13 =	vld.idx.msk [tilespmem:v13+s24+$0x0], $0xffff  }
0x24c: {  	v14 =	vld.idx.msk [tilespmem:v19+s24+$0x0], $0xffff  }
0x24d: {  	v15 =	vld.idx.msk [tilespmem:v15+s24+$0x0], $0xffff  }
0x24e: {  	v16 =	vld.idx.msk [tilespmem:v16+s24+$0x0], $0xffff  }
0x24f: {  	v19 =	vld [tilespmem:$0x1FF30]  }
0x250: {  	v17 =	vld.idx.msk [tilespmem:v17+s24+$0x0], $0xffff  }
0x251: {  	v18 =	vld.idx.msk [tilespmem:v18+s24+$0x0], $0xffff  }
0x252: {  	v20 =	vld.idx.msk [tilespmem:v20+s24+$0x0], $0xffff  }
0x253: {  	v21 =	vld.idx.msk [tilespmem:v21+s24+$0x0], $0xffff  }
0x254: {  	v22 =	vld.idx.msk [tilespmem:v22+s24+$0x0], $0xffff  }
0x255: {  	v23 =	vld.idx.msk [tilespmem:v23+s24+$0x0], $0xffff  }
0x256: {  	v24 =	vld.idx.msk [tilespmem:v24+s24+$0x0], $0xffff  }
0x257: {  	v19 =	vld.idx.msk [tilespmem:v19+s24+$0x0], $0xffff;
	_ =	sdelay $0x1  }
0x258: {  	v9 =	vadd.f32 v10, v9;
	v10 =	vadd.f32 v12, v11  }
0x259: {  	v11 =	vadd.f32 v14, v13;
	v12 =	vadd.f32 v16, v15  }
0x25a: {  	v13 =	vadd.f32 v18, v17;
	v22 =	vadd.f32 v22, v21  }
0x25b: {  	v23 =	vadd.f32 v24, v23;
	v20 =	vadd.f32 v20, v19  }
0x25c: {  	v9 =	vadd.f32 v10, v9;
	v10 =	vadd.f32 v12, v11  }
0x25d: {  	v16 =	vadd.f32 v23, v22;
	v11 =	vadd.f32 v20, v13;
	_ =	sdelay $0x1  }
0x25e: {  	v9 =	vadd.f32 v10, v9;
	v10 =	vadd.f32 v16, v11  }
0x25f: {  	v11 =	vld [tilespmem:$0x1FFC0]  }
0x260: {  	v9 =	vadd.f32 v10, v9;
	v10 =	vld [tilespmem:$0x1FF90]  }
0x261: {  	v17 =	vld [tilespmem:$0x1FFD0]  }
0x262: {  	v18 =	vld [tilespmem:$0x1FFE0]  }
0x263: {  	v19 =	vld [tilespmem:$0x1FFF0];
	_ =	sdelay $0x1  }
0x264: {  	v9 =	vadd.f32 v10, v9  }
0x265: {  	v10 =	vld [tilespmem:$0x1FFB0]  }
0x266: {  	[tilespmem:$0x10480] =	vst v9;
	v9 =	vld [tilespmem:$0x1FFA0]  }
0x267: {  	v11 =	vld.idx.msk [tilespmem:v11+s24+$0x0], $0xffff  }
0x268: {  	v12 =	vld.idx.msk [tilespmem:v17+s24+$0x0], $0xffff  }
0x269: {  	v13 =	vld.idx.msk [tilespmem:v18+s24+$0x0], $0xffff  }
0x26a: {  	v14 =	vld.idx.msk [tilespmem:v19+s24+$0x0], $0xffff  }
0x26b: {  	v15 =	vld.idx.msk [tilespmem:v26+s24+$0x0], $0xffff  }
0x26c: {  	v16 =	vld.idx.msk [tilespmem:v27+s24+$0x0], $0xffff  }
0x26d: {  	v19 =	vld.idx.msk [tilespmem:v30+s24+$0x0], $0xffff  }
0x26e: {  	v20 =	vld.idx.msk [tilespmem:v31+s24+$0x0], $0xffff  }
0x26f: {  	v21 =	vld.idx.msk [tilespmem:v32+s24+$0x0], $0xffff  }
0x270: {  	v22 =	vld.idx.msk [tilespmem:v33+s24+$0x0], $0xffff  }
0x271: {  	v23 =	vld.idx.msk [tilespmem:v34+s24+$0x0], $0xffff  }
0x272: {  	v24 =	vld.idx.msk [tilespmem:v35+s24+$0x0], $0xffff  }
0x273: {  	v10 =	vld.idx.msk [tilespmem:v10+s24+$0x0], $0xffff  }
0x274: {  	v9 =	vld.idx.msk [tilespmem:v9+s24+$0x0], $0xffff  }
0x275: {  	v17 =	vld.idx.msk [tilespmem:v28+s24+$0x0], $0xffff  }
0x276: {  	v18 =	vld.idx.msk [tilespmem:v29+s24+$0x0], $0xffff;
	_ =	sdelay $0x1  }
0x277: {  	v20 =	vadd.f32 v20, v19;
	v22 =	vadd.f32 v22, v21  }
0x278: {  	v23 =	vadd.f32 v24, v23;
	v9 =	vadd.f32 v10, v9  }
0x279: {  	v10 =	vadd.f32 v12, v11;
	v11 =	vadd.f32 v14, v13  }
0x27a: {  	v12 =	vadd.f32 v16, v15;
	v13 =	vadd.f32 v18, v17  }
0x27b: {  	v19 =	vadd.f32 v23, v22;
	v9 =	vadd.f32 v10, v9  }
0x27c: {  	v10 =	vadd.f32 v12, v11;
	v11 =	vadd.f32 v20, v13;
	_ =	sdelay $0x1  }
0x27d: {  	v9 =	vadd.f32 v10, v9;
	v10 =	vadd.f32 v19, v11;
	_ =	sdelay $0x1  }
0x27e: {  	v9 =	vadd.f32 v10, v9;
	_ =	sdelay $0x1  }
0x27f: {  	[tilespmem:$0x10490] =	vst v9  }
0x280: {  	v9 =	vld.idx.msk [tilespmem:v36+s24+$0x0], $0xffff  }
0x281: {  	v10 =	vld.idx.msk [tilespmem:v37+s24+$0x0], $0xffff  }
0x282: {  	v11 =	vld.idx.msk [tilespmem:v38+s24+$0x0], $0xffff  }
0x283: {  	v12 =	vld.idx.msk [tilespmem:v39+s24+$0x0], $0xffff  }
0x284: {  	v13 =	vld.idx.msk [tilespmem:v40+s24+$0x0], $0xffff  }
0x285: {  	v14 =	vld.idx.msk [tilespmem:v41+s24+$0x0], $0xffff  }
0x286: {  	v15 =	vld.idx.msk [tilespmem:v42+s24+$0x0], $0xffff  }
0x287: {  	v16 =	vld.idx.msk [tilespmem:v43+s24+$0x0], $0xffff  }
0x288: {  	v17 =	vld.idx.msk [tilespmem:v44+s24+$0x0], $0xffff  }
0x289: {  	v18 =	vld.idx.msk [tilespmem:v45+s24+$0x0], $0xffff  }
0x28a: {  	v19 =	vld.idx.msk [tilespmem:v46+s24+$0x0], $0xffff  }
0x28b: {  	v20 =	vld.idx.msk [tilespmem:v47+s24+$0x0], $0xffff  }
0x28c: {  	v21 =	vld.idx.msk [tilespmem:v48+s24+$0x0], $0xffff  }
0x28d: {  	v22 =	vld.idx.msk [tilespmem:v49+s24+$0x0], $0xffff  }
0x28e: {  	v23 =	vld.idx.msk [tilespmem:v50+s24+$0x0], $0xffff  }
0x28f: {  	v24 =	vld.idx.msk [tilespmem:v51+s24+$0x0], $0xffff;
	_ =	sdelay $0x1  }
0x290: {  	v9 =	vadd.f32 v10, v9;
	v10 =	vadd.f32 v12, v11  }
0x291: {  	v11 =	vadd.f32 v14, v13;
	v12 =	vadd.f32 v16, v15  }
0x292: {  	v13 =	vadd.f32 v18, v17;
	v20 =	vadd.f32 v20, v19  }
0x293: {  	v22 =	vadd.f32 v22, v21;
	v23 =	vadd.f32 v24, v23  }
0x294: {  	v9 =	vadd.f32 v10, v9;
	v10 =	vadd.f32 v12, v11  }
0x295: {  	v11 =	vadd.f32 v20, v13;
	v19 =	vadd.f32 v23, v22;
	_ =	sdelay $0x1  }
0x296: {  	v9 =	vadd.f32 v10, v9;
	v10 =	vadd.f32 v19, v11;
	_ =	sdelay $0x1  }
0x297: {  	v9 =	vadd.f32 v10, v9;
	_ =	sdelay $0x1  }
0x298: {  	[tilespmem:$0x104A0] =	vst v9  }
0x299: {  	v9 =	vld.idx.msk [tilespmem:v52+s24+$0x0], $0xffff  }
0x29a: {  	v10 =	vld.idx.msk [tilespmem:v53+s24+$0x0], $0xffff  }
0x29b: {  	v11 =	vld.idx.msk [tilespmem:v54+s24+$0x0], $0xffff  }
0x29c: {  	v12 =	vld.idx.msk [tilespmem:v55+s24+$0x0], $0xffff  }
0x29d: {  	v13 =	vld.idx.msk [tilespmem:v56+s24+$0x0], $0xffff  }
0x29e: {  	v14 =	vld.idx.msk [tilespmem:v57+s24+$0x0], $0xffff  }
0x29f: {  	v15 =	vld.idx.msk [tilespmem:v58+s24+$0x0], $0xffff  }
0x2a0: {  	v16 =	vld.idx.msk [tilespmem:v59+s24+$0x0], $0xffff  }
0x2a1: {  	v17 =	vld.idx.msk [tilespmem:v60+s24+$0x0], $0xffff  }
0x2a2: {  	v18 =	vld.idx.msk [tilespmem:v61+s24+$0x0], $0xffff  }
0x2a3: {  	v19 =	vld.idx.msk [tilespmem:v62+s24+$0x0], $0xffff  }
0x2a4: {  	v20 =	vld.idx.msk [tilespmem:v4+s24+$0x0], $0xffff  }
0x2a5: {  	v21 =	vld.idx.msk [tilespmem:v5+s24+$0x0], $0xffff  }
0x2a6: {  	v22 =	vld.idx.msk [tilespmem:v6+s24+$0x0], $0xffff  }
0x2a7: {  	v23 =	vld.idx.msk [tilespmem:v7+s24+$0x0], $0xffff  }
0x2a8: {  	v24 =	vld.idx.msk [tilespmem:v8+s24+$0x0], $0xffff;
	_ =	sdelay $0x1  }
0x2a9: {  	v9 =	vadd.f32 v10, v9;
	v10 =	vadd.f32 v12, v11  }
0x2aa: {  	v11 =	vadd.f32 v14, v13;
	v12 =	vadd.f32 v16, v15  }
0x2ab: {  	v13 =	vadd.f32 v18, v17;
	v20 =	vadd.f32 v20, v19  }
0x2ac: {  	v21 =	vadd.f32 v22, v21;
	v22 =	vadd.f32 v24, v23  }
0x2ad: {  	v9 =	vadd.f32 v10, v9;
	v10 =	vadd.f32 v12, v11  }
0x2ae: {  	v11 =	vadd.f32 v20, v13;
	v23 =	vadd.f32 v22, v21;
	_ =	sdelay $0x1  }
0x2af: {  	v9 =	vadd.f32 v10, v9;
	v10 =	vadd.f32 v23, v11;
	_ =	sdelay $0x1  }
0x2b0: {  	v9 =	vadd.f32 v10, v9;
	_ =	sdelay $0x1  }
0x2b1: {  	s29 =	simm.s32 $0x0;
	[tilespmem:$0x104B0] =	vst v9  }
0x2b2: {  	[hbm4b:s14+s29] =	stream.linear.scatter [tilespmem:s26], [sflag:$0x3], $0x40, $0x38;
	[tilespmem:$0x10500] =	vst v63  }
0x2b3: {  	_ =	swait.ge [sflag:s21], $0x40  }
0x2b4: {  	[sflag:s21] =	ssyncset.done $0x0  }
0x2b5: {  	[sflag:s21] =	ssyncadd.s32 $0xFFFFFFC0  }
0x2b6: {  	[tilespmem:s22], [sflag:$0x2] =	stream.linear.gather [hbm4b:s15+s29], $0x8000, $0x38;
	[tilespmem:$0x10500] =	vst v63  }
0x2b7: {  	s30 =	simm.s32 $0x0;
	s29 =	simm.s32 $0x40  }
.LBB2_22:
0x2b8: {  	p0 =	sne.s32 s29, $0xFC0;
	[tilespmem:s30+$0x10080] =	vst v2;
	s30 =	smov.u32 s29;
	s29 =	sadd.s32 $0x40, s29  }
.Ltmp10:
0x2b9: {  	(pc) =	sbr.rel @p0 .LBB2_22-.Ltmp10, $2  }
0x2ba: {  	_ =	sdelay $0x2  }
0x2bb: {  	s30 =	sshra.s32 s30, $0x2  }
0x2bc: {  	[tilespmem:s30+$0x10080] =	vst v2  }
0x2bd: {  	_ =	swait.ge [sflag:s23], $0x8000  }
0x2be: {  	[sflag:s23] =	ssyncset.done $0x0  }
0x2bf: {  	s29 =	simm.s32 $0x40;
	[sflag:s23] =	ssyncadd.s32 $0xFFFF8000  }
0x2c0: {  	v9 =	vld [tilespmem:s29+$0x30]  }
0x2c1: {  	v10 =	vld [tilespmem:s29+$0xFFFFFFD0]  }
0x2c2: {  	v11 =	vld [tilespmem:s29+$0xFFFFFFE0]  }
0x2c3: {  	v12 =	vld [tilespmem:s29+$0xFFFFFFF0]  }
0x2c4: {  	v13 =	vld [tilespmem:s29+$0x0]  }
0x2c5: {  	v14 =	vld [tilespmem:s29+$0x10]  }
0x2c6: {  	v9 =	vmul.f32 v9, v63  }
0x2c7: {  	v15 =	vld [tilespmem:s29+$0x20];
	v10 =	vmul.f32 v10, v63  }
0x2c8: {  	v16 =	vld [tilespmem:s29+$0xFFFFFFC0];
	v11 =	vmul.f32 v11, v63;
	v9 =	vtrunc.f32 v9  }
0x2c9: {  	v12 =	vmul.f32 v12, v63;
	v9 =	vcvt.f32.s32 v9  }
0x2ca: {  	v13 =	vmul.f32 v13, v63;
	v18 =	vmul.f32 v14, v63  }
0x2cb: {  	v17 =	vtrunc.f32 v10;
	v10 =	vtrunc.f32 v11;
	v9 =	vand.u32 $0xFFFFFFF0, v9  }
0x2cc: {  	v11 =	vtrunc.f32 v12;
	v12 =	vmul.f32 v15, v63;
	v9 =	vor.u32 v0, v9  }
0x2cd: {  	v15 =	vmul.f32 v16, v63;
	v14 =	vtrunc.f32 v13  }
0x2ce: {  	v13 =	vtrunc.f32 v18;
	v12 =	vtrunc.f32 v12  }
0x2cf: {  	s30 =	simm.s32 $0xC0;
	s29 =	simm.s32 $0x0;
	v16 =	vtrunc.f32 v15;
	v15 =	vcvt.f32.s32 v17  }
.LBB2_24:
0x2d0: {  	v17 =	vld [tilespmem:s30+$0x30];
	v16 =	vcvt.f32.s32 v16;
	v10 =	vcvt.f32.s32 v10  }
0x2d1: {  	s29 =	sadd.s32 $0x8, s29;
	v11 =	vcvt.f32.s32 v11;
	v14 =	vcvt.f32.s32 v14;
	v15 =	vand.u32 $0xFFFFFFF0, v15;
	[tilespmem:v9+s24+$0x0] =	vst.idx.add.f32.msk $0xffff, v3  }
0x2d2: {  	v13 =	vcvt.f32.s32 v13;
	v12 =	vcvt.f32.s32 v12;
	p0 =	slt.u32 s29, $0x7F8;
	v9 =	vld [tilespmem:s30+$0xFFFFFFD0];
	v16 =	vand.u32 $0xFFFFFFF0, v16  }
0x2d3: {  	v10 =	vand.u32 $0xFFFFFFF0, v10;
	v11 =	vand.u32 $0xFFFFFFF0, v11;
	v14 =	vand.u32 $0xFFFFFFF0, v14;
	v18 =	vld [tilespmem:s30+$0xFFFFFFE0]  }
0x2d4: {  	v13 =	vand.u32 $0xFFFFFFF0, v13;
	v12 =	vand.u32 $0xFFFFFFF0, v12;
	v16 =	vor.u32 v0, v16;
	v19 =	vld [tilespmem:s30+$0xFFFFFFF0]  }
0x2d5: {  	v15 =	vor.u32 v0, v15;
	v21 =	vor.u32 v0, v10;
	v22 =	vor.u32 v0, v11;
	v20 =	vld [tilespmem:s30+$0x0]  }
0x2d6: {  	v23 =	vor.u32 v0, v13;
	v10 =	vmul.f32 v17, v63;
	v17 =	vor.u32 v0, v14;
	v11 =	vld [tilespmem:s30+$0x10]  }
0x2d7: {  	v24 =	vor.u32 v0, v12;
	v9 =	vmul.f32 v9, v63;
	v13 =	vld [tilespmem:s30+$0x20]  }
0x2d8: {  	v10 =	vtrunc.f32 v10;
	v12 =	vld [tilespmem:s30+$0xFFFFFFC0];
	v14 =	vmul.f32 v18, v63  }
0x2d9: {  	v18 =	vmul.f32 v19, v63;
	v19 =	vcvt.f32.s32 v10;
	[tilespmem:v16+s24+$0x0] =	vst.idx.add.f32.msk $0xffff, v3  }
0x2da: {  	v25 =	vtrunc.f32 v9;
	v16 =	vmul.f32 v20, v63;
	[tilespmem:v15+s24+$0x0] =	vst.idx.add.f32.msk $0xffff, v3  }
.Ltmp11:
0x2db: {  	v10 =	vtrunc.f32 v14;
	v15 =	vmul.f32 v11, v63;
	v9 =	vand.u32 $0xFFFFFFF0, v19;
	[tilespmem:v21+s24+$0x0] =	vst.idx.add.f32.msk $0xffff, v3;
	(pc) =	sbr.rel @p0 .LBB2_24-.Ltmp11, $4  }
0x2dc: {  	v11 =	vtrunc.f32 v18;
	v18 =	vmul.f32 v13, v63;
	v9 =	vor.u32 v0, v9;
	[tilespmem:v22+s24+$0x0] =	vst.idx.add.f32.msk $0xffff, v3  }
0x2dd: {  	v14 =	vtrunc.f32 v16;
	v19 =	vmul.f32 v12, v63;
	[tilespmem:v17+s24+$0x0] =	vst.idx.add.f32.msk $0xffff, v3  }
0x2de: {  	v13 =	vtrunc.f32 v15;
	v12 =	vtrunc.f32 v18;
	[tilespmem:v23+s24+$0x0] =	vst.idx.add.f32.msk $0xffff, v3  }
0x2df: {  	s30 =	sadd.s32 $0x80, s30;
	v15 =	vcvt.f32.s32 v25;
	v16 =	vtrunc.f32 v19;
	[tilespmem:v24+s24+$0x0] =	vst.idx.add.f32.msk $0xffff, v3  }
0x2e0: {  	v16 =	vcvt.f32.s32 v16  }
0x2e1: {  	v10 =	vcvt.f32.s32 v10;
	v15 =	vand.u32 $0xFFFFFFF0, v15  }
0x2e2: {  	v11 =	vcvt.f32.s32 v11;
	v16 =	vand.u32 $0xFFFFFFF0, v16;
	v15 =	vor.u32 v0, v15  }
0x2e3: {  	v14 =	vcvt.f32.s32 v14;
	v10 =	vand.u32 $0xFFFFFFF0, v10;
	v16 =	vor.u32 v0, v16  }
0x2e4: {  	v13 =	vcvt.f32.s32 v13;
	v11 =	vand.u32 $0xFFFFFFF0, v11;
	v10 =	vor.u32 v0, v10  }
0x2e5: {  	v12 =	vcvt.f32.s32 v12;
	v14 =	vand.u32 $0xFFFFFFF0, v14;
	v11 =	vor.u32 v0, v11  }
0x2e6: {  	[tilespmem:v9+s24+$0x0] =	vst.idx.add.f32.msk $0xffff, v3;
	v9 =	vand.u32 $0xFFFFFFF0, v13;
	v13 =	vor.u32 v0, v14  }
0x2e7: {  	v12 =	vand.u32 $0xFFFFFFF0, v12;
	v9 =	vor.u32 v0, v9;
	[tilespmem:v15+s24+$0x0] =	vst.idx.add.f32.msk $0xffff, v3  }
0x2e8: {  	v12 =	vor.u32 v0, v12;
	[tilespmem:v16+s24+$0x0] =	vst.idx.add.f32.msk $0xffff, v3  }
0x2e9: {  	[tilespmem:v10+s24+$0x0] =	vst.idx.add.f32.msk $0xffff, v3  }
0x2ea: {  	[tilespmem:v11+s24+$0x0] =	vst.idx.add.f32.msk $0xffff, v3  }
0x2eb: {  	[tilespmem:v13+s24+$0x0] =	vst.idx.add.f32.msk $0xffff, v3  }
0x2ec: {  	[tilespmem:v9+s24+$0x0] =	vst.idx.add.f32.msk $0xffff, v3  }
0x2ed: {  	[tilespmem:v12+s24+$0x0] =	vst.idx.add.f32.msk $0xffff, v3  }
0x2ee: {  	[tilespmem:s1], [sflag:$0x1] =	stream.linear.gather [hbm4b:s16+s1], $0x8000, $0x38;
	[tilespmem:$0x10500] =	vst v63  }
0x2ef: {  	_ =	swait.ge [sflag:s25], $0x8000  }
0x2f0: {  	[sflag:s25] =	ssyncset.done $0x0  }
0x2f1: {  	s29 =	simm.s32 $0x8040;
	[sflag:s25] =	ssyncadd.s32 $0xFFFF8000  }
0x2f2: {  	v9 =	vld [tilespmem:s29+$0x30]  }
0x2f3: {  	v10 =	vld [tilespmem:s29+$0xFFFFFFD0]  }
0x2f4: {  	v11 =	vld [tilespmem:s29+$0xFFFFFFE0]  }
0x2f5: {  	v12 =	vld [tilespmem:s29+$0xFFFFFFF0]  }
0x2f6: {  	v13 =	vld [tilespmem:s29+$0x0]  }
0x2f7: {  	v14 =	vld [tilespmem:s29+$0x10]  }
0x2f8: {  	v9 =	vmul.f32 v9, v63  }
0x2f9: {  	v15 =	vld [tilespmem:s29+$0x20];
	v10 =	vmul.f32 v10, v63  }
0x2fa: {  	v16 =	vld [tilespmem:s29+$0xFFFFFFC0];
	v11 =	vmul.f32 v11, v63;
	v9 =	vtrunc.f32 v9  }
0x2fb: {  	v12 =	vmul.f32 v12, v63;
	v9 =	vcvt.f32.s32 v9  }
0x2fc: {  	v13 =	vmul.f32 v13, v63;
	v18 =	vmul.f32 v14, v63  }
0x2fd: {  	v17 =	vtrunc.f32 v10;
	v10 =	vtrunc.f32 v11;
	v9 =	vand.u32 $0xFFFFFFF0, v9  }
0x2fe: {  	v11 =	vtrunc.f32 v12;
	v12 =	vmul.f32 v15, v63;
	v9 =	vor.u32 v0, v9  }
0x2ff: {  	v15 =	vmul.f32 v16, v63;
	v14 =	vtrunc.f32 v13  }
0x300: {  	v13 =	vtrunc.f32 v18;
	v12 =	vtrunc.f32 v12  }
0x301: {  	s30 =	simm.s32 $0x80C0;
	s29 =	simm.s32 $0x0;
	v16 =	vtrunc.f32 v15;
	v15 =	vcvt.f32.s32 v17  }
.LBB2_26:
0x302: {  	v17 =	vld [tilespmem:s30+$0x30];
	v16 =	vcvt.f32.s32 v16;
	v10 =	vcvt.f32.s32 v10  }
0x303: {  	s29 =	sadd.s32 $0x8, s29;
	v11 =	vcvt.f32.s32 v11;
	v14 =	vcvt.f32.s32 v14;
	v15 =	vand.u32 $0xFFFFFFF0, v15;
	[tilespmem:v9+s24+$0x0] =	vst.idx.add.f32.msk $0xffff, v3  }
0x304: {  	v13 =	vcvt.f32.s32 v13;
	v12 =	vcvt.f32.s32 v12;
	p0 =	slt.u32 s29, $0x7F8;
	v9 =	vld [tilespmem:s30+$0xFFFFFFD0];
	v16 =	vand.u32 $0xFFFFFFF0, v16  }
0x305: {  	v10 =	vand.u32 $0xFFFFFFF0, v10;
	v11 =	vand.u32 $0xFFFFFFF0, v11;
	v14 =	vand.u32 $0xFFFFFFF0, v14;
	v18 =	vld [tilespmem:s30+$0xFFFFFFE0]  }
0x306: {  	v13 =	vand.u32 $0xFFFFFFF0, v13;
	v12 =	vand.u32 $0xFFFFFFF0, v12;
	v16 =	vor.u32 v0, v16;
	v19 =	vld [tilespmem:s30+$0xFFFFFFF0]  }
0x307: {  	v15 =	vor.u32 v0, v15;
	v21 =	vor.u32 v0, v10;
	v22 =	vor.u32 v0, v11;
	v20 =	vld [tilespmem:s30+$0x0]  }
0x308: {  	v23 =	vor.u32 v0, v13;
	v10 =	vmul.f32 v17, v63;
	v17 =	vor.u32 v0, v14;
	v11 =	vld [tilespmem:s30+$0x10]  }
0x309: {  	v24 =	vor.u32 v0, v12;
	v9 =	vmul.f32 v9, v63;
	v13 =	vld [tilespmem:s30+$0x20]  }
0x30a: {  	v10 =	vtrunc.f32 v10;
	v12 =	vld [tilespmem:s30+$0xFFFFFFC0];
	v14 =	vmul.f32 v18, v63  }
0x30b: {  	v18 =	vmul.f32 v19, v63;
	v19 =	vcvt.f32.s32 v10;
	[tilespmem:v16+s24+$0x0] =	vst.idx.add.f32.msk $0xffff, v3  }
0x30c: {  	v25 =	vtrunc.f32 v9;
	v16 =	vmul.f32 v20, v63;
	[tilespmem:v15+s24+$0x0] =	vst.idx.add.f32.msk $0xffff, v3  }
.Ltmp12:
0x30d: {  	v10 =	vtrunc.f32 v14;
	v15 =	vmul.f32 v11, v63;
	v9 =	vand.u32 $0xFFFFFFF0, v19;
	[tilespmem:v21+s24+$0x0] =	vst.idx.add.f32.msk $0xffff, v3;
	(pc) =	sbr.rel @p0 .LBB2_26-.Ltmp12, $4  }
0x30e: {  	v11 =	vtrunc.f32 v18;
	v18 =	vmul.f32 v13, v63;
	v9 =	vor.u32 v0, v9;
	[tilespmem:v22+s24+$0x0] =	vst.idx.add.f32.msk $0xffff, v3  }
0x30f: {  	v14 =	vtrunc.f32 v16;
	v19 =	vmul.f32 v12, v63;
	[tilespmem:v17+s24+$0x0] =	vst.idx.add.f32.msk $0xffff, v3  }
0x310: {  	v13 =	vtrunc.f32 v15;
	v12 =	vtrunc.f32 v18;
	[tilespmem:v23+s24+$0x0] =	vst.idx.add.f32.msk $0xffff, v3  }
0x311: {  	s30 =	sadd.s32 $0x80, s30;
	v15 =	vcvt.f32.s32 v25;
	v16 =	vtrunc.f32 v19;
	[tilespmem:v24+s24+$0x0] =	vst.idx.add.f32.msk $0xffff, v3  }
0x312: {  	v16 =	vcvt.f32.s32 v16  }
0x313: {  	v10 =	vcvt.f32.s32 v10;
	v15 =	vand.u32 $0xFFFFFFF0, v15  }
0x314: {  	v11 =	vcvt.f32.s32 v11;
	v16 =	vand.u32 $0xFFFFFFF0, v16;
	v15 =	vor.u32 v0, v15  }
0x315: {  	v14 =	vcvt.f32.s32 v14;
	v10 =	vand.u32 $0xFFFFFFF0, v10;
	v16 =	vor.u32 v0, v16  }
0x316: {  	v13 =	vcvt.f32.s32 v13;
	v11 =	vand.u32 $0xFFFFFFF0, v11;
	v10 =	vor.u32 v0, v10  }
0x317: {  	v12 =	vcvt.f32.s32 v12;
	v14 =	vand.u32 $0xFFFFFFF0, v14;
	v11 =	vor.u32 v0, v11  }
0x318: {  	[tilespmem:v9+s24+$0x0] =	vst.idx.add.f32.msk $0xffff, v3;
	v9 =	vand.u32 $0xFFFFFFF0, v13;
	v13 =	vor.u32 v0, v14  }
0x319: {  	v12 =	vand.u32 $0xFFFFFFF0, v12;
	v9 =	vor.u32 v0, v9;
	[tilespmem:v15+s24+$0x0] =	vst.idx.add.f32.msk $0xffff, v3  }
0x31a: {  	v12 =	vor.u32 v0, v12;
	[tilespmem:v16+s24+$0x0] =	vst.idx.add.f32.msk $0xffff, v3  }
0x31b: {  	[tilespmem:v10+s24+$0x0] =	vst.idx.add.f32.msk $0xffff, v3  }
0x31c: {  	[tilespmem:v11+s24+$0x0] =	vst.idx.add.f32.msk $0xffff, v3  }
0x31d: {  	[tilespmem:v13+s24+$0x0] =	vst.idx.add.f32.msk $0xffff, v3  }
0x31e: {  	[tilespmem:v9+s24+$0x0] =	vst.idx.add.f32.msk $0xffff, v3  }
0x31f: {  	[tilespmem:v12+s24+$0x0] =	vst.idx.add.f32.msk $0xffff, v3  }
0x320: {  	[tilespmem:s22], [sflag:$0x2] =	stream.linear.gather [hbm4b:s17+s1], $0x8000, $0x38;
	[tilespmem:$0x10500] =	vst v63  }
0x321: {  	_ =	swait.ge [sflag:s23], $0x8000  }
0x322: {  	[sflag:s23] =	ssyncset.done $0x0  }
0x323: {  	s29 =	simm.s32 $0x40;
	[sflag:s23] =	ssyncadd.s32 $0xFFFF8000  }
0x324: {  	v9 =	vld [tilespmem:s29+$0x30]  }
0x325: {  	v10 =	vld [tilespmem:s29+$0xFFFFFFD0]  }
0x326: {  	v11 =	vld [tilespmem:s29+$0xFFFFFFE0]  }
0x327: {  	v12 =	vld [tilespmem:s29+$0xFFFFFFF0]  }
0x328: {  	v13 =	vld [tilespmem:s29+$0x0]  }
0x329: {  	v14 =	vld [tilespmem:s29+$0x10]  }
0x32a: {  	v9 =	vmul.f32 v9, v63  }
0x32b: {  	v15 =	vld [tilespmem:s29+$0x20];
	v10 =	vmul.f32 v10, v63  }
0x32c: {  	v16 =	vld [tilespmem:s29+$0xFFFFFFC0];
	v11 =	vmul.f32 v11, v63;
	v9 =	vtrunc.f32 v9  }
0x32d: {  	v12 =	vmul.f32 v12, v63;
	v9 =	vcvt.f32.s32 v9  }
0x32e: {  	v13 =	vmul.f32 v13, v63;
	v18 =	vmul.f32 v14, v63  }
0x32f: {  	v17 =	vtrunc.f32 v10;
	v10 =	vtrunc.f32 v11;
	v9 =	vand.u32 $0xFFFFFFF0, v9  }
0x330: {  	v11 =	vtrunc.f32 v12;
	v12 =	vmul.f32 v15, v63;
	v9 =	vor.u32 v0, v9  }
0x331: {  	v15 =	vmul.f32 v16, v63;
	v14 =	vtrunc.f32 v13  }
0x332: {  	v13 =	vtrunc.f32 v18;
	v12 =	vtrunc.f32 v12  }
0x333: {  	s30 =	simm.s32 $0xC0;
	s29 =	simm.s32 $0x0;
	v16 =	vtrunc.f32 v15;
	v15 =	vcvt.f32.s32 v17  }
.LBB2_28:
0x334: {  	v17 =	vld [tilespmem:s30+$0x30];
	v16 =	vcvt.f32.s32 v16;
	v10 =	vcvt.f32.s32 v10  }
0x335: {  	s29 =	sadd.s32 $0x8, s29;
	v11 =	vcvt.f32.s32 v11;
	v14 =	vcvt.f32.s32 v14;
	v15 =	vand.u32 $0xFFFFFFF0, v15;
	[tilespmem:v9+s24+$0x0] =	vst.idx.add.f32.msk $0xffff, v3  }
0x336: {  	v13 =	vcvt.f32.s32 v13;
	v12 =	vcvt.f32.s32 v12;
	p0 =	slt.u32 s29, $0x7F8;
	v9 =	vld [tilespmem:s30+$0xFFFFFFD0];
	v16 =	vand.u32 $0xFFFFFFF0, v16  }
0x337: {  	v10 =	vand.u32 $0xFFFFFFF0, v10;
	v11 =	vand.u32 $0xFFFFFFF0, v11;
	v14 =	vand.u32 $0xFFFFFFF0, v14;
	v18 =	vld [tilespmem:s30+$0xFFFFFFE0]  }
0x338: {  	v13 =	vand.u32 $0xFFFFFFF0, v13;
	v12 =	vand.u32 $0xFFFFFFF0, v12;
	v16 =	vor.u32 v0, v16;
	v19 =	vld [tilespmem:s30+$0xFFFFFFF0]  }
0x339: {  	v15 =	vor.u32 v0, v15;
	v21 =	vor.u32 v0, v10;
	v22 =	vor.u32 v0, v11;
	v20 =	vld [tilespmem:s30+$0x0]  }
0x33a: {  	v23 =	vor.u32 v0, v13;
	v10 =	vmul.f32 v17, v63;
	v17 =	vor.u32 v0, v14;
	v11 =	vld [tilespmem:s30+$0x10]  }
0x33b: {  	v24 =	vor.u32 v0, v12;
	v9 =	vmul.f32 v9, v63;
	v13 =	vld [tilespmem:s30+$0x20]  }
0x33c: {  	v10 =	vtrunc.f32 v10;
	v12 =	vld [tilespmem:s30+$0xFFFFFFC0];
	v14 =	vmul.f32 v18, v63  }
0x33d: {  	v18 =	vmul.f32 v19, v63;
	v19 =	vcvt.f32.s32 v10;
	[tilespmem:v16+s24+$0x0] =	vst.idx.add.f32.msk $0xffff, v3  }
0x33e: {  	v25 =	vtrunc.f32 v9;
	v16 =	vmul.f32 v20, v63;
	[tilespmem:v15+s24+$0x0] =	vst.idx.add.f32.msk $0xffff, v3  }
.Ltmp13:
0x33f: {  	v10 =	vtrunc.f32 v14;
	v15 =	vmul.f32 v11, v63;
	v9 =	vand.u32 $0xFFFFFFF0, v19;
	[tilespmem:v21+s24+$0x0] =	vst.idx.add.f32.msk $0xffff, v3;
	(pc) =	sbr.rel @p0 .LBB2_28-.Ltmp13, $4  }
0x340: {  	v11 =	vtrunc.f32 v18;
	v18 =	vmul.f32 v13, v63;
	v9 =	vor.u32 v0, v9;
	[tilespmem:v22+s24+$0x0] =	vst.idx.add.f32.msk $0xffff, v3  }
0x341: {  	v14 =	vtrunc.f32 v16;
	v19 =	vmul.f32 v12, v63;
	[tilespmem:v17+s24+$0x0] =	vst.idx.add.f32.msk $0xffff, v3  }
0x342: {  	v13 =	vtrunc.f32 v15;
	v12 =	vtrunc.f32 v18;
	[tilespmem:v23+s24+$0x0] =	vst.idx.add.f32.msk $0xffff, v3  }
0x343: {  	s30 =	sadd.s32 $0x80, s30;
	v15 =	vcvt.f32.s32 v25;
	v16 =	vtrunc.f32 v19;
	[tilespmem:v24+s24+$0x0] =	vst.idx.add.f32.msk $0xffff, v3  }
0x344: {  	v16 =	vcvt.f32.s32 v16  }
0x345: {  	v10 =	vcvt.f32.s32 v10;
	v15 =	vand.u32 $0xFFFFFFF0, v15  }
0x346: {  	v11 =	vcvt.f32.s32 v11;
	v16 =	vand.u32 $0xFFFFFFF0, v16;
	v15 =	vor.u32 v0, v15  }
0x347: {  	v14 =	vcvt.f32.s32 v14;
	v10 =	vand.u32 $0xFFFFFFF0, v10;
	v16 =	vor.u32 v0, v16  }
0x348: {  	v13 =	vcvt.f32.s32 v13;
	v11 =	vand.u32 $0xFFFFFFF0, v11;
	v10 =	vor.u32 v0, v10  }
0x349: {  	v12 =	vcvt.f32.s32 v12;
	v14 =	vand.u32 $0xFFFFFFF0, v14;
	v11 =	vor.u32 v0, v11  }
0x34a: {  	[tilespmem:v9+s24+$0x0] =	vst.idx.add.f32.msk $0xffff, v3;
	v9 =	vand.u32 $0xFFFFFFF0, v13;
	v13 =	vor.u32 v0, v14  }
0x34b: {  	v12 =	vand.u32 $0xFFFFFFF0, v12;
	v9 =	vor.u32 v0, v9;
	[tilespmem:v15+s24+$0x0] =	vst.idx.add.f32.msk $0xffff, v3  }
0x34c: {  	v12 =	vor.u32 v0, v12;
	[tilespmem:v16+s24+$0x0] =	vst.idx.add.f32.msk $0xffff, v3  }
0x34d: {  	[tilespmem:v10+s24+$0x0] =	vst.idx.add.f32.msk $0xffff, v3  }
0x34e: {  	[tilespmem:v11+s24+$0x0] =	vst.idx.add.f32.msk $0xffff, v3  }
0x34f: {  	[tilespmem:v13+s24+$0x0] =	vst.idx.add.f32.msk $0xffff, v3  }
0x350: {  	[tilespmem:v9+s24+$0x0] =	vst.idx.add.f32.msk $0xffff, v3  }
0x351: {  	[tilespmem:v12+s24+$0x0] =	vst.idx.add.f32.msk $0xffff, v3  }
0x352: {  	_ =	swait.ge [sflag:s25], $0x8000  }
0x353: {  	[sflag:s25] =	ssyncset.done $0x0  }
0x354: {  	s29 =	simm.s32 $0x8040;
	[sflag:s25] =	ssyncadd.s32 $0xFFFF8000  }
0x355: {  	v9 =	vld [tilespmem:s29+$0x30]  }
0x356: {  	v10 =	vld [tilespmem:s29+$0xFFFFFFD0]  }
0x357: {  	v11 =	vld [tilespmem:s29+$0xFFFFFFE0]  }
0x358: {  	v12 =	vld [tilespmem:s29+$0xFFFFFFF0]  }
0x359: {  	v13 =	vld [tilespmem:s29+$0x0]  }
0x35a: {  	v14 =	vld [tilespmem:s29+$0x10]  }
0x35b: {  	v9 =	vmul.f32 v9, v63  }
0x35c: {  	v15 =	vld [tilespmem:s29+$0x20];
	v10 =	vmul.f32 v10, v63  }
0x35d: {  	v16 =	vld [tilespmem:s29+$0xFFFFFFC0];
	v11 =	vmul.f32 v11, v63;
	v9 =	vtrunc.f32 v9  }
0x35e: {  	v12 =	vmul.f32 v12, v63;
	v9 =	vcvt.f32.s32 v9  }
0x35f: {  	v13 =	vmul.f32 v13, v63;
	v18 =	vmul.f32 v14, v63  }
0x360: {  	v17 =	vtrunc.f32 v10;
	v10 =	vtrunc.f32 v11;
	v9 =	vand.u32 $0xFFFFFFF0, v9  }
0x361: {  	v11 =	vtrunc.f32 v12;
	v12 =	vmul.f32 v15, v63;
	v9 =	vor.u32 v0, v9  }
0x362: {  	v15 =	vmul.f32 v16, v63;
	v14 =	vtrunc.f32 v13  }
0x363: {  	v13 =	vtrunc.f32 v18;
	v12 =	vtrunc.f32 v12  }
0x364: {  	s30 =	simm.s32 $0x80C0;
	s29 =	simm.s32 $0x0;
	v16 =	vtrunc.f32 v15;
	v15 =	vcvt.f32.s32 v17  }
.LBB2_30:
0x365: {  	v17 =	vld [tilespmem:s30+$0x30];
	v16 =	vcvt.f32.s32 v16;
	v10 =	vcvt.f32.s32 v10  }
0x366: {  	s29 =	sadd.s32 $0x8, s29;
	v11 =	vcvt.f32.s32 v11;
	v14 =	vcvt.f32.s32 v14;
	v15 =	vand.u32 $0xFFFFFFF0, v15;
	[tilespmem:v9+s24+$0x0] =	vst.idx.add.f32.msk $0xffff, v3  }
0x367: {  	v13 =	vcvt.f32.s32 v13;
	v12 =	vcvt.f32.s32 v12;
	p0 =	slt.u32 s29, $0x7F8;
	v9 =	vld [tilespmem:s30+$0xFFFFFFD0];
	v16 =	vand.u32 $0xFFFFFFF0, v16  }
0x368: {  	v10 =	vand.u32 $0xFFFFFFF0, v10;
	v11 =	vand.u32 $0xFFFFFFF0, v11;
	v14 =	vand.u32 $0xFFFFFFF0, v14;
	v18 =	vld [tilespmem:s30+$0xFFFFFFE0]  }
0x369: {  	v13 =	vand.u32 $0xFFFFFFF0, v13;
	v12 =	vand.u32 $0xFFFFFFF0, v12;
	v16 =	vor.u32 v0, v16;
	v19 =	vld [tilespmem:s30+$0xFFFFFFF0]  }
0x36a: {  	v15 =	vor.u32 v0, v15;
	v21 =	vor.u32 v0, v10;
	v22 =	vor.u32 v0, v11;
	v20 =	vld [tilespmem:s30+$0x0]  }
0x36b: {  	v23 =	vor.u32 v0, v13;
	v10 =	vmul.f32 v17, v63;
	v17 =	vor.u32 v0, v14;
	v11 =	vld [tilespmem:s30+$0x10]  }
0x36c: {  	v24 =	vor.u32 v0, v12;
	v9 =	vmul.f32 v9, v63;
	v13 =	vld [tilespmem:s30+$0x20]  }
0x36d: {  	v10 =	vtrunc.f32 v10;
	v12 =	vld [tilespmem:s30+$0xFFFFFFC0];
	v14 =	vmul.f32 v18, v63  }
0x36e: {  	v18 =	vmul.f32 v19, v63;
	v19 =	vcvt.f32.s32 v10;
	[tilespmem:v16+s24+$0x0] =	vst.idx.add.f32.msk $0xffff, v3  }
0x36f: {  	v25 =	vtrunc.f32 v9;
	v16 =	vmul.f32 v20, v63;
	[tilespmem:v15+s24+$0x0] =	vst.idx.add.f32.msk $0xffff, v3  }
.Ltmp14:
0x370: {  	v10 =	vtrunc.f32 v14;
	v15 =	vmul.f32 v11, v63;
	v9 =	vand.u32 $0xFFFFFFF0, v19;
	[tilespmem:v21+s24+$0x0] =	vst.idx.add.f32.msk $0xffff, v3;
	(pc) =	sbr.rel @p0 .LBB2_30-.Ltmp14, $4  }
0x371: {  	v11 =	vtrunc.f32 v18;
	v18 =	vmul.f32 v13, v63;
	v9 =	vor.u32 v0, v9;
	[tilespmem:v22+s24+$0x0] =	vst.idx.add.f32.msk $0xffff, v3  }
0x372: {  	v14 =	vtrunc.f32 v16;
	v19 =	vmul.f32 v12, v63;
	[tilespmem:v17+s24+$0x0] =	vst.idx.add.f32.msk $0xffff, v3  }
0x373: {  	v13 =	vtrunc.f32 v15;
	v12 =	vtrunc.f32 v18;
	[tilespmem:v23+s24+$0x0] =	vst.idx.add.f32.msk $0xffff, v3  }
0x374: {  	s30 =	sadd.s32 $0x80, s30;
	v15 =	vcvt.f32.s32 v25;
	v16 =	vtrunc.f32 v19;
	[tilespmem:v24+s24+$0x0] =	vst.idx.add.f32.msk $0xffff, v3  }
0x375: {  	v16 =	vcvt.f32.s32 v16  }
0x376: {  	v10 =	vcvt.f32.s32 v10;
	v15 =	vand.u32 $0xFFFFFFF0, v15  }
0x377: {  	v11 =	vcvt.f32.s32 v11;
	v16 =	vand.u32 $0xFFFFFFF0, v16;
	v15 =	vor.u32 v0, v15  }
0x378: {  	v14 =	vcvt.f32.s32 v14;
	v10 =	vand.u32 $0xFFFFFFF0, v10;
	v16 =	vor.u32 v0, v16  }
0x379: {  	v13 =	vcvt.f32.s32 v13;
	v11 =	vand.u32 $0xFFFFFFF0, v11;
	v10 =	vor.u32 v0, v10  }
0x37a: {  	v12 =	vcvt.f32.s32 v12;
	v14 =	vand.u32 $0xFFFFFFF0, v14;
	v11 =	vor.u32 v0, v11  }
0x37b: {  	[tilespmem:v9+s24+$0x0] =	vst.idx.add.f32.msk $0xffff, v3;
	v21 =	vand.u32 $0xFFFFFFF0, v13;
	v22 =	vor.u32 v0, v14  }
0x37c: {  	v12 =	vand.u32 $0xFFFFFFF0, v12;
	v9 =	vor.u32 v0, v21;
	[tilespmem:v15+s24+$0x0] =	vst.idx.add.f32.msk $0xffff, v3  }
0x37d: {  	v12 =	vor.u32 v0, v12;
	[tilespmem:v16+s24+$0x0] =	vst.idx.add.f32.msk $0xffff, v3  }
0x37e: {  	[tilespmem:v10+s24+$0x0] =	vst.idx.add.f32.msk $0xffff, v3  }
0x37f: {  	[tilespmem:v11+s24+$0x0] =	vst.idx.add.f32.msk $0xffff, v3  }
0x380: {  	[tilespmem:v22+s24+$0x0] =	vst.idx.add.f32.msk $0xffff, v3  }
0x381: {  	[tilespmem:v9+s24+$0x0] =	vst.idx.add.f32.msk $0xffff, v3  }
0x382: {  	[tilespmem:v12+s24+$0x0] =	vst.idx.add.f32.msk $0xffff, v3  }
0x383: {  	v9 =	vld.idx.msk [tilespmem:v1+s24+$0x0], $0xffff  }
0x384: {  	v10 =	vld [tilespmem:$0x1FEA0]  }
0x385: {  	v11 =	vld [tilespmem:$0x1FEB0]  }
0x386: {  	v12 =	vld [tilespmem:$0x1FEC0]  }
0x387: {  	v13 =	vld [tilespmem:$0x1FED0]  }
0x388: {  	v23 =	vld [tilespmem:$0x1FEE0]  }
0x389: {  	v15 =	vld [tilespmem:$0x1FEF0]  }
0x38a: {  	v16 =	vld [tilespmem:$0x1FF00]  }
0x38b: {  	v17 =	vld [tilespmem:$0x1FF10]  }
0x38c: {  	v18 =	vld [tilespmem:$0x1FF20]  }
0x38d: {  	v19 =	vld [tilespmem:$0x1FF30]  }
0x38e: {  	v20 =	vld [tilespmem:$0x1FF40]  }
0x38f: {  	v21 =	vld [tilespmem:$0x1FF50]  }
0x390: {  	v22 =	vld [tilespmem:$0x1FF60]  }
0x391: {  	v24 =	vld [tilespmem:$0x1FF80]  }
0x392: {  	v10 =	vld.idx.msk [tilespmem:v10+s24+$0x0], $0xffff  }
0x393: {  	v11 =	vld.idx.msk [tilespmem:v11+s24+$0x0], $0xffff  }
0x394: {  	v12 =	vld.idx.msk [tilespmem:v12+s24+$0x0], $0xffff  }
0x395: {  	v13 =	vld.idx.msk [tilespmem:v13+s24+$0x0], $0xffff  }
0x396: {  	v14 =	vld.idx.msk [tilespmem:v23+s24+$0x0], $0xffff  }
0x397: {  	v15 =	vld.idx.msk [tilespmem:v15+s24+$0x0], $0xffff  }
0x398: {  	v16 =	vld.idx.msk [tilespmem:v16+s24+$0x0], $0xffff  }
0x399: {  	v23 =	vld [tilespmem:$0x1FF70]  }
0x39a: {  	v17 =	vld.idx.msk [tilespmem:v17+s24+$0x0], $0xffff  }
0x39b: {  	v18 =	vld.idx.msk [tilespmem:v18+s24+$0x0], $0xffff  }
0x39c: {  	v19 =	vld.idx.msk [tilespmem:v19+s24+$0x0], $0xffff  }
0x39d: {  	v20 =	vld.idx.msk [tilespmem:v20+s24+$0x0], $0xffff  }
0x39e: {  	v21 =	vld.idx.msk [tilespmem:v21+s24+$0x0], $0xffff  }
0x39f: {  	v22 =	vld.idx.msk [tilespmem:v22+s24+$0x0], $0xffff  }
0x3a0: {  	v24 =	vld.idx.msk [tilespmem:v24+s24+$0x0], $0xffff  }
0x3a1: {  	v23 =	vld.idx.msk [tilespmem:v23+s24+$0x0], $0xffff;
	_ =	sdelay $0x1  }
0x3a2: {  	v9 =	vadd.f32 v10, v9;
	v10 =	vadd.f32 v12, v11  }
0x3a3: {  	v11 =	vadd.f32 v14, v13;
	v12 =	vadd.f32 v16, v15  }
0x3a4: {  	v13 =	vadd.f32 v18, v17;
	v63 =	vadd.f32 v20, v19  }
0x3a5: {  	v20 =	vadd.f32 v22, v21;
	v21 =	vadd.f32 v24, v23  }
0x3a6: {  	v9 =	vadd.f32 v10, v9;
	v22 =	vadd.f32 v12, v11  }
0x3a7: {  	v17 =	vld [tilespmem:$0x1FF90];
	v23 =	vadd.f32 v63, v13;
	v63 =	vadd.f32 v21, v20  }
0x3a8: {  	v18 =	vld [tilespmem:$0x1FFA0]  }
0x3a9: {  	v19 =	vld [tilespmem:$0x1FFB0];
	v9 =	vadd.f32 v22, v9;
	v16 =	vadd.f32 v63, v23  }
0x3aa: {  	v20 =	vld [tilespmem:$0x1FFC0]  }
0x3ab: {  	v21 =	vld [tilespmem:$0x1FFD0];
	v9 =	vadd.f32 v16, v9  }
0x3ac: {  	v22 =	vld [tilespmem:$0x1FFE0]  }
0x3ad: {  	v9 =	vadd.f32 v17, v9;
	_ =	sdelay $0x1  }
0x3ae: {  	v23 =	vld [tilespmem:$0x1FFF0];
	[tilespmem:$0x10480] =	vst v9  }
0x3af: {  	v9 =	vld.idx.msk [tilespmem:v18+s24+$0x0], $0xffff  }
0x3b0: {  	v10 =	vld.idx.msk [tilespmem:v19+s24+$0x0], $0xffff  }
0x3b1: {  	v11 =	vld.idx.msk [tilespmem:v20+s24+$0x0], $0xffff  }
0x3b2: {  	v12 =	vld.idx.msk [tilespmem:v21+s24+$0x0], $0xffff  }
0x3b3: {  	v13 =	vld.idx.msk [tilespmem:v22+s24+$0x0], $0xffff  }
0x3b4: {  	v15 =	vld.idx.msk [tilespmem:v26+s24+$0x0], $0xffff  }
0x3b5: {  	v16 =	vld.idx.msk [tilespmem:v27+s24+$0x0], $0xffff  }
0x3b6: {  	v17 =	vld.idx.msk [tilespmem:v28+s24+$0x0], $0xffff  }
0x3b7: {  	v18 =	vld.idx.msk [tilespmem:v29+s24+$0x0], $0xffff  }
0x3b8: {  	v19 =	vld.idx.msk [tilespmem:v30+s24+$0x0], $0xffff  }
0x3b9: {  	v21 =	vld.idx.msk [tilespmem:v32+s24+$0x0], $0xffff  }
0x3ba: {  	v22 =	vld.idx.msk [tilespmem:v33+s24+$0x0], $0xffff  }
0x3bb: {  	v63 =	vld.idx.msk [tilespmem:v34+s24+$0x0], $0xffff  }
0x3bc: {  	v24 =	vld.idx.msk [tilespmem:v35+s24+$0x0], $0xffff  }
0x3bd: {  	v14 =	vld.idx.msk [tilespmem:v23+s24+$0x0], $0xffff  }
0x3be: {  	v20 =	vld.idx.msk [tilespmem:v31+s24+$0x0], $0xffff;
	_ =	sdelay $0x1  }
0x3bf: {  	v9 =	vadd.f32 v10, v9;
	v10 =	vadd.f32 v12, v11  }
0x3c0: {  	v12 =	vadd.f32 v16, v15;
	v22 =	vadd.f32 v22, v21  }
0x3c1: {  	v63 =	vadd.f32 v24, v63;
	v11 =	vadd.f32 v14, v13  }
0x3c2: {  	v13 =	vadd.f32 v18, v17;
	v14 =	vadd.f32 v20, v19  }
0x3c3: {  	v9 =	vadd.f32 v10, v9;
	v22 =	vadd.f32 v63, v22  }
0x3c4: {  	v20 =	vadd.f32 v12, v11;
	v21 =	vadd.f32 v14, v13;
	_ =	sdelay $0x1  }
0x3c5: {  	v9 =	vadd.f32 v20, v9;
	v23 =	vadd.f32 v22, v21;
	_ =	sdelay $0x1  }
0x3c6: {  	v9 =	vadd.f32 v23, v9;
	_ =	sdelay $0x1  }
0x3c7: {  	[tilespmem:$0x10490] =	vst v9  }
0x3c8: {  	v9 =	vld.idx.msk [tilespmem:v36+s24+$0x0], $0xffff  }
0x3c9: {  	v10 =	vld.idx.msk [tilespmem:v37+s24+$0x0], $0xffff  }
0x3ca: {  	v11 =	vld.idx.msk [tilespmem:v38+s24+$0x0], $0xffff  }
0x3cb: {  	v12 =	vld.idx.msk [tilespmem:v39+s24+$0x0], $0xffff  }
0x3cc: {  	v13 =	vld.idx.msk [tilespmem:v40+s24+$0x0], $0xffff  }
0x3cd: {  	v14 =	vld.idx.msk [tilespmem:v41+s24+$0x0], $0xffff  }
0x3ce: {  	v15 =	vld.idx.msk [tilespmem:v42+s24+$0x0], $0xffff  }
0x3cf: {  	v16 =	vld.idx.msk [tilespmem:v43+s24+$0x0], $0xffff  }
0x3d0: {  	v17 =	vld.idx.msk [tilespmem:v44+s24+$0x0], $0xffff  }
0x3d1: {  	v18 =	vld.idx.msk [tilespmem:v45+s24+$0x0], $0xffff  }
0x3d2: {  	v19 =	vld.idx.msk [tilespmem:v46+s24+$0x0], $0xffff  }
0x3d3: {  	v20 =	vld.idx.msk [tilespmem:v47+s24+$0x0], $0xffff  }
0x3d4: {  	v21 =	vld.idx.msk [tilespmem:v48+s24+$0x0], $0xffff  }
0x3d5: {  	v22 =	vld.idx.msk [tilespmem:v49+s24+$0x0], $0xffff  }
0x3d6: {  	v63 =	vld.idx.msk [tilespmem:v50+s24+$0x0], $0xffff  }
0x3d7: {  	v24 =	vld.idx.msk [tilespmem:v51+s24+$0x0], $0xffff;
	_ =	sdelay $0x1  }
0x3d8: {  	v9 =	vadd.f32 v10, v9;
	v10 =	vadd.f32 v12, v11  }
0x3d9: {  	v11 =	vadd.f32 v14, v13;
	v12 =	vadd.f32 v16, v15  }
0x3da: {  	v13 =	vadd.f32 v18, v17;
	v20 =	vadd.f32 v20, v19  }
0x3db: {  	v22 =	vadd.f32 v22, v21;
	v63 =	vadd.f32 v24, v63  }
0x3dc: {  	v9 =	vadd.f32 v10, v9;
	v19 =	vadd.f32 v12, v11  }
0x3dd: {  	v20 =	vadd.f32 v20, v13;
	v21 =	vadd.f32 v63, v22;
	_ =	sdelay $0x1  }
0x3de: {  	v9 =	vadd.f32 v19, v9;
	v22 =	vadd.f32 v21, v20;
	_ =	sdelay $0x1  }
0x3df: {  	v9 =	vadd.f32 v22, v9;
	_ =	sdelay $0x1  }
0x3e0: {  	[tilespmem:$0x104A0] =	vst v9  }
0x3e1: {  	v9 =	vld.idx.msk [tilespmem:v52+s24+$0x0], $0xffff  }
0x3e2: {  	v10 =	vld.idx.msk [tilespmem:v53+s24+$0x0], $0xffff  }
0x3e3: {  	v11 =	vld.idx.msk [tilespmem:v54+s24+$0x0], $0xffff  }
0x3e4: {  	v23 =	vld.idx.msk [tilespmem:v55+s24+$0x0], $0xffff  }
0x3e5: {  	v13 =	vld.idx.msk [tilespmem:v56+s24+$0x0], $0xffff  }
0x3e6: {  	v63 =	vld.idx.msk [tilespmem:v57+s24+$0x0], $0xffff  }
0x3e7: {  	v15 =	vld.idx.msk [tilespmem:v58+s24+$0x0], $0xffff  }
0x3e8: {  	v16 =	vld.idx.msk [tilespmem:v59+s24+$0x0], $0xffff  }
0x3e9: {  	v17 =	vld.idx.msk [tilespmem:v60+s24+$0x0], $0xffff  }
0x3ea: {  	v21 =	vld.idx.msk [tilespmem:v61+s24+$0x0], $0xffff  }
0x3eb: {  	v22 =	vld.idx.msk [tilespmem:v62+s24+$0x0], $0xffff  }
0x3ec: {  	v4 =	vld.idx.msk [tilespmem:v4+s24+$0x0], $0xffff  }
0x3ed: {  	v5 =	vld.idx.msk [tilespmem:v5+s24+$0x0], $0xffff  }
0x3ee: {  	v6 =	vld.idx.msk [tilespmem:v6+s24+$0x0], $0xffff  }
0x3ef: {  	v7 =	vld.idx.msk [tilespmem:v7+s24+$0x0], $0xffff  }
0x3f0: {  	v8 =	vld.idx.msk [tilespmem:v8+s24+$0x0], $0xffff;
	_ =	sdelay $0x1  }
0x3f1: {  	v9 =	vadd.f32 v10, v9;
	v23 =	vadd.f32 v23, v11  }
0x3f2: {  	v63 =	vadd.f32 v63, v13;
	v16 =	vadd.f32 v16, v15  }
0x3f3: {  	v20 =	vadd.f32 v21, v17;
	v4 =	vadd.f32 v4, v22  }
0x3f4: {  	v5 =	vadd.f32 v6, v5;
	v21 =	vadd.f32 v8, v7  }
0x3f5: {  	v22 =	vadd.f32 v23, v9;
	v23 =	vadd.f32 v16, v63  }
0x3f6: {  	v4 =	vadd.f32 v4, v20;
	v5 =	vadd.f32 v21, v5;
	_ =	sdelay $0x1  }
0x3f7: {  	v63 =	vadd.f32 v23, v22;
	v4 =	vadd.f32 v5, v4;
	_ =	sdelay $0x1  }
0x3f8: {  	s28 =	sadd.s32 $0x1, s28;
	v4 =	vadd.f32 v4, v63  }
0x3f9: {  	p0 =	sne.s32 s28, s19  }
.Ltmp15:
0x3fa: {  	[tilespmem:$0x104B0] =	vst v4;
	(pc) =	sbr.rel @p0 .LBB2_1-.Ltmp15, $4  }
0x3fb: {  	[hbm4b:s18+s1] =	stream.linear.scatter [tilespmem:s26], [sflag:$0x3], $0x40, $0x38;
	[tilespmem:$0x10500] =	vst v63  }
0x3fc: {  	_ =	swait.ge [sflag:s21], $0x40  }
0x3fd: {  	[sflag:s21] =	ssyncset.done $0x0  }
0x3fe: {  	[sflag:s21] =	ssyncadd.s32 $0xFFFFFFC0  }
0x3ff: {  	_ =	sfence.sel $0x180000  }
0x400: {  	[bflag:$0x0] =	sbarrier.arrive $0xFFFF  }
0x401: {  	p0 =	sne.s32 s2, $0x0;
	_ =	strace $0x90000047  }
0x402: {  	s0 =	sadd.s32 @!p0 $0x100000, s0;
	[bflag:$0x2] =	sbarrier.arrive $0xFFFF  }
0x403: {  	[sflag:s0] =	ssyncadd.tile.s32 @!p0 $0x1;
	_ =	shalt  }
.Lfunc_end2:
_tile_overlayer_lowered:
.L_overlay_start_2:
0x404: {  	(tag) =	ssettag $0x2  }
0x405: {  	s0 =	rddreg [dreg:$0x0];
	s2 =	stileid.u32  }
0x406: {  	s1 =	rddreg [dreg:$0x1];
	p0 =	sne.s32 s2, $0x0  }
0x407: {  	s3 =	rddreg [dreg:$0x2];
	[bflag:$0x3] =	sbarrier.arrive $0xFFFF;
	s2 =	simm.s32 @!p0 $0x1C03  }
0x408: {  	[timem:s3], [sflag:s2] =	dma.local @!p0 [hbm:s0], s1  }
0x409: {  	s0 =	simm.s32 @!p0 $0x3  }
0x40a: {  	_ =	swait.ge @!p0 [sflag:s0], s1  }
0x40b: {  	s1 =	ssub.s32 @!p0 $0x0, s1;
	[sflag:s0] =	ssyncset.done @!p0 $0x0  }
0x40c: {  	[sflag:s0] =	ssyncadd.s32 @!p0 s1  }
0x40d: {  	[bflag:$0x3] =	sbarrier.arrive $0xFFFF  }
0x40e: {  	_ =	shalt  }

</sc_bundles>
